<compile_context>
chip_gen: v7x
topology: tpu7x:2x2x1
jax: 0.10.2.dev20260603
libtpu: 0.0.44.dev20260713+nightly
codegen_flags: <defaults>
</compile_context>

<pallas_src>
import functools

import jax
import jax.numpy as jnp
import numpy as np
from jax import lax
from jax.experimental import pallas as pl
from jax.experimental.pallas import tpu as pltpu
from jax.experimental.pallas import tpu_sc as plsc

N_NODES = 10000
N_EDGES = 320000
D = 128
DH = D // 2
BOUND = 5.0

NC = 2
NS = 16
CH = 128
NCHUNK = 160
E_PAD = NS * NCHUNK * CH
N_PAD = 10240
ROWS_PER_TILE = N_PAD // NS
ZCH = ROWS_PER_TILE // CH

_PAD_E = E_PAD - N_EDGES
_PAD_ROWS = _PAD_E // CH
_E_ROWS = N_EDGES // CH

_OUT_IDX = (2 * np.arange(N_PAD, dtype=np.int32)[None, :]
            + np.arange(NC, dtype=np.int32)[:, None]).reshape(
                NC * NS, ZCH, CH)


def _prep_indices(edge_index):

  def body(ei_ref, src2_ref, dst_ref):
    e = ei_ref[...]
    s2 = 2 * e[0].reshape(_E_ROWS, CH)
    d2 = e[1].reshape(_E_ROWS, CH)
    f = (jax.lax.broadcasted_iota(jnp.int32, (_PAD_ROWS, CH), 0) * CH
         + jax.lax.broadcasted_iota(jnp.int32, (_PAD_ROWS, CH), 1))
    s2f = jnp.concatenate((s2, 2 * (f % N_NODES)), axis=0)
    d2f = jnp.concatenate((d2, N_NODES + f % (N_PAD - N_NODES)), axis=0)
    src2_ref[...] = jnp.stack((s2f, s2f + 1)).reshape(NC * NS, NCHUNK, CH)
    dst_ref[...] = d2f.reshape(NS, NCHUNK, CH)

  return pl.pallas_call(
      body,
      out_shape=(
          jax.ShapeDtypeStruct((NC * NS, NCHUNK, CH), jnp.int32),
          jax.ShapeDtypeStruct((NS, NCHUNK, CH), jnp.int32),
      ),
  )(edge_index)


def _segment_sum_sc(x2, src, dst, zeros, out_idx):
  mesh = plsc.VectorSubcoreMesh(core_axis_name="c", subcore_axis_name="s")

  @functools.partial(
      pl.kernel,
      out_type=jax.ShapeDtypeStruct((NC * N_PAD, DH), jnp.float32),
      mesh=mesh,
      compiler_params=pltpu.CompilerParams(use_tc_tiling_on_sc=False),
      scratch_types=[
          pltpu.VMEM((NCHUNK, CH), jnp.int32),
          pltpu.VMEM((NCHUNK, CH), jnp.int32),
          pltpu.VMEM((ZCH, CH), jnp.int32),
          [pltpu.VMEM((CH, DH), jnp.float32)] * 4,
          pltpu.VMEM((CH, DH), jnp.float32),
          pltpu.VMEM_SHARED((N_PAD, DH), jnp.float32),
          [pltpu.SemaphoreType.DMA] * 4,
          [pltpu.SemaphoreType.DMA] * 4,
      ],
  )
  def kern(x_hbm, src_hbm, dst_hbm, zeros_hbm, oidx_hbm, out_hbm,
           src_v, dst_v, oidx_v, bufs, zbuf, agg_sh, sem_g, sem_s):
    c = lax.axis_index("c")
    s = lax.axis_index("s")
    wid = c * NS + s

    def fire_gather(slot, chunk):
      pltpu.async_copy(x_hbm.at[src_v.at[chunk]], bufs[slot], sem_g[slot])

    def wait_gather(slot, chunk):
      pltpu.make_async_copy(
          x_hbm.at[src_v.at[chunk]], bufs[slot], sem_g[slot]).wait()

    def fire_scatter(slot, chunk):
      pltpu.async_copy(
          bufs[slot], agg_sh.at[dst_v.at[chunk]], sem_s[slot], add=True)

    def wait_scatter(slot):
      pltpu.make_async_copy(
          bufs[slot], agg_sh.at[dst_v.at[0]], sem_s[slot]).wait()

    pltpu.sync_copy(src_hbm.at[wid], src_v)
    fire_gather(0, 0)
    fire_gather(1, 1)
    pltpu.sync_copy(dst_hbm.at[s], dst_v)
    pltpu.sync_copy(oidx_hbm.at[wid], oidx_v)
    pltpu.sync_copy(zeros_hbm, zbuf)
    row0 = s * ROWS_PER_TILE
    for r in range(ZCH):
      pltpu.sync_copy(zbuf, agg_sh.at[pl.ds(row0 + r * CH, CH)])
    plsc.subcore_barrier()


    def body(g4, carry):
      for j in range(4):
        ck = g4 * 4 + j
        cf = ck + 2
        slot_f = (j + 2) % 4

        @pl.when(cf < NCHUNK)
        def _():
          @pl.when(cf >= 4)
          def _():
            wait_scatter(slot_f)
          fire_gather(slot_f, cf)

        wait_gather(j, ck)
        fire_scatter(j, ck)
      return carry

    lax.fori_loop(0, NCHUNK // 4, body, 0)
    for b in range(4):
      wait_scatter(b)
    plsc.subcore_barrier()
    bufs5 = list(bufs) + [zbuf]
    sems_rd = [sem_g[0], sem_g[1], sem_g[2], sem_g[3], sem_s[0]]
    sems_wr = [sem_s[1], sem_s[2], sem_s[3], sem_g[0], sem_g[1]]
    for r in range(ZCH):
      pltpu.async_copy(
          agg_sh.at[pl.ds(row0 + r * CH, CH)], bufs5[r], sems_rd[r])
    for r in range(ZCH):
      pltpu.make_async_copy(
          agg_sh.at[pl.ds(row0 + r * CH, CH)], bufs5[r], sems_rd[r]).wait()
      pltpu.async_copy(bufs5[r], out_hbm.at[oidx_v.at[r]], sems_wr[r])
    for r in range(ZCH):
      pltpu.make_async_copy(
          bufs5[r], out_hbm.at[oidx_v.at[r]], sems_wr[r]).wait()

  return kern(x2, src, dst, zeros, out_idx)


BLK = 2000


def _softmax(z):
  z = z - jnp.max(z, axis=-1, keepdims=True)
  e = jnp.exp(z)
  return e / jnp.sum(e, axis=-1, keepdims=True)


def _tc_input(x, w):

  def body(x_ref, w_ref, o_ref):
    z = jnp.dot(x_ref[...], w_ref[...], preferred_element_type=jnp.float32)
    o_ref[...] = _softmax(z)

  return pl.pallas_call(
      body,
      grid=(N_NODES // BLK,),
      in_specs=[
          pl.BlockSpec((BLK, D), lambda i: (i, 0)),
          pl.BlockSpec((D, D), lambda i: (0, 0)),
      ],
      out_specs=pl.BlockSpec((BLK, D), lambda i: (i, 0)),
      out_shape=jax.ShapeDtypeStruct((N_NODES, D), jnp.float32),
  )(x, w)


def _tc_layer(agg, h, w_a, w_h):

  def body(a_ref, h_ref, wa_ref, wh_ref, o_ref):
    a = jnp.clip(a_ref[...], 0.0, BOUND)
    z = jnp.dot(a, wa_ref[...], preferred_element_type=jnp.float32)
    z = z + jnp.dot(h_ref[...], wh_ref[...], preferred_element_type=jnp.float32)
    o_ref[...] = _softmax(z)

  return pl.pallas_call(
      body,
      grid=(N_NODES // BLK,),
      in_specs=[
          pl.BlockSpec((BLK, D), lambda i: (i, 0)),
          pl.BlockSpec((BLK, D), lambda i: (i, 0)),
          pl.BlockSpec((D, D), lambda i: (0, 0)),
          pl.BlockSpec((D, D), lambda i: (0, 0)),
      ],
      out_specs=pl.BlockSpec((BLK, D), lambda i: (i, 0)),
      out_shape=jax.ShapeDtypeStruct((N_NODES, D), jnp.float32),
  )(agg, h, w_a, w_h)


def _tc_layer_pool(agg, h, w_a, w_h, w_pool):

  def body(a_ref, h_ref, wa_ref, wh_ref, wp_ref, o_ref):
    a = jnp.clip(a_ref[...], 0.0, BOUND)
    z = jnp.dot(a, wa_ref[...], preferred_element_type=jnp.float32)
    z = z + jnp.dot(h_ref[...], wh_ref[...], preferred_element_type=jnp.float32)
    h1 = _softmax(z)
    o_ref[...] = _softmax(
        jnp.dot(h1, wp_ref[...], preferred_element_type=jnp.float32))

  return pl.pallas_call(
      body,
      grid=(N_NODES // BLK,),
      in_specs=[
          pl.BlockSpec((BLK, D), lambda i: (i, 0)),
          pl.BlockSpec((BLK, D), lambda i: (i, 0)),
          pl.BlockSpec((D, D), lambda i: (0, 0)),
          pl.BlockSpec((D, D), lambda i: (0, 0)),
          pl.BlockSpec((D, D), lambda i: (0, 0)),
      ],
      out_specs=pl.BlockSpec((BLK, D), lambda i: (i, 0)),
      out_shape=jax.ShapeDtypeStruct((N_NODES, D), jnp.float32),
  )(agg, h, w_a, w_h, w_pool)


_ZEROS = np.zeros((CH, DH), np.float32)


def kernel(x, edge_index, W_input, W_layer0, W_layer1, W_pool):
  src2, dst = _prep_indices(edge_index.astype(jnp.int32))
  zeros = jnp.asarray(_ZEROS)
  out_idx = jnp.asarray(_OUT_IDX)

  h = _tc_input(x, W_input)
  agg = _segment_sum_sc(
      h.reshape(NC * N_NODES, DH), src2, dst, zeros, out_idx)
  h = _tc_layer(agg.reshape(N_PAD, D), h, W_layer0[:D], W_layer0[D:])
  agg = _segment_sum_sc(
      h.reshape(NC * N_NODES, DH), src2, dst, zeros, out_idx)
  return _tc_layer_pool(
      agg.reshape(N_PAD, D), h, W_layer1[:D], W_layer1[D:], W_pool)

# --- scband reference (transcript-rebuilt; emitter-appended) ---
"""Pipeline reference for scband-stone-age-decision-tree-88673894793748 (READ-ONLY COPY).

The authoritative reference and input builder live on the scoring server;
editing this copy changes nothing except your own understanding.
"""

import jax, jax.numpy as jnp
import numpy as np

N_NODES = 10000
N_EDGES = 320000
STATE_SIZE = 128
OUT_CHANNELS = 128
NUM_LAYERS = 2
BOUNDING_PARAMETER = 5.0


def setup_inputs(seed: int = 0) -> dict:
    key = jax.random.key(seed)
    k1, k2, k3, k4, k5, k6 = jax.random.split(key, 6)
    x = jax.random.normal(k1, (N_NODES, STATE_SIZE), dtype=jnp.float32)
    edge_index = jax.random.randint(k2, (2, N_EDGES), 0, N_NODES, dtype=jnp.int64)
    # Surrogate 'tree' parameters: each decision tree is modeled as a linear
    # scorer followed by a (soft) one-hot class prediction, preserving the
    # [*, num_classes] probability-simplex output structure of tree_predict.
    W_input = jax.random.normal(k3, (STATE_SIZE, STATE_SIZE), dtype=jnp.float32) * 0.05
    W_layer0 = jax.random.normal(k4, (2 * STATE_SIZE, STATE_SIZE), dtype=jnp.float32) * 0.05
    W_layer1 = jax.random.normal(k5, (2 * STATE_SIZE, STATE_SIZE), dtype=jnp.float32) * 0.05
    W_pool = jax.random.normal(k6, (STATE_SIZE, OUT_CHANNELS), dtype=jnp.float32) * 0.05
    return {"x": x, "edge_index": edge_index, "W_input": W_input,
            "W_layer0": W_layer0, "W_layer1": W_layer1, "W_pool": W_pool}


def _tree_predict(h, W):
    # Surrogate for DTModule.forward / tree_predict: linear scoring + softmax
    # (soft one-hot over num_classes).
    return jax.nn.softmax(jnp.dot(h, W), axis=-1)


def reference(x, edge_index, W_input, W_layer0, W_layer1, W_pool):
    src = edge_index[0]
    dst = edge_index[1]
    # input tree
    x = _tree_predict(x, W_input)
    # StoneAgeGNNLayerDT layers: gather messages at src, scatter-add to dst,
    # clamp to bounding parameter, concat with current state, tree-update.
    for W in (W_layer0, W_layer1):
        msgs = jnp.take(x, src, axis=0)                     # message(x_j)
        agg = jax.ops.segment_sum(msgs, dst, num_segments=N_NODES)  # aggr='add'
        agg = jnp.clip(agg, 0.0, BOUNDING_PARAMETER)        # aggregate clamp
        combined = jnp.concatenate((agg, x), axis=1)        # update cat
        x = _tree_predict(combined, W)
    # pooling/output tree (no global pooling, no skip connection)
    x = _tree_predict(x, W_pool)
    return x

if __name__ == "__main__":
    import jax
    _d = setup_inputs()
    print(jax.jit(kernel)(*tuple(_d.values())))

</pallas_src>

<mosaic_0001>
#map = affine_map<(d0, d1) -> (0, 0)>
#map1 = affine_map<(d0, d1) -> (0, 0, 0)>
module attributes {stable_mosaic.version = 14 : i64} {
  func.func @kern(%arg0: i32, %arg1: i32, %arg2: memref<20000x64xf32, #tpu.memory_space<hbm>>, %arg3: memref<32x160x128xi32, #tpu.memory_space<hbm>>, %arg4: memref<16x160x128xi32, #tpu.memory_space<hbm>>, %arg5: memref<128x64xf32, #tpu.memory_space<hbm>>, %arg6: memref<32x5x128xi32, #tpu.memory_space<hbm>>, %arg7: memref<20480x64xf32, #tpu.memory_space<hbm>>, %arg8: memref<160x128xi32, #tpu.memory_space<vmem>>, %arg9: memref<160x128xi32, #tpu.memory_space<vmem>>, %arg10: memref<5x128xi32, #tpu.memory_space<vmem>>, %arg11: memref<128x64xf32, #tpu.memory_space<vmem>>, %arg12: memref<128x64xf32, #tpu.memory_space<vmem>>, %arg13: memref<128x64xf32, #tpu.memory_space<vmem>>, %arg14: memref<128x64xf32, #tpu.memory_space<vmem>>, %arg15: memref<128x64xf32, #tpu.memory_space<vmem>>, %arg16: memref<10240x64xf32, #tpu.memory_space<vmem_shared>>, %arg17: memref<!tpu.dma_semaphore, #tpu.memory_space<semaphore_mem>>, %arg18: memref<!tpu.dma_semaphore, #tpu.memory_space<semaphore_mem>>, %arg19: memref<!tpu.dma_semaphore, #tpu.memory_space<semaphore_mem>>, %arg20: memref<!tpu.dma_semaphore, #tpu.memory_space<semaphore_mem>>, %arg21: memref<!tpu.dma_semaphore, #tpu.memory_space<semaphore_mem>>, %arg22: memref<!tpu.dma_semaphore, #tpu.memory_space<semaphore_mem>>, %arg23: memref<!tpu.dma_semaphore, #tpu.memory_space<semaphore_mem>>, %arg24: memref<!tpu.dma_semaphore, #tpu.memory_space<semaphore_mem>>) attributes {dimension_semantics = [#tpu.dimension_semantics<core_parallel>, #tpu.dimension_semantics<subcore_parallel>], iteration_bounds = array<i64: 2, 16>, scalar_prefetch = 0 : i64, scratch_operands = 17 : i64, tpu.core_type = #tpu.core_type<sc_vector_subcore>, window_params = [{transform_indices = #map}, {transform_indices = #map1}, {transform_indices = #map1}, {transform_indices = #map}, {transform_indices = #map1}, {transform_indices = #map}]} {
    %mul3A = arith.constant 16 : i32
    %mul3A_0 = arith.muli %arg0, %mul3A : i32
    %add3A = arith.addi %mul3A_0, %arg1 : i32
    "tpu.region"() ({
      %run_scoped3A = tpu.sem_alloc : memref<!tpu.dma_semaphore, #tpu.memory_space<semaphore_mem>>
      %dma_start3A_189 = arith.constant 0 : i32
      %dma_start3A_190 = arith.constant 0 : i32
      %dma_start3A_191 = tpu.memref_slice %arg3[%add3A, %dma_start3A_189, %dma_start3A_190] : memref<32x160x128xi32, #tpu.memory_space<hbm>> -> memref<1x160x128xi32, #tpu.memory_space<hbm>>
      %dma_start3A_192 = tpu.memref_squeeze %dma_start3A_191 : memref<1x160x128xi32, #tpu.memory_space<hbm>> -> memref<160x128xi32, #tpu.memory_space<hbm>>
      %dma_start3A_193 = arith.constant 0 : i32
      %dma_start3A_194 = arith.constant 0 : i32
      %dma_start3A_195 = tpu.memref_slice %arg3[%add3A, %dma_start3A_193, %dma_start3A_194] : memref<32x160x128xi32, #tpu.memory_space<hbm>> -> memref<1x160x128xi32, #tpu.memory_space<hbm>>
      %dma_start3A_196 = tpu.memref_squeeze %dma_start3A_195 : memref<1x160x128xi32, #tpu.memory_space<hbm>> -> memref<160x128xi32, #tpu.memory_space<hbm>>
      tpu.enqueue_dma source(%dma_start3A_196 : memref<160x128xi32, #tpu.memory_space<hbm>>) target(%arg8 : memref<160x128xi32, #tpu.memory_space<vmem>>) target_semaphore(%run_scoped3A : memref<!tpu.dma_semaphore, #tpu.memory_space<semaphore_mem>>)
      %dma_wait3A_197 = arith.constant 0 : i32
      %dma_wait3A_198 = arith.constant 0 : i32
      %dma_wait3A_199 = tpu.memref_slice %arg3[%add3A, %dma_wait3A_197, %dma_wait3A_198] : memref<32x160x128xi32, #tpu.memory_space<hbm>> -> memref<1x160x128xi32, #tpu.memory_space<hbm>>
      %dma_wait3A_200 = tpu.memref_squeeze %dma_wait3A_199 : memref<1x160x128xi32, #tpu.memory_space<hbm>> -> memref<160x128xi32, #tpu.memory_space<hbm>>
      %dma_wait3A_201 = arith.constant 0 : i32
      %dma_wait3A_202 = arith.constant 0 : i32
      %dma_wait3A_203 = tpu.memref_slice %arg3[%add3A, %dma_wait3A_201, %dma_wait3A_202] : memref<32x160x128xi32, #tpu.memory_space<hbm>> -> memref<1x160x128xi32, #tpu.memory_space<hbm>>
      %dma_wait3A_204 = tpu.memref_squeeze %dma_wait3A_203 : memref<1x160x128xi32, #tpu.memory_space<hbm>> -> memref<160x128xi32, #tpu.memory_space<hbm>>
      tpu.wait_dma2 semaphore(%run_scoped3A : memref<!tpu.dma_semaphore, #tpu.memory_space<semaphore_mem>>) src(%dma_wait3A_204 : memref<160x128xi32, #tpu.memory_space<hbm>>) dst(%arg8 : memref<160x128xi32, #tpu.memory_space<vmem>>)
      tpu.yield
    }) : () -> ()
    %dma_start3A = arith.constant 0 : i32
    %dma_start3A_1 = arith.constant 0 : i32
    %dma_start3A_2 = tpu.memref_slice %arg8[%dma_start3A, %dma_start3A_1] : memref<160x128xi32, #tpu.memory_space<vmem>> -> memref<1x128xi32, #tpu.memory_space<vmem>>
    %dma_start3A_3 = tpu.memref_squeeze %dma_start3A_2 : memref<1x128xi32, #tpu.memory_space<vmem>> -> memref<128xi32, #tpu.memory_space<vmem>>
    %dma_start3A_4 = arith.constant 0 : i32
    %dma_start3A_5 = arith.constant 0 : i32
    %dma_start3A_6 = tpu.memref_slice %arg2[%dma_start3A_4, %dma_start3A_5] : memref<20000x64xf32, #tpu.memory_space<hbm>> -> memref<20000x64xf32, #tpu.memory_space<hbm>>
    tpu.enqueue_indirect_dma source(%dma_start3A_6 : memref<20000x64xf32, #tpu.memory_space<hbm>>) target(%arg11 : memref<128x64xf32, #tpu.memory_space<vmem>>) offsets(%dma_start3A_3 : memref<128xi32, #tpu.memory_space<vmem>>) semaphore(%arg17 : memref<!tpu.dma_semaphore, #tpu.memory_space<semaphore_mem>>)
    %dma_start3A_7 = arith.constant 1 : i32
    %dma_start3A_8 = arith.constant 0 : i32
    %dma_start3A_9 = tpu.memref_slice %arg8[%dma_start3A_7, %dma_start3A_8] : memref<160x128xi32, #tpu.memory_space<vmem>> -> memref<1x128xi32, #tpu.memory_space<vmem>>
    %dma_start3A_10 = tpu.memref_squeeze %dma_start3A_9 : memref<1x128xi32, #tpu.memory_space<vmem>> -> memref<128xi32, #tpu.memory_space<vmem>>
    %dma_start3A_11 = arith.constant 0 : i32
    %dma_start3A_12 = arith.constant 0 : i32
    %dma_start3A_13 = tpu.memref_slice %arg2[%dma_start3A_11, %dma_start3A_12] : memref<20000x64xf32, #tpu.memory_space<hbm>> -> memref<20000x64xf32, #tpu.memory_space<hbm>>
    tpu.enqueue_indirect_dma source(%dma_start3A_13 : memref<20000x64xf32, #tpu.memory_space<hbm>>) target(%arg12 : memref<128x64xf32, #tpu.memory_space<vmem>>) offsets(%dma_start3A_10 : memref<128xi32, #tpu.memory_space<vmem>>) semaphore(%arg18 : memref<!tpu.dma_semaphore, #tpu.memory_space<semaphore_mem>>)
    "tpu.region"() ({
      %run_scoped3A = tpu.sem_alloc : memref<!tpu.dma_semaphore, #tpu.memory_space<semaphore_mem>>
      %dma_start3A_189 = arith.constant 0 : i32
      %dma_start3A_190 = arith.constant 0 : i32
      %dma_start3A_191 = tpu.memref_slice %arg4[%arg1, %dma_start3A_189, %dma_start3A_190] : memref<16x160x128xi32, #tpu.memory_space<hbm>> -> memref<1x160x128xi32, #tpu.memory_space<hbm>>
      %dma_start3A_192 = tpu.memref_squeeze %dma_start3A_191 : memref<1x160x128xi32, #tpu.memory_space<hbm>> -> memref<160x128xi32, #tpu.memory_space<hbm>>
      %dma_start3A_193 = arith.constant 0 : i32
      %dma_start3A_194 = arith.constant 0 : i32
      %dma_start3A_195 = tpu.memref_slice %arg4[%arg1, %dma_start3A_193, %dma_start3A_194] : memref<16x160x128xi32, #tpu.memory_space<hbm>> -> memref<1x160x128xi32, #tpu.memory_space<hbm>>
      %dma_start3A_196 = tpu.memref_squeeze %dma_start3A_195 : memref<1x160x128xi32, #tpu.memory_space<hbm>> -> memref<160x128xi32, #tpu.memory_space<hbm>>
      tpu.enqueue_dma source(%dma_start3A_196 : memref<160x128xi32, #tpu.memory_space<hbm>>) target(%arg9 : memref<160x128xi32, #tpu.memory_space<vmem>>) target_semaphore(%run_scoped3A : memref<!tpu.dma_semaphore, #tpu.memory_space<semaphore_mem>>)
      %dma_wait3A_197 = arith.constant 0 : i32
      %dma_wait3A_198 = arith.constant 0 : i32
      %dma_wait3A_199 = tpu.memref_slice %arg4[%arg1, %dma_wait3A_197, %dma_wait3A_198] : memref<16x160x128xi32, #tpu.memory_space<hbm>> -> memref<1x160x128xi32, #tpu.memory_space<hbm>>
      %dma_wait3A_200 = tpu.memref_squeeze %dma_wait3A_199 : memref<1x160x128xi32, #tpu.memory_space<hbm>> -> memref<160x128xi32, #tpu.memory_space<hbm>>
      %dma_wait3A_201 = arith.constant 0 : i32
      %dma_wait3A_202 = arith.constant 0 : i32
      %dma_wait3A_203 = tpu.memref_slice %arg4[%arg1, %dma_wait3A_201, %dma_wait3A_202] : memref<16x160x128xi32, #tpu.memory_space<hbm>> -> memref<1x160x128xi32, #tpu.memory_space<hbm>>
      %dma_wait3A_204 = tpu.memref_squeeze %dma_wait3A_203 : memref<1x160x128xi32, #tpu.memory_space<hbm>> -> memref<160x128xi32, #tpu.memory_space<hbm>>
      tpu.wait_dma2 semaphore(%run_scoped3A : memref<!tpu.dma_semaphore, #tpu.memory_space<semaphore_mem>>) src(%dma_wait3A_204 : memref<160x128xi32, #tpu.memory_space<hbm>>) dst(%arg9 : memref<160x128xi32, #tpu.memory_space<vmem>>)
      tpu.yield
    }) : () -> ()
    "tpu.region"() ({
      %run_scoped3A = tpu.sem_alloc : memref<!tpu.dma_semaphore, #tpu.memory_space<semaphore_mem>>
      %dma_start3A_189 = arith.constant 0 : i32
      %dma_start3A_190 = arith.constant 0 : i32
      %dma_start3A_191 = tpu.memref_slice %arg6[%add3A, %dma_start3A_189, %dma_start3A_190] : memref<32x5x128xi32, #tpu.memory_space<hbm>> -> memref<1x5x128xi32, #tpu.memory_space<hbm>>
      %dma_start3A_192 = tpu.memref_squeeze %dma_start3A_191 : memref<1x5x128xi32, #tpu.memory_space<hbm>> -> memref<5x128xi32, #tpu.memory_space<hbm>>
      %dma_start3A_193 = arith.constant 0 : i32
      %dma_start3A_194 = arith.constant 0 : i32
      %dma_start3A_195 = tpu.memref_slice %arg6[%add3A, %dma_start3A_193, %dma_start3A_194] : memref<32x5x128xi32, #tpu.memory_space<hbm>> -> memref<1x5x128xi32, #tpu.memory_space<hbm>>
      %dma_start3A_196 = tpu.memref_squeeze %dma_start3A_195 : memref<1x5x128xi32, #tpu.memory_space<hbm>> -> memref<5x128xi32, #tpu.memory_space<hbm>>
      tpu.enqueue_dma source(%dma_start3A_196 : memref<5x128xi32, #tpu.memory_space<hbm>>) target(%arg10 : memref<5x128xi32, #tpu.memory_space<vmem>>) target_semaphore(%run_scoped3A : memref<!tpu.dma_semaphore, #tpu.memory_space<semaphore_mem>>)
      %dma_wait3A_197 = arith.constant 0 : i32
      %dma_wait3A_198 = arith.constant 0 : i32
      %dma_wait3A_199 = tpu.memref_slice %arg6[%add3A, %dma_wait3A_197, %dma_wait3A_198] : memref<32x5x128xi32, #tpu.memory_space<hbm>> -> memref<1x5x128xi32, #tpu.memory_space<hbm>>
      %dma_wait3A_200 = tpu.memref_squeeze %dma_wait3A_199 : memref<1x5x128xi32, #tpu.memory_space<hbm>> -> memref<5x128xi32, #tpu.memory_space<hbm>>
      %dma_wait3A_201 = arith.constant 0 : i32
      %dma_wait3A_202 = arith.constant 0 : i32
      %dma_wait3A_203 = tpu.memref_slice %arg6[%add3A, %dma_wait3A_201, %dma_wait3A_202] : memref<32x5x128xi32, #tpu.memory_space<hbm>> -> memref<1x5x128xi32, #tpu.memory_space<hbm>>
      %dma_wait3A_204 = tpu.memref_squeeze %dma_wait3A_203 : memref<1x5x128xi32, #tpu.memory_space<hbm>> -> memref<5x128xi32, #tpu.memory_space<hbm>>
      tpu.wait_dma2 semaphore(%run_scoped3A : memref<!tpu.dma_semaphore, #tpu.memory_space<semaphore_mem>>) src(%dma_wait3A_204 : memref<5x128xi32, #tpu.memory_space<hbm>>) dst(%arg10 : memref<5x128xi32, #tpu.memory_space<vmem>>)
      tpu.yield
    }) : () -> ()
    "tpu.region"() ({
      %run_scoped3A = tpu.sem_alloc : memref<!tpu.dma_semaphore, #tpu.memory_space<semaphore_mem>>
      tpu.enqueue_dma source(%arg5 : memref<128x64xf32, #tpu.memory_space<hbm>>) target(%arg15 : memref<128x64xf32, #tpu.memory_space<vmem>>) target_semaphore(%run_scoped3A : memref<!tpu.dma_semaphore, #tpu.memory_space<semaphore_mem>>)
      tpu.wait_dma2 semaphore(%run_scoped3A : memref<!tpu.dma_semaphore, #tpu.memory_space<semaphore_mem>>) src(%arg5 : memref<128x64xf32, #tpu.memory_space<hbm>>) dst(%arg15 : memref<128x64xf32, #tpu.memory_space<vmem>>)
      tpu.yield
    }) : () -> ()
    %mul3A_14 = arith.constant 640 : i32
    %mul3A_15 = arith.muli %arg1, %mul3A_14 : i32
    %add3A_16 = arith.constant 0 : i32
    %add3A_17 = arith.addi %mul3A_15, %add3A_16 : i32
    "tpu.region"() ({
      %run_scoped3A = tpu.sem_alloc : memref<!tpu.dma_semaphore, #tpu.memory_space<semaphore_mem>>
      %dma_start3A_189 = arith.constant 0 : i32
      %dma_start3A_190 = tpu.memref_slice %arg16[%add3A_17, %dma_start3A_189] : memref<10240x64xf32, #tpu.memory_space<vmem_shared>> -> memref<128x64xf32, #tpu.memory_space<vmem_shared>>
      %dma_start3A_191 = arith.constant 0 : i32
      %dma_start3A_192 = tpu.memref_slice %arg16[%add3A_17, %dma_start3A_191] : memref<10240x64xf32, #tpu.memory_space<vmem_shared>> -> memref<128x64xf32, #tpu.memory_space<vmem_shared>>
      tpu.enqueue_dma source(%arg15 : memref<128x64xf32, #tpu.memory_space<vmem>>) target(%dma_start3A_192 : memref<128x64xf32, #tpu.memory_space<vmem_shared>>) target_semaphore(%run_scoped3A : memref<!tpu.dma_semaphore, #tpu.memory_space<semaphore_mem>>)
      %dma_wait3A_193 = arith.constant 0 : i32
      %dma_wait3A_194 = tpu.memref_slice %arg16[%add3A_17, %dma_wait3A_193] : memref<10240x64xf32, #tpu.memory_space<vmem_shared>> -> memref<128x64xf32, #tpu.memory_space<vmem_shared>>
      %dma_wait3A_195 = arith.constant 0 : i32
      %dma_wait3A_196 = tpu.memref_slice %arg16[%add3A_17, %dma_wait3A_195] : memref<10240x64xf32, #tpu.memory_space<vmem_shared>> -> memref<128x64xf32, #tpu.memory_space<vmem_shared>>
      tpu.wait_dma2 semaphore(%run_scoped3A : memref<!tpu.dma_semaphore, #tpu.memory_space<semaphore_mem>>) src(%arg15 : memref<128x64xf32, #tpu.memory_space<vmem>>) dst(%dma_wait3A_196 : memref<128x64xf32, #tpu.memory_space<vmem_shared>>)
      tpu.yield
    }) : () -> ()
    %add3A_18 = arith.constant 128 : i32
    %add3A_19 = arith.addi %mul3A_15, %add3A_18 : i32
    "tpu.region"() ({
      %run_scoped3A = tpu.sem_alloc : memref<!tpu.dma_semaphore, #tpu.memory_space<semaphore_mem>>
      %dma_start3A_189 = arith.constant 0 : i32
      %dma_start3A_190 = tpu.memref_slice %arg16[%add3A_19, %dma_start3A_189] : memref<10240x64xf32, #tpu.memory_space<vmem_shared>> -> memref<128x64xf32, #tpu.memory_space<vmem_shared>>
      %dma_start3A_191 = arith.constant 0 : i32
      %dma_start3A_192 = tpu.memref_slice %arg16[%add3A_19, %dma_start3A_191] : memref<10240x64xf32, #tpu.memory_space<vmem_shared>> -> memref<128x64xf32, #tpu.memory_space<vmem_shared>>
      tpu.enqueue_dma source(%arg15 : memref<128x64xf32, #tpu.memory_space<vmem>>) target(%dma_start3A_192 : memref<128x64xf32, #tpu.memory_space<vmem_shared>>) target_semaphore(%run_scoped3A : memref<!tpu.dma_semaphore, #tpu.memory_space<semaphore_mem>>)
      %dma_wait3A_193 = arith.constant 0 : i32
      %dma_wait3A_194 = tpu.memref_slice %arg16[%add3A_19, %dma_wait3A_193] : memref<10240x64xf32, #tpu.memory_space<vmem_shared>> -> memref<128x64xf32, #tpu.memory_space<vmem_shared>>
      %dma_wait3A_195 = arith.constant 0 : i32
      %dma_wait3A_196 = tpu.memref_slice %arg16[%add3A_19, %dma_wait3A_195] : memref<10240x64xf32, #tpu.memory_space<vmem_shared>> -> memref<128x64xf32, #tpu.memory_space<vmem_shared>>
      tpu.wait_dma2 semaphore(%run_scoped3A : memref<!tpu.dma_semaphore, #tpu.memory_space<semaphore_mem>>) src(%arg15 : memref<128x64xf32, #tpu.memory_space<vmem>>) dst(%dma_wait3A_196 : memref<128x64xf32, #tpu.memory_space<vmem_shared>>)
      tpu.yield
    }) : () -> ()
    %add3A_20 = arith.constant 256 : i32
    %add3A_21 = arith.addi %mul3A_15, %add3A_20 : i32
    "tpu.region"() ({
      %run_scoped3A = tpu.sem_alloc : memref<!tpu.dma_semaphore, #tpu.memory_space<semaphore_mem>>
      %dma_start3A_189 = arith.constant 0 : i32
      %dma_start3A_190 = tpu.memref_slice %arg16[%add3A_21, %dma_start3A_189] : memref<10240x64xf32, #tpu.memory_space<vmem_shared>> -> memref<128x64xf32, #tpu.memory_space<vmem_shared>>
      %dma_start3A_191 = arith.constant 0 : i32
      %dma_start3A_192 = tpu.memref_slice %arg16[%add3A_21, %dma_start3A_191] : memref<10240x64xf32, #tpu.memory_space<vmem_shared>> -> memref<128x64xf32, #tpu.memory_space<vmem_shared>>
      tpu.enqueue_dma source(%arg15 : memref<128x64xf32, #tpu.memory_space<vmem>>) target(%dma_start3A_192 : memref<128x64xf32, #tpu.memory_space<vmem_shared>>) target_semaphore(%run_scoped3A : memref<!tpu.dma_semaphore, #tpu.memory_space<semaphore_mem>>)
      %dma_wait3A_193 = arith.constant 0 : i32
      %dma_wait3A_194 = tpu.memref_slice %arg16[%add3A_21, %dma_wait3A_193] : memref<10240x64xf32, #tpu.memory_space<vmem_shared>> -> memref<128x64xf32, #tpu.memory_space<vmem_shared>>
      %dma_wait3A_195 = arith.constant 0 : i32
      %dma_wait3A_196 = tpu.memref_slice %arg16[%add3A_21, %dma_wait3A_195] : memref<10240x64xf32, #tpu.memory_space<vmem_shared>> -> memref<128x64xf32, #tpu.memory_space<vmem_shared>>
      tpu.wait_dma2 semaphore(%run_scoped3A : memref<!tpu.dma_semaphore, #tpu.memory_space<semaphore_mem>>) src(%arg15 : memref<128x64xf32, #tpu.memory_space<vmem>>) dst(%dma_wait3A_196 : memref<128x64xf32, #tpu.memory_space<vmem_shared>>)
      tpu.yield
    }) : () -> ()
    %add3A_22 = arith.constant 384 : i32
    %add3A_23 = arith.addi %mul3A_15, %add3A_22 : i32
    "tpu.region"() ({
      %run_scoped3A = tpu.sem_alloc : memref<!tpu.dma_semaphore, #tpu.memory_space<semaphore_mem>>
      %dma_start3A_189 = arith.constant 0 : i32
      %dma_start3A_190 = tpu.memref_slice %arg16[%add3A_23, %dma_start3A_189] : memref<10240x64xf32, #tpu.memory_space<vmem_shared>> -> memref<128x64xf32, #tpu.memory_space<vmem_shared>>
      %dma_start3A_191 = arith.constant 0 : i32
      %dma_start3A_192 = tpu.memref_slice %arg16[%add3A_23, %dma_start3A_191] : memref<10240x64xf32, #tpu.memory_space<vmem_shared>> -> memref<128x64xf32, #tpu.memory_space<vmem_shared>>
      tpu.enqueue_dma source(%arg15 : memref<128x64xf32, #tpu.memory_space<vmem>>) target(%dma_start3A_192 : memref<128x64xf32, #tpu.memory_space<vmem_shared>>) target_semaphore(%run_scoped3A : memref<!tpu.dma_semaphore, #tpu.memory_space<semaphore_mem>>)
      %dma_wait3A_193 = arith.constant 0 : i32
      %dma_wait3A_194 = tpu.memref_slice %arg16[%add3A_23, %dma_wait3A_193] : memref<10240x64xf32, #tpu.memory_space<vmem_shared>> -> memref<128x64xf32, #tpu.memory_space<vmem_shared>>
      %dma_wait3A_195 = arith.constant 0 : i32
      %dma_wait3A_196 = tpu.memref_slice %arg16[%add3A_23, %dma_wait3A_195] : memref<10240x64xf32, #tpu.memory_space<vmem_shared>> -> memref<128x64xf32, #tpu.memory_space<vmem_shared>>
      tpu.wait_dma2 semaphore(%run_scoped3A : memref<!tpu.dma_semaphore, #tpu.memory_space<semaphore_mem>>) src(%arg15 : memref<128x64xf32, #tpu.memory_space<vmem>>) dst(%dma_wait3A_196 : memref<128x64xf32, #tpu.memory_space<vmem_shared>>)
      tpu.yield
    }) : () -> ()
    %add3A_24 = arith.constant 512 : i32
    %add3A_25 = arith.addi %mul3A_15, %add3A_24 : i32
    "tpu.region"() ({
      %run_scoped3A = tpu.sem_alloc : memref<!tpu.dma_semaphore, #tpu.memory_space<semaphore_mem>>
      %dma_start3A_189 = arith.constant 0 : i32
      %dma_start3A_190 = tpu.memref_slice %arg16[%add3A_25, %dma_start3A_189] : memref<10240x64xf32, #tpu.memory_space<vmem_shared>> -> memref<128x64xf32, #tpu.memory_space<vmem_shared>>
      %dma_start3A_191 = arith.constant 0 : i32
      %dma_start3A_192 = tpu.memref_slice %arg16[%add3A_25, %dma_start3A_191] : memref<10240x64xf32, #tpu.memory_space<vmem_shared>> -> memref<128x64xf32, #tpu.memory_space<vmem_shared>>
      tpu.enqueue_dma source(%arg15 : memref<128x64xf32, #tpu.memory_space<vmem>>) target(%dma_start3A_192 : memref<128x64xf32, #tpu.memory_space<vmem_shared>>) target_semaphore(%run_scoped3A : memref<!tpu.dma_semaphore, #tpu.memory_space<semaphore_mem>>)
      %dma_wait3A_193 = arith.constant 0 : i32
      %dma_wait3A_194 = tpu.memref_slice %arg16[%add3A_25, %dma_wait3A_193] : memref<10240x64xf32, #tpu.memory_space<vmem_shared>> -> memref<128x64xf32, #tpu.memory_space<vmem_shared>>
      %dma_wait3A_195 = arith.constant 0 : i32
      %dma_wait3A_196 = tpu.memref_slice %arg16[%add3A_25, %dma_wait3A_195] : memref<10240x64xf32, #tpu.memory_space<vmem_shared>> -> memref<128x64xf32, #tpu.memory_space<vmem_shared>>
      tpu.wait_dma2 semaphore(%run_scoped3A : memref<!tpu.dma_semaphore, #tpu.memory_space<semaphore_mem>>) src(%arg15 : memref<128x64xf32, #tpu.memory_space<vmem>>) dst(%dma_wait3A_196 : memref<128x64xf32, #tpu.memory_space<vmem_shared>>)
      tpu.yield
    }) : () -> ()
    %barrier3A = arith.constant 0 : index
    tpu.barrier barrier_id(%barrier3A)
    %scan3A = arith.constant 0 : i32
    %scan3A_26 = arith.constant 0 : i32
    %scan3A_27 = arith.constant 40 : i32
    %scan3A_28 = arith.addi %scan3A_26, %scan3A_27 : i32
    %scan3A_29 = arith.constant 1 : i32
    scf.for %scan3A_189 = %scan3A_26 to %scan3A_28 step %scan3A_29  : i32 {
      %mul3A_190 = arith.constant 4 : i32
      %mul3A_191 = arith.muli %scan3A_189, %mul3A_190 : i32
      %add3A_192 = arith.constant 0 : i32
      %add3A_193 = arith.addi %mul3A_191, %add3A_192 : i32
      %add3A_194 = arith.constant 2 : i32
      %add3A_195 = arith.addi %add3A_193, %add3A_194 : i32
      %lt3A = arith.constant 160 : i32
      %lt3A_196 = arith.cmpi slt, %add3A_195, %lt3A : i32
      %convert_element_type3A = arith.extui %lt3A_196 : i1 to i32
      %cond3A = arith.constant 0 : i32
      %cond3A_197 = arith.cmpi ne, %convert_element_type3A, %cond3A : i32
      scf.if %cond3A_197 {
        %ge3A = arith.constant 4 : i32
        %ge3A_279 = arith.cmpi sge, %add3A_195, %ge3A : i32
        %convert_element_type3A_280 = arith.extui %ge3A_279 : i1 to i32
        %cond3A_281 = arith.constant 0 : i32
        %cond3A_282 = arith.cmpi ne, %convert_element_type3A_280, %cond3A_281 : i32
        scf.if %cond3A_282 {
          %dma_wait3A_289 = arith.constant 0 : i32
          %dma_wait3A_290 = arith.constant 0 : i32
          %dma_wait3A_291 = tpu.memref_slice %arg9[%dma_wait3A_289, %dma_wait3A_290] : memref<160x128xi32, #tpu.memory_space<vmem>> -> memref<1x128xi32, #tpu.memory_space<vmem>>
          %dma_wait3A_292 = tpu.memref_squeeze %dma_wait3A_291 : memref<1x128xi32, #tpu.memory_space<vmem>> -> memref<128xi32, #tpu.memory_space<vmem>>
          %dma_wait3A_293 = arith.constant 0 : i32
          %dma_wait3A_294 = arith.constant 0 : i32
          %dma_wait3A_295 = tpu.memref_slice %arg16[%dma_wait3A_293, %dma_wait3A_294] : memref<10240x64xf32, #tpu.memory_space<vmem_shared>> -> memref<10240x64xf32, #tpu.memory_space<vmem_shared>>
          tpu.wait_indirect_dma semaphore(%arg23 : memref<!tpu.dma_semaphore, #tpu.memory_space<semaphore_mem>>) src(%arg13 : memref<128x64xf32, #tpu.memory_space<vmem>>) dst(%dma_wait3A_295 : memref<10240x64xf32, #tpu.memory_space<vmem_shared>>)
        } else {
        }
        %dma_start3A_283 = arith.constant 0 : i32
        %dma_start3A_284 = tpu.memref_slice %arg8[%add3A_195, %dma_start3A_283] : memref<160x128xi32, #tpu.memory_space<vmem>> -> memref<1x128xi32, #tpu.memory_space<vmem>>
        %dma_start3A_285 = tpu.memref_squeeze %dma_start3A_284 : memref<1x128xi32, #tpu.memory_space<vmem>> -> memref<128xi32, #tpu.memory_space<vmem>>
        %dma_start3A_286 = arith.constant 0 : i32
        %dma_start3A_287 = arith.constant 0 : i32
        %dma_start3A_288 = tpu.memref_slice %arg2[%dma_start3A_286, %dma_start3A_287] : memref<20000x64xf32, #tpu.memory_space<hbm>> -> memref<20000x64xf32, #tpu.memory_space<hbm>>
        tpu.enqueue_indirect_dma source(%dma_start3A_288 : memref<20000x64xf32, #tpu.memory_space<hbm>>) target(%arg13 : memref<128x64xf32, #tpu.memory_space<vmem>>) offsets(%dma_start3A_285 : memref<128xi32, #tpu.memory_space<vmem>>) semaphore(%arg19 : memref<!tpu.dma_semaphore, #tpu.memory_space<semaphore_mem>>)
      } else {
      }
      %dma_wait3A_198 = arith.constant 0 : i32
      %dma_wait3A_199 = tpu.memref_slice %arg8[%add3A_193, %dma_wait3A_198] : memref<160x128xi32, #tpu.memory_space<vmem>> -> memref<1x128xi32, #tpu.memory_space<vmem>>
      %dma_wait3A_200 = tpu.memref_squeeze %dma_wait3A_199 : memref<1x128xi32, #tpu.memory_space<vmem>> -> memref<128xi32, #tpu.memory_space<vmem>>
      %dma_wait3A_201 = arith.constant 0 : i32
      %dma_wait3A_202 = arith.constant 0 : i32
      %dma_wait3A_203 = tpu.memref_slice %arg2[%dma_wait3A_201, %dma_wait3A_202] : memref<20000x64xf32, #tpu.memory_space<hbm>> -> memref<20000x64xf32, #tpu.memory_space<hbm>>
      tpu.wait_indirect_dma semaphore(%arg17 : memref<!tpu.dma_semaphore, #tpu.memory_space<semaphore_mem>>) src(%dma_wait3A_203 : memref<20000x64xf32, #tpu.memory_space<hbm>>) dst(%arg11 : memref<128x64xf32, #tpu.memory_space<vmem>>)
      %dma_start3A_204 = arith.constant 0 : i32
      %dma_start3A_205 = tpu.memref_slice %arg9[%add3A_193, %dma_start3A_204] : memref<160x128xi32, #tpu.memory_space<vmem>> -> memref<1x128xi32, #tpu.memory_space<vmem>>
      %dma_start3A_206 = tpu.memref_squeeze %dma_start3A_205 : memref<1x128xi32, #tpu.memory_space<vmem>> -> memref<128xi32, #tpu.memory_space<vmem>>
      %dma_start3A_207 = arith.constant 0 : i32
      %dma_start3A_208 = arith.constant 0 : i32
      %dma_start3A_209 = tpu.memref_slice %arg16[%dma_start3A_207, %dma_start3A_208] : memref<10240x64xf32, #tpu.memory_space<vmem_shared>> -> memref<10240x64xf32, #tpu.memory_space<vmem_shared>>
      tpu.enqueue_indirect_dma source(%arg11 : memref<128x64xf32, #tpu.memory_space<vmem>>) target(%dma_start3A_209 : memref<10240x64xf32, #tpu.memory_space<vmem_shared>>) offsets(%dma_start3A_206 : memref<128xi32, #tpu.memory_space<vmem>>) semaphore(%arg21 : memref<!tpu.dma_semaphore, #tpu.memory_space<semaphore_mem>>) {add = true}
      %mul3A_210 = arith.constant 4 : i32
      %mul3A_211 = arith.muli %scan3A_189, %mul3A_210 : i32
      %add3A_212 = arith.constant 1 : i32
      %add3A_213 = arith.addi %mul3A_211, %add3A_212 : i32
      %add3A_214 = arith.constant 2 : i32
      %add3A_215 = arith.addi %add3A_213, %add3A_214 : i32
      %lt3A_216 = arith.constant 160 : i32
      %lt3A_217 = arith.cmpi slt, %add3A_215, %lt3A_216 : i32
      %convert_element_type3A_218 = arith.extui %lt3A_217 : i1 to i32
      %cond3A_219 = arith.constant 0 : i32
      %cond3A_220 = arith.cmpi ne, %convert_element_type3A_218, %cond3A_219 : i32
      scf.if %cond3A_220 {
        %ge3A = arith.constant 4 : i32
        %ge3A_279 = arith.cmpi sge, %add3A_215, %ge3A : i32
        %convert_element_type3A_280 = arith.extui %ge3A_279 : i1 to i32
        %cond3A_281 = arith.constant 0 : i32
        %cond3A_282 = arith.cmpi ne, %convert_element_type3A_280, %cond3A_281 : i32
        scf.if %cond3A_282 {
          %dma_wait3A_289 = arith.constant 0 : i32
          %dma_wait3A_290 = arith.constant 0 : i32
          %dma_wait3A_291 = tpu.memref_slice %arg9[%dma_wait3A_289, %dma_wait3A_290] : memref<160x128xi32, #tpu.memory_space<vmem>> -> memref<1x128xi32, #tpu.memory_space<vmem>>
          %dma_wait3A_292 = tpu.memref_squeeze %dma_wait3A_291 : memref<1x128xi32, #tpu.memory_space<vmem>> -> memref<128xi32, #tpu.memory_space<vmem>>
          %dma_wait3A_293 = arith.constant 0 : i32
          %dma_wait3A_294 = arith.constant 0 : i32
          %dma_wait3A_295 = tpu.memref_slice %arg16[%dma_wait3A_293, %dma_wait3A_294] : memref<10240x64xf32, #tpu.memory_space<vmem_shared>> -> memref<10240x64xf32, #tpu.memory_space<vmem_shared>>
          tpu.wait_indirect_dma semaphore(%arg24 : memref<!tpu.dma_semaphore, #tpu.memory_space<semaphore_mem>>) src(%arg14 : memref<128x64xf32, #tpu.memory_space<vmem>>) dst(%dma_wait3A_295 : memref<10240x64xf32, #tpu.memory_space<vmem_shared>>)
        } else {
        }
        %dma_start3A_283 = arith.constant 0 : i32
        %dma_start3A_284 = tpu.memref_slice %arg8[%add3A_215, %dma_start3A_283] : memref<160x128xi32, #tpu.memory_space<vmem>> -> memref<1x128xi32, #tpu.memory_space<vmem>>
        %dma_start3A_285 = tpu.memref_squeeze %dma_start3A_284 : memref<1x128xi32, #tpu.memory_space<vmem>> -> memref<128xi32, #tpu.memory_space<vmem>>
        %dma_start3A_286 = arith.constant 0 : i32
        %dma_start3A_287 = arith.constant 0 : i32
        %dma_start3A_288 = tpu.memref_slice %arg2[%dma_start3A_286, %dma_start3A_287] : memref<20000x64xf32, #tpu.memory_space<hbm>> -> memref<20000x64xf32, #tpu.memory_space<hbm>>
        tpu.enqueue_indirect_dma source(%dma_start3A_288 : memref<20000x64xf32, #tpu.memory_space<hbm>>) target(%arg14 : memref<128x64xf32, #tpu.memory_space<vmem>>) offsets(%dma_start3A_285 : memref<128xi32, #tpu.memory_space<vmem>>) semaphore(%arg20 : memref<!tpu.dma_semaphore, #tpu.memory_space<semaphore_mem>>)
      } else {
      }
      %dma_wait3A_221 = arith.constant 0 : i32
      %dma_wait3A_222 = tpu.memref_slice %arg8[%add3A_213, %dma_wait3A_221] : memref<160x128xi32, #tpu.memory_space<vmem>> -> memref<1x128xi32, #tpu.memory_space<vmem>>
      %dma_wait3A_223 = tpu.memref_squeeze %dma_wait3A_222 : memref<1x128xi32, #tpu.memory_space<vmem>> -> memref<128xi32, #tpu.memory_space<vmem>>
      %dma_wait3A_224 = arith.constant 0 : i32
      %dma_wait3A_225 = arith.constant 0 : i32
      %dma_wait3A_226 = tpu.memref_slice %arg2[%dma_wait3A_224, %dma_wait3A_225] : memref<20000x64xf32, #tpu.memory_space<hbm>> -> memref<20000x64xf32, #tpu.memory_space<hbm>>
      tpu.wait_indirect_dma semaphore(%arg18 : memref<!tpu.dma_semaphore, #tpu.memory_space<semaphore_mem>>) src(%dma_wait3A_226 : memref<20000x64xf32, #tpu.memory_space<hbm>>) dst(%arg12 : memref<128x64xf32, #tpu.memory_space<vmem>>)
      %dma_start3A_227 = arith.constant 0 : i32
      %dma_start3A_228 = tpu.memref_slice %arg9[%add3A_213, %dma_start3A_227] : memref<160x128xi32, #tpu.memory_space<vmem>> -> memref<1x128xi32, #tpu.memory_space<vmem>>
      %dma_start3A_229 = tpu.memref_squeeze %dma_start3A_228 : memref<1x128xi32, #tpu.memory_space<vmem>> -> memref<128xi32, #tpu.memory_space<vmem>>
      %dma_start3A_230 = arith.constant 0 : i32
      %dma_start3A_231 = arith.constant 0 : i32
      %dma_start3A_232 = tpu.memref_slice %arg16[%dma_start3A_230, %dma_start3A_231] : memref<10240x64xf32, #tpu.memory_space<vmem_shared>> -> memref<10240x64xf32, #tpu.memory_space<vmem_shared>>
      tpu.enqueue_indirect_dma source(%arg12 : memref<128x64xf32, #tpu.memory_space<vmem>>) target(%dma_start3A_232 : memref<10240x64xf32, #tpu.memory_space<vmem_shared>>) offsets(%dma_start3A_229 : memref<128xi32, #tpu.memory_space<vmem>>) semaphore(%arg22 : memref<!tpu.dma_semaphore, #tpu.memory_space<semaphore_mem>>) {add = true}
      %mul3A_233 = arith.constant 4 : i32
      %mul3A_234 = arith.muli %scan3A_189, %mul3A_233 : i32
      %add3A_235 = arith.constant 2 : i32
      %add3A_236 = arith.addi %mul3A_234, %add3A_235 : i32
      %add3A_237 = arith.constant 2 : i32
      %add3A_238 = arith.addi %add3A_236, %add3A_237 : i32
      %lt3A_239 = arith.constant 160 : i32
      %lt3A_240 = arith.cmpi slt, %add3A_238, %lt3A_239 : i32
      %convert_element_type3A_241 = arith.extui %lt3A_240 : i1 to i32
      %cond3A_242 = arith.constant 0 : i32
      %cond3A_243 = arith.cmpi ne, %convert_element_type3A_241, %cond3A_242 : i32
      scf.if %cond3A_243 {
        %ge3A = arith.constant 4 : i32
        %ge3A_279 = arith.cmpi sge, %add3A_238, %ge3A : i32
        %convert_element_type3A_280 = arith.extui %ge3A_279 : i1 to i32
        %cond3A_281 = arith.constant 0 : i32
        %cond3A_282 = arith.cmpi ne, %convert_element_type3A_280, %cond3A_281 : i32
        scf.if %cond3A_282 {
          %dma_wait3A_289 = arith.constant 0 : i32
          %dma_wait3A_290 = arith.constant 0 : i32
          %dma_wait3A_291 = tpu.memref_slice %arg9[%dma_wait3A_289, %dma_wait3A_290] : memref<160x128xi32, #tpu.memory_space<vmem>> -> memref<1x128xi32, #tpu.memory_space<vmem>>
          %dma_wait3A_292 = tpu.memref_squeeze %dma_wait3A_291 : memref<1x128xi32, #tpu.memory_space<vmem>> -> memref<128xi32, #tpu.memory_space<vmem>>
          %dma_wait3A_293 = arith.constant 0 : i32
          %dma_wait3A_294 = arith.constant 0 : i32
          %dma_wait3A_295 = tpu.memref_slice %arg16[%dma_wait3A_293, %dma_wait3A_294] : memref<10240x64xf32, #tpu.memory_space<vmem_shared>> -> memref<10240x64xf32, #tpu.memory_space<vmem_shared>>
          tpu.wait_indirect_dma semaphore(%arg21 : memref<!tpu.dma_semaphore, #tpu.memory_space<semaphore_mem>>) src(%arg11 : memref<128x64xf32, #tpu.memory_space<vmem>>) dst(%dma_wait3A_295 : memref<10240x64xf32, #tpu.memory_space<vmem_shared>>)
        } else {
        }
        %dma_start3A_283 = arith.constant 0 : i32
        %dma_start3A_284 = tpu.memref_slice %arg8[%add3A_238, %dma_start3A_283] : memref<160x128xi32, #tpu.memory_space<vmem>> -> memref<1x128xi32, #tpu.memory_space<vmem>>
        %dma_start3A_285 = tpu.memref_squeeze %dma_start3A_284 : memref<1x128xi32, #tpu.memory_space<vmem>> -> memref<128xi32, #tpu.memory_space<vmem>>
        %dma_start3A_286 = arith.constant 0 : i32
        %dma_start3A_287 = arith.constant 0 : i32
        %dma_start3A_288 = tpu.memref_slice %arg2[%dma_start3A_286, %dma_start3A_287] : memref<20000x64xf32, #tpu.memory_space<hbm>> -> memref<20000x64xf32, #tpu.memory_space<hbm>>
        tpu.enqueue_indirect_dma source(%dma_start3A_288 : memref<20000x64xf32, #tpu.memory_space<hbm>>) target(%arg11 : memref<128x64xf32, #tpu.memory_space<vmem>>) offsets(%dma_start3A_285 : memref<128xi32, #tpu.memory_space<vmem>>) semaphore(%arg17 : memref<!tpu.dma_semaphore, #tpu.memory_space<semaphore_mem>>)
      } else {
      }
      %dma_wait3A_244 = arith.constant 0 : i32
      %dma_wait3A_245 = tpu.memref_slice %arg8[%add3A_236, %dma_wait3A_244] : memref<160x128xi32, #tpu.memory_space<vmem>> -> memref<1x128xi32, #tpu.memory_space<vmem>>
      %dma_wait3A_246 = tpu.memref_squeeze %dma_wait3A_245 : memref<1x128xi32, #tpu.memory_space<vmem>> -> memref<128xi32, #tpu.memory_space<vmem>>
      %dma_wait3A_247 = arith.constant 0 : i32
      %dma_wait3A_248 = arith.constant 0 : i32
      %dma_wait3A_249 = tpu.memref_slice %arg2[%dma_wait3A_247, %dma_wait3A_248] : memref<20000x64xf32, #tpu.memory_space<hbm>> -> memref<20000x64xf32, #tpu.memory_space<hbm>>
      tpu.wait_indirect_dma semaphore(%arg19 : memref<!tpu.dma_semaphore, #tpu.memory_space<semaphore_mem>>) src(%dma_wait3A_249 : memref<20000x64xf32, #tpu.memory_space<hbm>>) dst(%arg13 : memref<128x64xf32, #tpu.memory_space<vmem>>)
      %dma_start3A_250 = arith.constant 0 : i32
      %dma_start3A_251 = tpu.memref_slice %arg9[%add3A_236, %dma_start3A_250] : memref<160x128xi32, #tpu.memory_space<vmem>> -> memref<1x128xi32, #tpu.memory_space<vmem>>
      %dma_start3A_252 = tpu.memref_squeeze %dma_start3A_251 : memref<1x128xi32, #tpu.memory_space<vmem>> -> memref<128xi32, #tpu.memory_space<vmem>>
      %dma_start3A_253 = arith.constant 0 : i32
      %dma_start3A_254 = arith.constant 0 : i32
      %dma_start3A_255 = tpu.memref_slice %arg16[%dma_start3A_253, %dma_start3A_254] : memref<10240x64xf32, #tpu.memory_space<vmem_shared>> -> memref<10240x64xf32, #tpu.memory_space<vmem_shared>>
      tpu.enqueue_indirect_dma source(%arg13 : memref<128x64xf32, #tpu.memory_space<vmem>>) target(%dma_start3A_255 : memref<10240x64xf32, #tpu.memory_space<vmem_shared>>) offsets(%dma_start3A_252 : memref<128xi32, #tpu.memory_space<vmem>>) semaphore(%arg23 : memref<!tpu.dma_semaphore, #tpu.memory_space<semaphore_mem>>) {add = true}
      %mul3A_256 = arith.constant 4 : i32
      %mul3A_257 = arith.muli %scan3A_189, %mul3A_256 : i32
      %add3A_258 = arith.constant 3 : i32
      %add3A_259 = arith.addi %mul3A_257, %add3A_258 : i32
      %add3A_260 = arith.constant 2 : i32
      %add3A_261 = arith.addi %add3A_259, %add3A_260 : i32
      %lt3A_262 = arith.constant 160 : i32
      %lt3A_263 = arith.cmpi slt, %add3A_261, %lt3A_262 : i32
      %convert_element_type3A_264 = arith.extui %lt3A_263 : i1 to i32
      %cond3A_265 = arith.constant 0 : i32
      %cond3A_266 = arith.cmpi ne, %convert_element_type3A_264, %cond3A_265 : i32
      scf.if %cond3A_266 {
        %ge3A = arith.constant 4 : i32
        %ge3A_279 = arith.cmpi sge, %add3A_261, %ge3A : i32
        %convert_element_type3A_280 = arith.extui %ge3A_279 : i1 to i32
        %cond3A_281 = arith.constant 0 : i32
        %cond3A_282 = arith.cmpi ne, %convert_element_type3A_280, %cond3A_281 : i32
        scf.if %cond3A_282 {
          %dma_wait3A_289 = arith.constant 0 : i32
          %dma_wait3A_290 = arith.constant 0 : i32
          %dma_wait3A_291 = tpu.memref_slice %arg9[%dma_wait3A_289, %dma_wait3A_290] : memref<160x128xi32, #tpu.memory_space<vmem>> -> memref<1x128xi32, #tpu.memory_space<vmem>>
          %dma_wait3A_292 = tpu.memref_squeeze %dma_wait3A_291 : memref<1x128xi32, #tpu.memory_space<vmem>> -> memref<128xi32, #tpu.memory_space<vmem>>
          %dma_wait3A_293 = arith.constant 0 : i32
          %dma_wait3A_294 = arith.constant 0 : i32
          %dma_wait3A_295 = tpu.memref_slice %arg16[%dma_wait3A_293, %dma_wait3A_294] : memref<10240x64xf32, #tpu.memory_space<vmem_shared>> -> memref<10240x64xf32, #tpu.memory_space<vmem_shared>>
          tpu.wait_indirect_dma semaphore(%arg22 : memref<!tpu.dma_semaphore, #tpu.memory_space<semaphore_mem>>) src(%arg12 : memref<128x64xf32, #tpu.memory_space<vmem>>) dst(%dma_wait3A_295 : memref<10240x64xf32, #tpu.memory_space<vmem_shared>>)
        } else {
        }
        %dma_start3A_283 = arith.constant 0 : i32
        %dma_start3A_284 = tpu.memref_slice %arg8[%add3A_261, %dma_start3A_283] : memref<160x128xi32, #tpu.memory_space<vmem>> -> memref<1x128xi32, #tpu.memory_space<vmem>>
        %dma_start3A_285 = tpu.memref_squeeze %dma_start3A_284 : memref<1x128xi32, #tpu.memory_space<vmem>> -> memref<128xi32, #tpu.memory_space<vmem>>
        %dma_start3A_286 = arith.constant 0 : i32
        %dma_start3A_287 = arith.constant 0 : i32
        %dma_start3A_288 = tpu.memref_slice %arg2[%dma_start3A_286, %dma_start3A_287] : memref<20000x64xf32, #tpu.memory_space<hbm>> -> memref<20000x64xf32, #tpu.memory_space<hbm>>
        tpu.enqueue_indirect_dma source(%dma_start3A_288 : memref<20000x64xf32, #tpu.memory_space<hbm>>) target(%arg12 : memref<128x64xf32, #tpu.memory_space<vmem>>) offsets(%dma_start3A_285 : memref<128xi32, #tpu.memory_space<vmem>>) semaphore(%arg18 : memref<!tpu.dma_semaphore, #tpu.memory_space<semaphore_mem>>)
      } else {
      }
      %dma_wait3A_267 = arith.constant 0 : i32
      %dma_wait3A_268 = tpu.memref_slice %arg8[%add3A_259, %dma_wait3A_267] : memref<160x128xi32, #tpu.memory_space<vmem>> -> memref<1x128xi32, #tpu.memory_space<vmem>>
      %dma_wait3A_269 = tpu.memref_squeeze %dma_wait3A_268 : memref<1x128xi32, #tpu.memory_space<vmem>> -> memref<128xi32, #tpu.memory_space<vmem>>
      %dma_wait3A_270 = arith.constant 0 : i32
      %dma_wait3A_271 = arith.constant 0 : i32
      %dma_wait3A_272 = tpu.memref_slice %arg2[%dma_wait3A_270, %dma_wait3A_271] : memref<20000x64xf32, #tpu.memory_space<hbm>> -> memref<20000x64xf32, #tpu.memory_space<hbm>>
      tpu.wait_indirect_dma semaphore(%arg20 : memref<!tpu.dma_semaphore, #tpu.memory_space<semaphore_mem>>) src(%dma_wait3A_272 : memref<20000x64xf32, #tpu.memory_space<hbm>>) dst(%arg14 : memref<128x64xf32, #tpu.memory_space<vmem>>)
      %dma_start3A_273 = arith.constant 0 : i32
      %dma_start3A_274 = tpu.memref_slice %arg9[%add3A_259, %dma_start3A_273] : memref<160x128xi32, #tpu.memory_space<vmem>> -> memref<1x128xi32, #tpu.memory_space<vmem>>
      %dma_start3A_275 = tpu.memref_squeeze %dma_start3A_274 : memref<1x128xi32, #tpu.memory_space<vmem>> -> memref<128xi32, #tpu.memory_space<vmem>>
      %dma_start3A_276 = arith.constant 0 : i32
      %dma_start3A_277 = arith.constant 0 : i32
      %dma_start3A_278 = tpu.memref_slice %arg16[%dma_start3A_276, %dma_start3A_277] : memref<10240x64xf32, #tpu.memory_space<vmem_shared>> -> memref<10240x64xf32, #tpu.memory_space<vmem_shared>>
      tpu.enqueue_indirect_dma source(%arg14 : memref<128x64xf32, #tpu.memory_space<vmem>>) target(%dma_start3A_278 : memref<10240x64xf32, #tpu.memory_space<vmem_shared>>) offsets(%dma_start3A_275 : memref<128xi32, #tpu.memory_space<vmem>>) semaphore(%arg24 : memref<!tpu.dma_semaphore, #tpu.memory_space<semaphore_mem>>) {add = true}
    }
    %scan3A_30 = arith.constant 40 : i32
    %dma_wait3A = arith.constant 0 : i32
    %dma_wait3A_31 = arith.constant 0 : i32
    %dma_wait3A_32 = tpu.memref_slice %arg9[%dma_wait3A, %dma_wait3A_31] : memref<160x128xi32, #tpu.memory_space<vmem>> -> memref<1x128xi32, #tpu.memory_space<vmem>>
    %dma_wait3A_33 = tpu.memref_squeeze %dma_wait3A_32 : memref<1x128xi32, #tpu.memory_space<vmem>> -> memref<128xi32, #tpu.memory_space<vmem>>
    %dma_wait3A_34 = arith.constant 0 : i32
    %dma_wait3A_35 = arith.constant 0 : i32
    %dma_wait3A_36 = tpu.memref_slice %arg16[%dma_wait3A_34, %dma_wait3A_35] : memref<10240x64xf32, #tpu.memory_space<vmem_shared>> -> memref<10240x64xf32, #tpu.memory_space<vmem_shared>>
    tpu.wait_indirect_dma semaphore(%arg21 : memref<!tpu.dma_semaphore, #tpu.memory_space<semaphore_mem>>) src(%arg11 : memref<128x64xf32, #tpu.memory_space<vmem>>) dst(%dma_wait3A_36 : memref<10240x64xf32, #tpu.memory_space<vmem_shared>>)
    %dma_wait3A_37 = arith.constant 0 : i32
    %dma_wait3A_38 = arith.constant 0 : i32
    %dma_wait3A_39 = tpu.memref_slice %arg9[%dma_wait3A_37, %dma_wait3A_38] : memref<160x128xi32, #tpu.memory_space<vmem>> -> memref<1x128xi32, #tpu.memory_space<vmem>>
    %dma_wait3A_40 = tpu.memref_squeeze %dma_wait3A_39 : memref<1x128xi32, #tpu.memory_space<vmem>> -> memref<128xi32, #tpu.memory_space<vmem>>
    %dma_wait3A_41 = arith.constant 0 : i32
    %dma_wait3A_42 = arith.constant 0 : i32
    %dma_wait3A_43 = tpu.memref_slice %arg16[%dma_wait3A_41, %dma_wait3A_42] : memref<10240x64xf32, #tpu.memory_space<vmem_shared>> -> memref<10240x64xf32, #tpu.memory_space<vmem_shared>>
    tpu.wait_indirect_dma semaphore(%arg22 : memref<!tpu.dma_semaphore, #tpu.memory_space<semaphore_mem>>) src(%arg12 : memref<128x64xf32, #tpu.memory_space<vmem>>) dst(%dma_wait3A_43 : memref<10240x64xf32, #tpu.memory_space<vmem_shared>>)
    %dma_wait3A_44 = arith.constant 0 : i32
    %dma_wait3A_45 = arith.constant 0 : i32
    %dma_wait3A_46 = tpu.memref_slice %arg9[%dma_wait3A_44, %dma_wait3A_45] : memref<160x128xi32, #tpu.memory_space<vmem>> -> memref<1x128xi32, #tpu.memory_space<vmem>>
    %dma_wait3A_47 = tpu.memref_squeeze %dma_wait3A_46 : memref<1x128xi32, #tpu.memory_space<vmem>> -> memref<128xi32, #tpu.memory_space<vmem>>
    %dma_wait3A_48 = arith.constant 0 : i32
    %dma_wait3A_49 = arith.constant 0 : i32
    %dma_wait3A_50 = tpu.memref_slice %arg16[%dma_wait3A_48, %dma_wait3A_49] : memref<10240x64xf32, #tpu.memory_space<vmem_shared>> -> memref<10240x64xf32, #tpu.memory_space<vmem_shared>>
    tpu.wait_indirect_dma semaphore(%arg23 : memref<!tpu.dma_semaphore, #tpu.memory_space<semaphore_mem>>) src(%arg13 : memref<128x64xf32, #tpu.memory_space<vmem>>) dst(%dma_wait3A_50 : memref<10240x64xf32, #tpu.memory_space<vmem_shared>>)
    %dma_wait3A_51 = arith.constant 0 : i32
    %dma_wait3A_52 = arith.constant 0 : i32
    %dma_wait3A_53 = tpu.memref_slice %arg9[%dma_wait3A_51, %dma_wait3A_52] : memref<160x128xi32, #tpu.memory_space<vmem>> -> memref<1x128xi32, #tpu.memory_space<vmem>>
    %dma_wait3A_54 = tpu.memref_squeeze %dma_wait3A_53 : memref<1x128xi32, #tpu.memory_space<vmem>> -> memref<128xi32, #tpu.memory_space<vmem>>
    %dma_wait3A_55 = arith.constant 0 : i32
    %dma_wait3A_56 = arith.constant 0 : i32
    %dma_wait3A_57 = tpu.memref_slice %arg16[%dma_wait3A_55, %dma_wait3A_56] : memref<10240x64xf32, #tpu.memory_space<vmem_shared>> -> memref<10240x64xf32, #tpu.memory_space<vmem_shared>>
    tpu.wait_indirect_dma semaphore(%arg24 : memref<!tpu.dma_semaphore, #tpu.memory_space<semaphore_mem>>) src(%arg14 : memref<128x64xf32, #tpu.memory_space<vmem>>) dst(%dma_wait3A_57 : memref<10240x64xf32, #tpu.memory_space<vmem_shared>>)
    %barrier3A_58 = arith.constant 0 : index
    tpu.barrier barrier_id(%barrier3A_58)
    %add3A_59 = arith.constant 0 : i32
    %add3A_60 = arith.addi %mul3A_15, %add3A_59 : i32
    %dma_start3A_61 = arith.constant 0 : i32
    %dma_start3A_62 = tpu.memref_slice %arg16[%add3A_60, %dma_start3A_61] : memref<10240x64xf32, #tpu.memory_space<vmem_shared>> -> memref<128x64xf32, #tpu.memory_space<vmem_shared>>
    %dma_start3A_63 = arith.constant 0 : i32
    %dma_start3A_64 = tpu.memref_slice %arg16[%add3A_60, %dma_start3A_63] : memref<10240x64xf32, #tpu.memory_space<vmem_shared>> -> memref<128x64xf32, #tpu.memory_space<vmem_shared>>
    tpu.enqueue_dma source(%dma_start3A_64 : memref<128x64xf32, #tpu.memory_space<vmem_shared>>) target(%arg11 : memref<128x64xf32, #tpu.memory_space<vmem>>) target_semaphore(%arg17 : memref<!tpu.dma_semaphore, #tpu.memory_space<semaphore_mem>>)
    %add3A_65 = arith.constant 128 : i32
    %add3A_66 = arith.addi %mul3A_15, %add3A_65 : i32
    %dma_start3A_67 = arith.constant 0 : i32
    %dma_start3A_68 = tpu.memref_slice %arg16[%add3A_66, %dma_start3A_67] : memref<10240x64xf32, #tpu.memory_space<vmem_shared>> -> memref<128x64xf32, #tpu.memory_space<vmem_shared>>
    %dma_start3A_69 = arith.constant 0 : i32
    %dma_start3A_70 = tpu.memref_slice %arg16[%add3A_66, %dma_start3A_69] : memref<10240x64xf32, #tpu.memory_space<vmem_shared>> -> memref<128x64xf32, #tpu.memory_space<vmem_shared>>
    tpu.enqueue_dma source(%dma_start3A_70 : memref<128x64xf32, #tpu.memory_space<vmem_shared>>) target(%arg12 : memref<128x64xf32, #tpu.memory_space<vmem>>) target_semaphore(%arg18 : memref<!tpu.dma_semaphore, #tpu.memory_space<semaphore_mem>>)
    %add3A_71 = arith.constant 256 : i32
    %add3A_72 = arith.addi %mul3A_15, %add3A_71 : i32
    %dma_start3A_73 = arith.constant 0 : i32
    %dma_start3A_74 = tpu.memref_slice %arg16[%add3A_72, %dma_start3A_73] : memref<10240x64xf32, #tpu.memory_space<vmem_shared>> -> memref<128x64xf32, #tpu.memory_space<vmem_shared>>
    %dma_start3A_75 = arith.constant 0 : i32
    %dma_start3A_76 = tpu.memref_slice %arg16[%add3A_72, %dma_start3A_75] : memref<10240x64xf32, #tpu.memory_space<vmem_shared>> -> memref<128x64xf32, #tpu.memory_space<vmem_shared>>
    tpu.enqueue_dma source(%dma_start3A_76 : memref<128x64xf32, #tpu.memory_space<vmem_shared>>) target(%arg13 : memref<128x64xf32, #tpu.memory_space<vmem>>) target_semaphore(%arg19 : memref<!tpu.dma_semaphore, #tpu.memory_space<semaphore_mem>>)
    %add3A_77 = arith.constant 384 : i32
    %add3A_78 = arith.addi %mul3A_15, %add3A_77 : i32
    %dma_start3A_79 = arith.constant 0 : i32
    %dma_start3A_80 = tpu.memref_slice %arg16[%add3A_78, %dma_start3A_79] : memref<10240x64xf32, #tpu.memory_space<vmem_shared>> -> memref<128x64xf32, #tpu.memory_space<vmem_shared>>
    %dma_start3A_81 = arith.constant 0 : i32
    %dma_start3A_82 = tpu.memref_slice %arg16[%add3A_78, %dma_start3A_81] : memref<10240x64xf32, #tpu.memory_space<vmem_shared>> -> memref<128x64xf32, #tpu.memory_space<vmem_shared>>
    tpu.enqueue_dma source(%dma_start3A_82 : memref<128x64xf32, #tpu.memory_space<vmem_shared>>) target(%arg14 : memref<128x64xf32, #tpu.memory_space<vmem>>) target_semaphore(%arg20 : memref<!tpu.dma_semaphore, #tpu.memory_space<semaphore_mem>>)
    %add3A_83 = arith.constant 512 : i32
    %add3A_84 = arith.addi %mul3A_15, %add3A_83 : i32
    %dma_start3A_85 = arith.constant 0 : i32
    %dma_start3A_86 = tpu.memref_slice %arg16[%add3A_84, %dma_start3A_85] : memref<10240x64xf32, #tpu.memory_space<vmem_shared>> -> memref<128x64xf32, #tpu.memory_space<vmem_shared>>
    %dma_start3A_87 = arith.constant 0 : i32
    %dma_start3A_88 = tpu.memref_slice %arg16[%add3A_84, %dma_start3A_87] : memref<10240x64xf32, #tpu.memory_space<vmem_shared>> -> memref<128x64xf32, #tpu.memory_space<vmem_shared>>
    tpu.enqueue_dma source(%dma_start3A_88 : memref<128x64xf32, #tpu.memory_space<vmem_shared>>) target(%arg15 : memref<128x64xf32, #tpu.memory_space<vmem>>) target_semaphore(%arg21 : memref<!tpu.dma_semaphore, #tpu.memory_space<semaphore_mem>>)
    %add3A_89 = arith.constant 0 : i32
    %add3A_90 = arith.addi %mul3A_15, %add3A_89 : i32
    %dma_wait3A_91 = arith.constant 0 : i32
    %dma_wait3A_92 = tpu.memref_slice %arg16[%add3A_90, %dma_wait3A_91] : memref<10240x64xf32, #tpu.memory_space<vmem_shared>> -> memref<128x64xf32, #tpu.memory_space<vmem_shared>>
    %dma_wait3A_93 = arith.constant 0 : i32
    %dma_wait3A_94 = tpu.memref_slice %arg16[%add3A_90, %dma_wait3A_93] : memref<10240x64xf32, #tpu.memory_space<vmem_shared>> -> memref<128x64xf32, #tpu.memory_space<vmem_shared>>
    tpu.wait_dma2 semaphore(%arg17 : memref<!tpu.dma_semaphore, #tpu.memory_space<semaphore_mem>>) src(%dma_wait3A_94 : memref<128x64xf32, #tpu.memory_space<vmem_shared>>) dst(%arg11 : memref<128x64xf32, #tpu.memory_space<vmem>>)
    %dma_start3A_95 = arith.constant 0 : i32
    %dma_start3A_96 = arith.constant 0 : i32
    %dma_start3A_97 = tpu.memref_slice %arg10[%dma_start3A_95, %dma_start3A_96] : memref<5x128xi32, #tpu.memory_space<vmem>> -> memref<1x128xi32, #tpu.memory_space<vmem>>
    %dma_start3A_98 = tpu.memref_squeeze %dma_start3A_97 : memref<1x128xi32, #tpu.memory_space<vmem>> -> memref<128xi32, #tpu.memory_space<vmem>>
    %dma_start3A_99 = arith.constant 0 : i32
    %dma_start3A_100 = arith.constant 0 : i32
    %dma_start3A_101 = tpu.memref_slice %arg7[%dma_start3A_99, %dma_start3A_100] : memref<20480x64xf32, #tpu.memory_space<hbm>> -> memref<20480x64xf32, #tpu.memory_space<hbm>>
    tpu.enqueue_indirect_dma source(%arg11 : memref<128x64xf32, #tpu.memory_space<vmem>>) target(%dma_start3A_101 : memref<20480x64xf32, #tpu.memory_space<hbm>>) offsets(%dma_start3A_98 : memref<128xi32, #tpu.memory_space<vmem>>) semaphore(%arg22 : memref<!tpu.dma_semaphore, #tpu.memory_space<semaphore_mem>>)
    %add3A_102 = arith.constant 128 : i32
    %add3A_103 = arith.addi %mul3A_15, %add3A_102 : i32
    %dma_wait3A_104 = arith.constant 0 : i32
    %dma_wait3A_105 = tpu.memref_slice %arg16[%add3A_103, %dma_wait3A_104] : memref<10240x64xf32, #tpu.memory_space<vmem_shared>> -> memref<128x64xf32, #tpu.memory_space<vmem_shared>>
    %dma_wait3A_106 = arith.constant 0 : i32
    %dma_wait3A_107 = tpu.memref_slice %arg16[%add3A_103, %dma_wait3A_106] : memref<10240x64xf32, #tpu.memory_space<vmem_shared>> -> memref<128x64xf32, #tpu.memory_space<vmem_shared>>
    tpu.wait_dma2 semaphore(%arg18 : memref<!tpu.dma_semaphore, #tpu.memory_space<semaphore_mem>>) src(%dma_wait3A_107 : memref<128x64xf32, #tpu.memory_space<vmem_shared>>) dst(%arg12 : memref<128x64xf32, #tpu.memory_space<vmem>>)
    %dma_start3A_108 = arith.constant 1 : i32
    %dma_start3A_109 = arith.constant 0 : i32
    %dma_start3A_110 = tpu.memref_slice %arg10[%dma_start3A_108, %dma_start3A_109] : memref<5x128xi32, #tpu.memory_space<vmem>> -> memref<1x128xi32, #tpu.memory_space<vmem>>
    %dma_start3A_111 = tpu.memref_squeeze %dma_start3A_110 : memref<1x128xi32, #tpu.memory_space<vmem>> -> memref<128xi32, #tpu.memory_space<vmem>>
    %dma_start3A_112 = arith.constant 0 : i32
    %dma_start3A_113 = arith.constant 0 : i32
    %dma_start3A_114 = tpu.memref_slice %arg7[%dma_start3A_112, %dma_start3A_113] : memref<20480x64xf32, #tpu.memory_space<hbm>> -> memref<20480x64xf32, #tpu.memory_space<hbm>>
    tpu.enqueue_indirect_dma source(%arg12 : memref<128x64xf32, #tpu.memory_space<vmem>>) target(%dma_start3A_114 : memref<20480x64xf32, #tpu.memory_space<hbm>>) offsets(%dma_start3A_111 : memref<128xi32, #tpu.memory_space<vmem>>) semaphore(%arg23 : memref<!tpu.dma_semaphore, #tpu.memory_space<semaphore_mem>>)
    %add3A_115 = arith.constant 256 : i32
    %add3A_116 = arith.addi %mul3A_15, %add3A_115 : i32
    %dma_wait3A_117 = arith.constant 0 : i32
    %dma_wait3A_118 = tpu.memref_slice %arg16[%add3A_116, %dma_wait3A_117] : memref<10240x64xf32, #tpu.memory_space<vmem_shared>> -> memref<128x64xf32, #tpu.memory_space<vmem_shared>>
    %dma_wait3A_119 = arith.constant 0 : i32
    %dma_wait3A_120 = tpu.memref_slice %arg16[%add3A_116, %dma_wait3A_119] : memref<10240x64xf32, #tpu.memory_space<vmem_shared>> -> memref<128x64xf32, #tpu.memory_space<vmem_shared>>
    tpu.wait_dma2 semaphore(%arg19 : memref<!tpu.dma_semaphore, #tpu.memory_space<semaphore_mem>>) src(%dma_wait3A_120 : memref<128x64xf32, #tpu.memory_space<vmem_shared>>) dst(%arg13 : memref<128x64xf32, #tpu.memory_space<vmem>>)
    %dma_start3A_121 = arith.constant 2 : i32
    %dma_start3A_122 = arith.constant 0 : i32
    %dma_start3A_123 = tpu.memref_slice %arg10[%dma_start3A_121, %dma_start3A_122] : memref<5x128xi32, #tpu.memory_space<vmem>> -> memref<1x128xi32, #tpu.memory_space<vmem>>
    %dma_start3A_124 = tpu.memref_squeeze %dma_start3A_123 : memref<1x128xi32, #tpu.memory_space<vmem>> -> memref<128xi32, #tpu.memory_space<vmem>>
    %dma_start3A_125 = arith.constant 0 : i32
    %dma_start3A_126 = arith.constant 0 : i32
    %dma_start3A_127 = tpu.memref_slice %arg7[%dma_start3A_125, %dma_start3A_126] : memref<20480x64xf32, #tpu.memory_space<hbm>> -> memref<20480x64xf32, #tpu.memory_space<hbm>>
    tpu.enqueue_indirect_dma source(%arg13 : memref<128x64xf32, #tpu.memory_space<vmem>>) target(%dma_start3A_127 : memref<20480x64xf32, #tpu.memory_space<hbm>>) offsets(%dma_start3A_124 : memref<128xi32, #tpu.memory_space<vmem>>) semaphore(%arg24 : memref<!tpu.dma_semaphore, #tpu.memory_space<semaphore_mem>>)
    %add3A_128 = arith.constant 384 : i32
    %add3A_129 = arith.addi %mul3A_15, %add3A_128 : i32
    %dma_wait3A_130 = arith.constant 0 : i32
    %dma_wait3A_131 = tpu.memref_slice %arg16[%add3A_129, %dma_wait3A_130] : memref<10240x64xf32, #tpu.memory_space<vmem_shared>> -> memref<128x64xf32, #tpu.memory_space<vmem_shared>>
    %dma_wait3A_132 = arith.constant 0 : i32
    %dma_wait3A_133 = tpu.memref_slice %arg16[%add3A_129, %dma_wait3A_132] : memref<10240x64xf32, #tpu.memory_space<vmem_shared>> -> memref<128x64xf32, #tpu.memory_space<vmem_shared>>
    tpu.wait_dma2 semaphore(%arg20 : memref<!tpu.dma_semaphore, #tpu.memory_space<semaphore_mem>>) src(%dma_wait3A_133 : memref<128x64xf32, #tpu.memory_space<vmem_shared>>) dst(%arg14 : memref<128x64xf32, #tpu.memory_space<vmem>>)
    %dma_start3A_134 = arith.constant 3 : i32
    %dma_start3A_135 = arith.constant 0 : i32
    %dma_start3A_136 = tpu.memref_slice %arg10[%dma_start3A_134, %dma_start3A_135] : memref<5x128xi32, #tpu.memory_space<vmem>> -> memref<1x128xi32, #tpu.memory_space<vmem>>
    %dma_start3A_137 = tpu.memref_squeeze %dma_start3A_136 : memref<1x128xi32, #tpu.memory_space<vmem>> -> memref<128xi32, #tpu.memory_space<vmem>>
    %dma_start3A_138 = arith.constant 0 : i32
    %dma_start3A_139 = arith.constant 0 : i32
    %dma_start3A_140 = tpu.memref_slice %arg7[%dma_start3A_138, %dma_start3A_139] : memref<20480x64xf32, #tpu.memory_space<hbm>> -> memref<20480x64xf32, #tpu.memory_space<hbm>>
    tpu.enqueue_indirect_dma source(%arg14 : memref<128x64xf32, #tpu.memory_space<vmem>>) target(%dma_start3A_140 : memref<20480x64xf32, #tpu.memory_space<hbm>>) offsets(%dma_start3A_137 : memref<128xi32, #tpu.memory_space<vmem>>) semaphore(%arg17 : memref<!tpu.dma_semaphore, #tpu.memory_space<semaphore_mem>>)
    %add3A_141 = arith.constant 512 : i32
    %add3A_142 = arith.addi %mul3A_15, %add3A_141 : i32
    %dma_wait3A_143 = arith.constant 0 : i32
    %dma_wait3A_144 = tpu.memref_slice %arg16[%add3A_142, %dma_wait3A_143] : memref<10240x64xf32, #tpu.memory_space<vmem_shared>> -> memref<128x64xf32, #tpu.memory_space<vmem_shared>>
    %dma_wait3A_145 = arith.constant 0 : i32
    %dma_wait3A_146 = tpu.memref_slice %arg16[%add3A_142, %dma_wait3A_145] : memref<10240x64xf32, #tpu.memory_space<vmem_shared>> -> memref<128x64xf32, #tpu.memory_space<vmem_shared>>
    tpu.wait_dma2 semaphore(%arg21 : memref<!tpu.dma_semaphore, #tpu.memory_space<semaphore_mem>>) src(%dma_wait3A_146 : memref<128x64xf32, #tpu.memory_space<vmem_shared>>) dst(%arg15 : memref<128x64xf32, #tpu.memory_space<vmem>>)
    %dma_start3A_147 = arith.constant 4 : i32
    %dma_start3A_148 = arith.constant 0 : i32
    %dma_start3A_149 = tpu.memref_slice %arg10[%dma_start3A_147, %dma_start3A_148] : memref<5x128xi32, #tpu.memory_space<vmem>> -> memref<1x128xi32, #tpu.memory_space<vmem>>
    %dma_start3A_150 = tpu.memref_squeeze %dma_start3A_149 : memref<1x128xi32, #tpu.memory_space<vmem>> -> memref<128xi32, #tpu.memory_space<vmem>>
    %dma_start3A_151 = arith.constant 0 : i32
    %dma_start3A_152 = arith.constant 0 : i32
    %dma_start3A_153 = tpu.memref_slice %arg7[%dma_start3A_151, %dma_start3A_152] : memref<20480x64xf32, #tpu.memory_space<hbm>> -> memref<20480x64xf32, #tpu.memory_space<hbm>>
    tpu.enqueue_indirect_dma source(%arg15 : memref<128x64xf32, #tpu.memory_space<vmem>>) target(%dma_start3A_153 : memref<20480x64xf32, #tpu.memory_space<hbm>>) offsets(%dma_start3A_150 : memref<128xi32, #tpu.memory_space<vmem>>) semaphore(%arg18 : memref<!tpu.dma_semaphore, #tpu.memory_space<semaphore_mem>>)
    %dma_wait3A_154 = arith.constant 0 : i32
    %dma_wait3A_155 = arith.constant 0 : i32
    %dma_wait3A_156 = tpu.memref_slice %arg10[%dma_wait3A_154, %dma_wait3A_155] : memref<5x128xi32, #tpu.memory_space<vmem>> -> memref<1x128xi32, #tpu.memory_space<vmem>>
    %dma_wait3A_157 = tpu.memref_squeeze %dma_wait3A_156 : memref<1x128xi32, #tpu.memory_space<vmem>> -> memref<128xi32, #tpu.memory_space<vmem>>
    %dma_wait3A_158 = arith.constant 0 : i32
    %dma_wait3A_159 = arith.constant 0 : i32
    %dma_wait3A_160 = tpu.memref_slice %arg7[%dma_wait3A_158, %dma_wait3A_159] : memref<20480x64xf32, #tpu.memory_space<hbm>> -> memref<20480x64xf32, #tpu.memory_space<hbm>>
    tpu.wait_indirect_dma semaphore(%arg22 : memref<!tpu.dma_semaphore, #tpu.memory_space<semaphore_mem>>) src(%arg11 : memref<128x64xf32, #tpu.memory_space<vmem>>) dst(%dma_wait3A_160 : memref<20480x64xf32, #tpu.memory_space<hbm>>)
    %dma_wait3A_161 = arith.constant 1 : i32
    %dma_wait3A_162 = arith.constant 0 : i32
    %dma_wait3A_163 = tpu.memref_slice %arg10[%dma_wait3A_161, %dma_wait3A_162] : memref<5x128xi32, #tpu.memory_space<vmem>> -> memref<1x128xi32, #tpu.memory_space<vmem>>
    %dma_wait3A_164 = tpu.memref_squeeze %dma_wait3A_163 : memref<1x128xi32, #tpu.memory_space<vmem>> -> memref<128xi32, #tpu.memory_space<vmem>>
    %dma_wait3A_165 = arith.constant 0 : i32
    %dma_wait3A_166 = arith.constant 0 : i32
    %dma_wait3A_167 = tpu.memref_slice %arg7[%dma_wait3A_165, %dma_wait3A_166] : memref<20480x64xf32, #tpu.memory_space<hbm>> -> memref<20480x64xf32, #tpu.memory_space<hbm>>
    tpu.wait_indirect_dma semaphore(%arg23 : memref<!tpu.dma_semaphore, #tpu.memory_space<semaphore_mem>>) src(%arg12 : memref<128x64xf32, #tpu.memory_space<vmem>>) dst(%dma_wait3A_167 : memref<20480x64xf32, #tpu.memory_space<hbm>>)
    %dma_wait3A_168 = arith.constant 2 : i32
    %dma_wait3A_169 = arith.constant 0 : i32
    %dma_wait3A_170 = tpu.memref_slice %arg10[%dma_wait3A_168, %dma_wait3A_169] : memref<5x128xi32, #tpu.memory_space<vmem>> -> memref<1x128xi32, #tpu.memory_space<vmem>>
    %dma_wait3A_171 = tpu.memref_squeeze %dma_wait3A_170 : memref<1x128xi32, #tpu.memory_space<vmem>> -> memref<128xi32, #tpu.memory_space<vmem>>
    %dma_wait3A_172 = arith.constant 0 : i32
    %dma_wait3A_173 = arith.constant 0 : i32
    %dma_wait3A_174 = tpu.memref_slice %arg7[%dma_wait3A_172, %dma_wait3A_173] : memref<20480x64xf32, #tpu.memory_space<hbm>> -> memref<20480x64xf32, #tpu.memory_space<hbm>>
    tpu.wait_indirect_dma semaphore(%arg24 : memref<!tpu.dma_semaphore, #tpu.memory_space<semaphore_mem>>) src(%arg13 : memref<128x64xf32, #tpu.memory_space<vmem>>) dst(%dma_wait3A_174 : memref<20480x64xf32, #tpu.memory_space<hbm>>)
    %dma_wait3A_175 = arith.constant 3 : i32
    %dma_wait3A_176 = arith.constant 0 : i32
    %dma_wait3A_177 = tpu.memref_slice %arg10[%dma_wait3A_175, %dma_wait3A_176] : memref<5x128xi32, #tpu.memory_space<vmem>> -> memref<1x128xi32, #tpu.memory_space<vmem>>
    %dma_wait3A_178 = tpu.memref_squeeze %dma_wait3A_177 : memref<1x128xi32, #tpu.memory_space<vmem>> -> memref<128xi32, #tpu.memory_space<vmem>>
    %dma_wait3A_179 = arith.constant 0 : i32
    %dma_wait3A_180 = arith.constant 0 : i32
    %dma_wait3A_181 = tpu.memref_slice %arg7[%dma_wait3A_179, %dma_wait3A_180] : memref<20480x64xf32, #tpu.memory_space<hbm>> -> memref<20480x64xf32, #tpu.memory_space<hbm>>
    tpu.wait_indirect_dma semaphore(%arg17 : memref<!tpu.dma_semaphore, #tpu.memory_space<semaphore_mem>>) src(%arg14 : memref<128x64xf32, #tpu.memory_space<vmem>>) dst(%dma_wait3A_181 : memref<20480x64xf32, #tpu.memory_space<hbm>>)
    %dma_wait3A_182 = arith.constant 4 : i32
    %dma_wait3A_183 = arith.constant 0 : i32
    %dma_wait3A_184 = tpu.memref_slice %arg10[%dma_wait3A_182, %dma_wait3A_183] : memref<5x128xi32, #tpu.memory_space<vmem>> -> memref<1x128xi32, #tpu.memory_space<vmem>>
    %dma_wait3A_185 = tpu.memref_squeeze %dma_wait3A_184 : memref<1x128xi32, #tpu.memory_space<vmem>> -> memref<128xi32, #tpu.memory_space<vmem>>
    %dma_wait3A_186 = arith.constant 0 : i32
    %dma_wait3A_187 = arith.constant 0 : i32
    %dma_wait3A_188 = tpu.memref_slice %arg7[%dma_wait3A_186, %dma_wait3A_187] : memref<20480x64xf32, #tpu.memory_space<hbm>> -> memref<20480x64xf32, #tpu.memory_space<hbm>>
    tpu.wait_indirect_dma semaphore(%arg18 : memref<!tpu.dma_semaphore, #tpu.memory_space<semaphore_mem>>) src(%arg15 : memref<128x64xf32, #tpu.memory_space<vmem>>) dst(%dma_wait3A_188 : memref<20480x64xf32, #tpu.memory_space<hbm>>)
    return
  }
}

#map = affine_map<(d0, d1) -> (0, 0)>
#map1 = affine_map<(d0, d1) -> (0, 0, 0)>
module attributes {stable_mosaic.version = 14 : i64} {
  func.func @kern(%arg0: i32, %arg1: i32, %arg2: memref<20000x64xf32, #tpu.memory_space<hbm>>, %arg3: memref<32x160x128xi32, #tpu.memory_space<hbm>>, %arg4: memref<16x160x128xi32, #tpu.memory_space<hbm>>, %arg5: memref<128x64xf32, #tpu.memory_space<hbm>>, %arg6: memref<32x5x128xi32, #tpu.memory_space<hbm>>, %arg7: memref<20480x64xf32, #tpu.memory_space<hbm>>, %arg8: memref<160x128xi32, #tpu.memory_space<vmem>>, %arg9: memref<160x128xi32, #tpu.memory_space<vmem>>, %arg10: memref<5x128xi32, #tpu.memory_space<vmem>>, %arg11: memref<128x64xf32, #tpu.memory_space<vmem>>, %arg12: memref<128x64xf32, #tpu.memory_space<vmem>>, %arg13: memref<128x64xf32, #tpu.memory_space<vmem>>, %arg14: memref<128x64xf32, #tpu.memory_space<vmem>>, %arg15: memref<128x64xf32, #tpu.memory_space<vmem>>, %arg16: memref<10240x64xf32, #tpu.memory_space<vmem_shared>>, %arg17: memref<!tpu.dma_semaphore, #tpu.memory_space<semaphore_mem>>, %arg18: memref<!tpu.dma_semaphore, #tpu.memory_space<semaphore_mem>>, %arg19: memref<!tpu.dma_semaphore, #tpu.memory_space<semaphore_mem>>, %arg20: memref<!tpu.dma_semaphore, #tpu.memory_space<semaphore_mem>>, %arg21: memref<!tpu.dma_semaphore, #tpu.memory_space<semaphore_mem>>, %arg22: memref<!tpu.dma_semaphore, #tpu.memory_space<semaphore_mem>>, %arg23: memref<!tpu.dma_semaphore, #tpu.memory_space<semaphore_mem>>, %arg24: memref<!tpu.dma_semaphore, #tpu.memory_space<semaphore_mem>>) attributes {dimension_semantics = [#tpu.dimension_semantics<core_parallel>, #tpu.dimension_semantics<subcore_parallel>], iteration_bounds = array<i64: 2, 16>, scalar_prefetch = 0 : i64, scratch_operands = 17 : i64, tpu.core_type = #tpu.core_type<sc_vector_subcore>, window_params = [{transform_indices = #map}, {transform_indices = #map1}, {transform_indices = #map1}, {transform_indices = #map}, {transform_indices = #map1}, {transform_indices = #map}]} {
    %mul3A = arith.constant 16 : i32
    %mul3A_0 = arith.muli %arg0, %mul3A : i32
    %add3A = arith.addi %mul3A_0, %arg1 : i32
    "tpu.region"() ({
      %run_scoped3A = tpu.sem_alloc : memref<!tpu.dma_semaphore, #tpu.memory_space<semaphore_mem>>
      %dma_start3A_189 = arith.constant 0 : i32
      %dma_start3A_190 = arith.constant 0 : i32
      %dma_start3A_191 = tpu.memref_slice %arg3[%add3A, %dma_start3A_189, %dma_start3A_190] : memref<32x160x128xi32, #tpu.memory_space<hbm>> -> memref<1x160x128xi32, #tpu.memory_space<hbm>>
      %dma_start3A_192 = tpu.memref_squeeze %dma_start3A_191 : memref<1x160x128xi32, #tpu.memory_space<hbm>> -> memref<160x128xi32, #tpu.memory_space<hbm>>
      %dma_start3A_193 = arith.constant 0 : i32
      %dma_start3A_194 = arith.constant 0 : i32
      %dma_start3A_195 = tpu.memref_slice %arg3[%add3A, %dma_start3A_193, %dma_start3A_194] : memref<32x160x128xi32, #tpu.memory_space<hbm>> -> memref<1x160x128xi32, #tpu.memory_space<hbm>>
      %dma_start3A_196 = tpu.memref_squeeze %dma_start3A_195 : memref<1x160x128xi32, #tpu.memory_space<hbm>> -> memref<160x128xi32, #tpu.memory_space<hbm>>
      tpu.enqueue_dma source(%dma_start3A_196 : memref<160x128xi32, #tpu.memory_space<hbm>>) target(%arg8 : memref<160x128xi32, #tpu.memory_space<vmem>>) target_semaphore(%run_scoped3A : memref<!tpu.dma_semaphore, #tpu.memory_space<semaphore_mem>>)
      %dma_wait3A_197 = arith.constant 0 : i32
      %dma_wait3A_198 = arith.constant 0 : i32
      %dma_wait3A_199 = tpu.memref_slice %arg3[%add3A, %dma_wait3A_197, %dma_wait3A_198] : memref<32x160x128xi32, #tpu.memory_space<hbm>> -> memref<1x160x128xi32, #tpu.memory_space<hbm>>
      %dma_wait3A_200 = tpu.memref_squeeze %dma_wait3A_199 : memref<1x160x128xi32, #tpu.memory_space<hbm>> -> memref<160x128xi32, #tpu.memory_space<hbm>>
      %dma_wait3A_201 = arith.constant 0 : i32
      %dma_wait3A_202 = arith.constant 0 : i32
      %dma_wait3A_203 = tpu.memref_slice %arg3[%add3A, %dma_wait3A_201, %dma_wait3A_202] : memref<32x160x128xi32, #tpu.memory_space<hbm>> -> memref<1x160x128xi32, #tpu.memory_space<hbm>>
      %dma_wait3A_204 = tpu.memref_squeeze %dma_wait3A_203 : memref<1x160x128xi32, #tpu.memory_space<hbm>> -> memref<160x128xi32, #tpu.memory_space<hbm>>
      tpu.wait_dma2 semaphore(%run_scoped3A : memref<!tpu.dma_semaphore, #tpu.memory_space<semaphore_mem>>) src(%dma_wait3A_204 : memref<160x128xi32, #tpu.memory_space<hbm>>) dst(%arg8 : memref<160x128xi32, #tpu.memory_space<vmem>>)
      tpu.yield
    }) : () -> ()
    %dma_start3A = arith.constant 0 : i32
    %dma_start3A_1 = arith.constant 0 : i32
    %dma_start3A_2 = tpu.memref_slice %arg8[%dma_start3A, %dma_start3A_1] : memref<160x128xi32, #tpu.memory_space<vmem>> -> memref<1x128xi32, #tpu.memory_space<vmem>>
    %dma_start3A_3 = tpu.memref_squeeze %dma_start3A_2 : memref<1x128xi32, #tpu.memory_space<vmem>> -> memref<128xi32, #tpu.memory_space<vmem>>
    %dma_start3A_4 = arith.constant 0 : i32
    %dma_start3A_5 = arith.constant 0 : i32
    %dma_start3A_6 = tpu.memref_slice %arg2[%dma_start3A_4, %dma_start3A_5] : memref<20000x64xf32, #tpu.memory_space<hbm>> -> memref<20000x64xf32, #tpu.memory_space<hbm>>
    tpu.enqueue_indirect_dma source(%dma_start3A_6 : memref<20000x64xf32, #tpu.memory_space<hbm>>) target(%arg11 : memref<128x64xf32, #tpu.memory_space<vmem>>) offsets(%dma_start3A_3 : memref<128xi32, #tpu.memory_space<vmem>>) semaphore(%arg17 : memref<!tpu.dma_semaphore, #tpu.memory_space<semaphore_mem>>)
    %dma_start3A_7 = arith.constant 1 : i32
    %dma_start3A_8 = arith.constant 0 : i32
    %dma_start3A_9 = tpu.memref_slice %arg8[%dma_start3A_7, %dma_start3A_8] : memref<160x128xi32, #tpu.memory_space<vmem>> -> memref<1x128xi32, #tpu.memory_space<vmem>>
    %dma_start3A_10 = tpu.memref_squeeze %dma_start3A_9 : memref<1x128xi32, #tpu.memory_space<vmem>> -> memref<128xi32, #tpu.memory_space<vmem>>
    %dma_start3A_11 = arith.constant 0 : i32
    %dma_start3A_12 = arith.constant 0 : i32
    %dma_start3A_13 = tpu.memref_slice %arg2[%dma_start3A_11, %dma_start3A_12] : memref<20000x64xf32, #tpu.memory_space<hbm>> -> memref<20000x64xf32, #tpu.memory_space<hbm>>
    tpu.enqueue_indirect_dma source(%dma_start3A_13 : memref<20000x64xf32, #tpu.memory_space<hbm>>) target(%arg12 : memref<128x64xf32, #tpu.memory_space<vmem>>) offsets(%dma_start3A_10 : memref<128xi32, #tpu.memory_space<vmem>>) semaphore(%arg18 : memref<!tpu.dma_semaphore, #tpu.memory_space<semaphore_mem>>)
    "tpu.region"() ({
      %run_scoped3A = tpu.sem_alloc : memref<!tpu.dma_semaphore, #tpu.memory_space<semaphore_mem>>
      %dma_start3A_189 = arith.constant 0 : i32
      %dma_start3A_190 = arith.constant 0 : i32
      %dma_start3A_191 = tpu.memref_slice %arg4[%arg1, %dma_start3A_189, %dma_start3A_190] : memref<16x160x128xi32, #tpu.memory_space<hbm>> -> memref<1x160x128xi32, #tpu.memory_space<hbm>>
      %dma_start3A_192 = tpu.memref_squeeze %dma_start3A_191 : memref<1x160x128xi32, #tpu.memory_space<hbm>> -> memref<160x128xi32, #tpu.memory_space<hbm>>
      %dma_start3A_193 = arith.constant 0 : i32
      %dma_start3A_194 = arith.constant 0 : i32
      %dma_start3A_195 = tpu.memref_slice %arg4[%arg1, %dma_start3A_193, %dma_start3A_194] : memref<16x160x128xi32, #tpu.memory_space<hbm>> -> memref<1x160x128xi32, #tpu.memory_space<hbm>>
      %dma_start3A_196 = tpu.memref_squeeze %dma_start3A_195 : memref<1x160x128xi32, #tpu.memory_space<hbm>> -> memref<160x128xi32, #tpu.memory_space<hbm>>
      tpu.enqueue_dma source(%dma_start3A_196 : memref<160x128xi32, #tpu.memory_space<hbm>>) target(%arg9 : memref<160x128xi32, #tpu.memory_space<vmem>>) target_semaphore(%run_scoped3A : memref<!tpu.dma_semaphore, #tpu.memory_space<semaphore_mem>>)
      %dma_wait3A_197 = arith.constant 0 : i32
      %dma_wait3A_198 = arith.constant 0 : i32
      %dma_wait3A_199 = tpu.memref_slice %arg4[%arg1, %dma_wait3A_197, %dma_wait3A_198] : memref<16x160x128xi32, #tpu.memory_space<hbm>> -> memref<1x160x128xi32, #tpu.memory_space<hbm>>
      %dma_wait3A_200 = tpu.memref_squeeze %dma_wait3A_199 : memref<1x160x128xi32, #tpu.memory_space<hbm>> -> memref<160x128xi32, #tpu.memory_space<hbm>>
      %dma_wait3A_201 = arith.constant 0 : i32
      %dma_wait3A_202 = arith.constant 0 : i32
      %dma_wait3A_203 = tpu.memref_slice %arg4[%arg1, %dma_wait3A_201, %dma_wait3A_202] : memref<16x160x128xi32, #tpu.memory_space<hbm>> -> memref<1x160x128xi32, #tpu.memory_space<hbm>>
      %dma_wait3A_204 = tpu.memref_squeeze %dma_wait3A_203 : memref<1x160x128xi32, #tpu.memory_space<hbm>> -> memref<160x128xi32, #tpu.memory_space<hbm>>
      tpu.wait_dma2 semaphore(%run_scoped3A : memref<!tpu.dma_semaphore, #tpu.memory_space<semaphore_mem>>) src(%dma_wait3A_204 : memref<160x128xi32, #tpu.memory_space<hbm>>) dst(%arg9 : memref<160x128xi32, #tpu.memory_space<vmem>>)
      tpu.yield
    }) : () -> ()
    "tpu.region"() ({
      %run_scoped3A = tpu.sem_alloc : memref<!tpu.dma_semaphore, #tpu.memory_space<semaphore_mem>>
      %dma_start3A_189 = arith.constant 0 : i32
      %dma_start3A_190 = arith.constant 0 : i32
      %dma_start3A_191 = tpu.memref_slice %arg6[%add3A, %dma_start3A_189, %dma_start3A_190] : memref<32x5x128xi32, #tpu.memory_space<hbm>> -> memref<1x5x128xi32, #tpu.memory_space<hbm>>
      %dma_start3A_192 = tpu.memref_squeeze %dma_start3A_191 : memref<1x5x128xi32, #tpu.memory_space<hbm>> -> memref<5x128xi32, #tpu.memory_space<hbm>>
      %dma_start3A_193 = arith.constant 0 : i32
      %dma_start3A_194 = arith.constant 0 : i32
      %dma_start3A_195 = tpu.memref_slice %arg6[%add3A, %dma_start3A_193, %dma_start3A_194] : memref<32x5x128xi32, #tpu.memory_space<hbm>> -> memref<1x5x128xi32, #tpu.memory_space<hbm>>
      %dma_start3A_196 = tpu.memref_squeeze %dma_start3A_195 : memref<1x5x128xi32, #tpu.memory_space<hbm>> -> memref<5x128xi32, #tpu.memory_space<hbm>>
      tpu.enqueue_dma source(%dma_start3A_196 : memref<5x128xi32, #tpu.memory_space<hbm>>) target(%arg10 : memref<5x128xi32, #tpu.memory_space<vmem>>) target_semaphore(%run_scoped3A : memref<!tpu.dma_semaphore, #tpu.memory_space<semaphore_mem>>)
      %dma_wait3A_197 = arith.constant 0 : i32
      %dma_wait3A_198 = arith.constant 0 : i32
      %dma_wait3A_199 = tpu.memref_slice %arg6[%add3A, %dma_wait3A_197, %dma_wait3A_198] : memref<32x5x128xi32, #tpu.memory_space<hbm>> -> memref<1x5x128xi32, #tpu.memory_space<hbm>>
      %dma_wait3A_200 = tpu.memref_squeeze %dma_wait3A_199 : memref<1x5x128xi32, #tpu.memory_space<hbm>> -> memref<5x128xi32, #tpu.memory_space<hbm>>
      %dma_wait3A_201 = arith.constant 0 : i32
      %dma_wait3A_202 = arith.constant 0 : i32
      %dma_wait3A_203 = tpu.memref_slice %arg6[%add3A, %dma_wait3A_201, %dma_wait3A_202] : memref<32x5x128xi32, #tpu.memory_space<hbm>> -> memref<1x5x128xi32, #tpu.memory_space<hbm>>
      %dma_wait3A_204 = tpu.memref_squeeze %dma_wait3A_203 : memref<1x5x128xi32, #tpu.memory_space<hbm>> -> memref<5x128xi32, #tpu.memory_space<hbm>>
      tpu.wait_dma2 semaphore(%run_scoped3A : memref<!tpu.dma_semaphore, #tpu.memory_space<semaphore_mem>>) src(%dma_wait3A_204 : memref<5x128xi32, #tpu.memory_space<hbm>>) dst(%arg10 : memref<5x128xi32, #tpu.memory_space<vmem>>)
      tpu.yield
    }) : () -> ()
    "tpu.region"() ({
      %run_scoped3A = tpu.sem_alloc : memref<!tpu.dma_semaphore, #tpu.memory_space<semaphore_mem>>
      tpu.enqueue_dma source(%arg5 : memref<128x64xf32, #tpu.memory_space<hbm>>) target(%arg15 : memref<128x64xf32, #tpu.memory_space<vmem>>) target_semaphore(%run_scoped3A : memref<!tpu.dma_semaphore, #tpu.memory_space<semaphore_mem>>)
      tpu.wait_dma2 semaphore(%run_scoped3A : memref<!tpu.dma_semaphore, #tpu.memory_space<semaphore_mem>>) src(%arg5 : memref<128x64xf32, #tpu.memory_space<hbm>>) dst(%arg15 : memref<128x64xf32, #tpu.memory_space<vmem>>)
      tpu.yield
    }) : () -> ()
    %mul3A_14 = arith.constant 640 : i32
    %mul3A_15 = arith.muli %arg1, %mul3A_14 : i32
    %add3A_16 = arith.constant 0 : i32
    %add3A_17 = arith.addi %mul3A_15, %add3A_16 : i32
    "tpu.region"() ({
      %run_scoped3A = tpu.sem_alloc : memref<!tpu.dma_semaphore, #tpu.memory_space<semaphore_mem>>
      %dma_start3A_189 = arith.constant 0 : i32
      %dma_start3A_190 = tpu.memref_slice %arg16[%add3A_17, %dma_start3A_189] : memref<10240x64xf32, #tpu.memory_space<vmem_shared>> -> memref<128x64xf32, #tpu.memory_space<vmem_shared>>
      %dma_start3A_191 = arith.constant 0 : i32
      %dma_start3A_192 = tpu.memref_slice %arg16[%add3A_17, %dma_start3A_191] : memref<10240x64xf32, #tpu.memory_space<vmem_shared>> -> memref<128x64xf32, #tpu.memory_space<vmem_shared>>
      tpu.enqueue_dma source(%arg15 : memref<128x64xf32, #tpu.memory_space<vmem>>) target(%dma_start3A_192 : memref<128x64xf32, #tpu.memory_space<vmem_shared>>) target_semaphore(%run_scoped3A : memref<!tpu.dma_semaphore, #tpu.memory_space<semaphore_mem>>)
      %dma_wait3A_193 = arith.constant 0 : i32
      %dma_wait3A_194 = tpu.memref_slice %arg16[%add3A_17, %dma_wait3A_193] : memref<10240x64xf32, #tpu.memory_space<vmem_shared>> -> memref<128x64xf32, #tpu.memory_space<vmem_shared>>
      %dma_wait3A_195 = arith.constant 0 : i32
      %dma_wait3A_196 = tpu.memref_slice %arg16[%add3A_17, %dma_wait3A_195] : memref<10240x64xf32, #tpu.memory_space<vmem_shared>> -> memref<128x64xf32, #tpu.memory_space<vmem_shared>>
      tpu.wait_dma2 semaphore(%run_scoped3A : memref<!tpu.dma_semaphore, #tpu.memory_space<semaphore_mem>>) src(%arg15 : memref<128x64xf32, #tpu.memory_space<vmem>>) dst(%dma_wait3A_196 : memref<128x64xf32, #tpu.memory_space<vmem_shared>>)
      tpu.yield
    }) : () -> ()
    %add3A_18 = arith.constant 128 : i32
    %add3A_19 = arith.addi %mul3A_15, %add3A_18 : i32
    "tpu.region"() ({
      %run_scoped3A = tpu.sem_alloc : memref<!tpu.dma_semaphore, #tpu.memory_space<semaphore_mem>>
      %dma_start3A_189 = arith.constant 0 : i32
      %dma_start3A_190 = tpu.memref_slice %arg16[%add3A_19, %dma_start3A_189] : memref<10240x64xf32, #tpu.memory_space<vmem_shared>> -> memref<128x64xf32, #tpu.memory_space<vmem_shared>>
      %dma_start3A_191 = arith.constant 0 : i32
      %dma_start3A_192 = tpu.memref_slice %arg16[%add3A_19, %dma_start3A_191] : memref<10240x64xf32, #tpu.memory_space<vmem_shared>> -> memref<128x64xf32, #tpu.memory_space<vmem_shared>>
      tpu.enqueue_dma source(%arg15 : memref<128x64xf32, #tpu.memory_space<vmem>>) target(%dma_start3A_192 : memref<128x64xf32, #tpu.memory_space<vmem_shared>>) target_semaphore(%run_scoped3A : memref<!tpu.dma_semaphore, #tpu.memory_space<semaphore_mem>>)
      %dma_wait3A_193 = arith.constant 0 : i32
      %dma_wait3A_194 = tpu.memref_slice %arg16[%add3A_19, %dma_wait3A_193] : memref<10240x64xf32, #tpu.memory_space<vmem_shared>> -> memref<128x64xf32, #tpu.memory_space<vmem_shared>>
      %dma_wait3A_195 = arith.constant 0 : i32
      %dma_wait3A_196 = tpu.memref_slice %arg16[%add3A_19, %dma_wait3A_195] : memref<10240x64xf32, #tpu.memory_space<vmem_shared>> -> memref<128x64xf32, #tpu.memory_space<vmem_shared>>
      tpu.wait_dma2 semaphore(%run_scoped3A : memref<!tpu.dma_semaphore, #tpu.memory_space<semaphore_mem>>) src(%arg15 : memref<128x64xf32, #tpu.memory_space<vmem>>) dst(%dma_wait3A_196 : memref<128x64xf32, #tpu.memory_space<vmem_shared>>)
      tpu.yield
    }) : () -> ()
    %add3A_20 = arith.constant 256 : i32
    %add3A_21 = arith.addi %mul3A_15, %add3A_20 : i32
    "tpu.region"() ({
      %run_scoped3A = tpu.sem_alloc : memref<!tpu.dma_semaphore, #tpu.memory_space<semaphore_mem>>
      %dma_start3A_189 = arith.constant 0 : i32
      %dma_start3A_190 = tpu.memref_slice %arg16[%add3A_21, %dma_start3A_189] : memref<10240x64xf32, #tpu.memory_space<vmem_shared>> -> memref<128x64xf32, #tpu.memory_space<vmem_shared>>
      %dma_start3A_191 = arith.constant 0 : i32
      %dma_start3A_192 = tpu.memref_slice %arg16[%add3A_21, %dma_start3A_191] : memref<10240x64xf32, #tpu.memory_space<vmem_shared>> -> memref<128x64xf32, #tpu.memory_space<vmem_shared>>
      tpu.enqueue_dma source(%arg15 : memref<128x64xf32, #tpu.memory_space<vmem>>) target(%dma_start3A_192 : memref<128x64xf32, #tpu.memory_space<vmem_shared>>) target_semaphore(%run_scoped3A : memref<!tpu.dma_semaphore, #tpu.memory_space<semaphore_mem>>)
      %dma_wait3A_193 = arith.constant 0 : i32
      %dma_wait3A_194 = tpu.memref_slice %arg16[%add3A_21, %dma_wait3A_193] : memref<10240x64xf32, #tpu.memory_space<vmem_shared>> -> memref<128x64xf32, #tpu.memory_space<vmem_shared>>
      %dma_wait3A_195 = arith.constant 0 : i32
      %dma_wait3A_196 = tpu.memref_slice %arg16[%add3A_21, %dma_wait3A_195] : memref<10240x64xf32, #tpu.memory_space<vmem_shared>> -> memref<128x64xf32, #tpu.memory_space<vmem_shared>>
      tpu.wait_dma2 semaphore(%run_scoped3A : memref<!tpu.dma_semaphore, #tpu.memory_space<semaphore_mem>>) src(%arg15 : memref<128x64xf32, #tpu.memory_space<vmem>>) dst(%dma_wait3A_196 : memref<128x64xf32, #tpu.memory_space<vmem_shared>>)
      tpu.yield
    }) : () -> ()
    %add3A_22 = arith.constant 384 : i32
    %add3A_23 = arith.addi %mul3A_15, %add3A_22 : i32
    "tpu.region"() ({
      %run_scoped3A = tpu.sem_alloc : memref<!tpu.dma_semaphore, #tpu.memory_space<semaphore_mem>>
      %dma_start3A_189 = arith.constant 0 : i32
      %dma_start3A_190 = tpu.memref_slice %arg16[%add3A_23, %dma_start3A_189] : memref<10240x64xf32, #tpu.memory_space<vmem_shared>> -> memref<128x64xf32, #tpu.memory_space<vmem_shared>>
      %dma_start3A_191 = arith.constant 0 : i32
      %dma_start3A_192 = tpu.memref_slice %arg16[%add3A_23, %dma_start3A_191] : memref<10240x64xf32, #tpu.memory_space<vmem_shared>> -> memref<128x64xf32, #tpu.memory_space<vmem_shared>>
      tpu.enqueue_dma source(%arg15 : memref<128x64xf32, #tpu.memory_space<vmem>>) target(%dma_start3A_192 : memref<128x64xf32, #tpu.memory_space<vmem_shared>>) target_semaphore(%run_scoped3A : memref<!tpu.dma_semaphore, #tpu.memory_space<semaphore_mem>>)
      %dma_wait3A_193 = arith.constant 0 : i32
      %dma_wait3A_194 = tpu.memref_slice %arg16[%add3A_23, %dma_wait3A_193] : memref<10240x64xf32, #tpu.memory_space<vmem_shared>> -> memref<128x64xf32, #tpu.memory_space<vmem_shared>>
      %dma_wait3A_195 = arith.constant 0 : i32
      %dma_wait3A_196 = tpu.memref_slice %arg16[%add3A_23, %dma_wait3A_195] : memref<10240x64xf32, #tpu.memory_space<vmem_shared>> -> memref<128x64xf32, #tpu.memory_space<vmem_shared>>
      tpu.wait_dma2 semaphore(%run_scoped3A : memref<!tpu.dma_semaphore, #tpu.memory_space<semaphore_mem>>) src(%arg15 : memref<128x64xf32, #tpu.memory_space<vmem>>) dst(%dma_wait3A_196 : memref<128x64xf32, #tpu.memory_space<vmem_shared>>)
      tpu.yield
    }) : () -> ()
    %add3A_24 = arith.constant 512 : i32
    %add3A_25 = arith.addi %mul3A_15, %add3A_24 : i32
    "tpu.region"() ({
      %run_scoped3A = tpu.sem_alloc : memref<!tpu.dma_semaphore, #tpu.memory_space<semaphore_mem>>
      %dma_start3A_189 = arith.constant 0 : i32
      %dma_start3A_190 = tpu.memref_slice %arg16[%add3A_25, %dma_start3A_189] : memref<10240x64xf32, #tpu.memory_space<vmem_shared>> -> memref<128x64xf32, #tpu.memory_space<vmem_shared>>
      %dma_start3A_191 = arith.constant 0 : i32
      %dma_start3A_192 = tpu.memref_slice %arg16[%add3A_25, %dma_start3A_191] : memref<10240x64xf32, #tpu.memory_space<vmem_shared>> -> memref<128x64xf32, #tpu.memory_space<vmem_shared>>
      tpu.enqueue_dma source(%arg15 : memref<128x64xf32, #tpu.memory_space<vmem>>) target(%dma_start3A_192 : memref<128x64xf32, #tpu.memory_space<vmem_shared>>) target_semaphore(%run_scoped3A : memref<!tpu.dma_semaphore, #tpu.memory_space<semaphore_mem>>)
      %dma_wait3A_193 = arith.constant 0 : i32
      %dma_wait3A_194 = tpu.memref_slice %arg16[%add3A_25, %dma_wait3A_193] : memref<10240x64xf32, #tpu.memory_space<vmem_shared>> -> memref<128x64xf32, #tpu.memory_space<vmem_shared>>
      %dma_wait3A_195 = arith.constant 0 : i32
      %dma_wait3A_196 = tpu.memref_slice %arg16[%add3A_25, %dma_wait3A_195] : memref<10240x64xf32, #tpu.memory_space<vmem_shared>> -> memref<128x64xf32, #tpu.memory_space<vmem_shared>>
      tpu.wait_dma2 semaphore(%run_scoped3A : memref<!tpu.dma_semaphore, #tpu.memory_space<semaphore_mem>>) src(%arg15 : memref<128x64xf32, #tpu.memory_space<vmem>>) dst(%dma_wait3A_196 : memref<128x64xf32, #tpu.memory_space<vmem_shared>>)
      tpu.yield
    }) : () -> ()
    %barrier3A = arith.constant 0 : index
    tpu.barrier barrier_id(%barrier3A)
    %scan3A = arith.constant 0 : i32
    %scan3A_26 = arith.constant 0 : i32
    %scan3A_27 = arith.constant 40 : i32
    %scan3A_28 = arith.addi %scan3A_26, %scan3A_27 : i32
    %scan3A_29 = arith.constant 1 : i32
    scf.for %scan3A_189 = %scan3A_26 to %scan3A_28 step %scan3A_29  : i32 {
      %mul3A_190 = arith.constant 4 : i32
      %mul3A_191 = arith.muli %scan3A_189, %mul3A_190 : i32
      %add3A_192 = arith.constant 0 : i32
      %add3A_193 = arith.addi %mul3A_191, %add3A_192 : i32
      %add3A_194 = arith.constant 2 : i32
      %add3A_195 = arith.addi %add3A_193, %add3A_194 : i32
      %lt3A = arith.constant 160 : i32
      %lt3A_196 = arith.cmpi slt, %add3A_195, %lt3A : i32
      %convert_element_type3A = arith.extui %lt3A_196 : i1 to i32
      %cond3A = arith.constant 0 : i32
      %cond3A_197 = arith.cmpi ne, %convert_element_type3A, %cond3A : i32
      scf.if %cond3A_197 {
        %ge3A = arith.constant 4 : i32
        %ge3A_279 = arith.cmpi sge, %add3A_195, %ge3A : i32
        %convert_element_type3A_280 = arith.extui %ge3A_279 : i1 to i32
        %cond3A_281 = arith.constant 0 : i32
        %cond3A_282 = arith.cmpi ne, %convert_element_type3A_280, %cond3A_281 : i32
        scf.if %cond3A_282 {
          %dma_wait3A_289 = arith.constant 0 : i32
          %dma_wait3A_290 = arith.constant 0 : i32
          %dma_wait3A_291 = tpu.memref_slice %arg9[%dma_wait3A_289, %dma_wait3A_290] : memref<160x128xi32, #tpu.memory_space<vmem>> -> memref<1x128xi32, #tpu.memory_space<vmem>>
          %dma_wait3A_292 = tpu.memref_squeeze %dma_wait3A_291 : memref<1x128xi32, #tpu.memory_space<vmem>> -> memref<128xi32, #tpu.memory_space<vmem>>
          %dma_wait3A_293 = arith.constant 0 : i32
          %dma_wait3A_294 = arith.constant 0 : i32
          %dma_wait3A_295 = tpu.memref_slice %arg16[%dma_wait3A_293, %dma_wait3A_294] : memref<10240x64xf32, #tpu.memory_space<vmem_shared>> -> memref<10240x64xf32, #tpu.memory_space<vmem_shared>>
          tpu.wait_indirect_dma semaphore(%arg23 : memref<!tpu.dma_semaphore, #tpu.memory_space<semaphore_mem>>) src(%arg13 : memref<128x64xf32, #tpu.memory_space<vmem>>) dst(%dma_wait3A_295 : memref<10240x64xf32, #tpu.memory_space<vmem_shared>>)
        } else {
        }
        %dma_start3A_283 = arith.constant 0 : i32
        %dma_start3A_284 = tpu.memref_slice %arg8[%add3A_195, %dma_start3A_283] : memref<160x128xi32, #tpu.memory_space<vmem>> -> memref<1x128xi32, #tpu.memory_space<vmem>>
        %dma_start3A_285 = tpu.memref_squeeze %dma_start3A_284 : memref<1x128xi32, #tpu.memory_space<vmem>> -> memref<128xi32, #tpu.memory_space<vmem>>
        %dma_start3A_286 = arith.constant 0 : i32
        %dma_start3A_287 = arith.constant 0 : i32
        %dma_start3A_288 = tpu.memref_slice %arg2[%dma_start3A_286, %dma_start3A_287] : memref<20000x64xf32, #tpu.memory_space<hbm>> -> memref<20000x64xf32, #tpu.memory_space<hbm>>
        tpu.enqueue_indirect_dma source(%dma_start3A_288 : memref<20000x64xf32, #tpu.memory_space<hbm>>) target(%arg13 : memref<128x64xf32, #tpu.memory_space<vmem>>) offsets(%dma_start3A_285 : memref<128xi32, #tpu.memory_space<vmem>>) semaphore(%arg19 : memref<!tpu.dma_semaphore, #tpu.memory_space<semaphore_mem>>)
      } else {
      }
      %dma_wait3A_198 = arith.constant 0 : i32
      %dma_wait3A_199 = tpu.memref_slice %arg8[%add3A_193, %dma_wait3A_198] : memref<160x128xi32, #tpu.memory_space<vmem>> -> memref<1x128xi32, #tpu.memory_space<vmem>>
      %dma_wait3A_200 = tpu.memref_squeeze %dma_wait3A_199 : memref<1x128xi32, #tpu.memory_space<vmem>> -> memref<128xi32, #tpu.memory_space<vmem>>
      %dma_wait3A_201 = arith.constant 0 : i32
      %dma_wait3A_202 = arith.constant 0 : i32
      %dma_wait3A_203 = tpu.memref_slice %arg2[%dma_wait3A_201, %dma_wait3A_202] : memref<20000x64xf32, #tpu.memory_space<hbm>> -> memref<20000x64xf32, #tpu.memory_space<hbm>>
      tpu.wait_indirect_dma semaphore(%arg17 : memref<!tpu.dma_semaphore, #tpu.memory_space<semaphore_mem>>) src(%dma_wait3A_203 : memref<20000x64xf32, #tpu.memory_space<hbm>>) dst(%arg11 : memref<128x64xf32, #tpu.memory_space<vmem>>)
      %dma_start3A_204 = arith.constant 0 : i32
      %dma_start3A_205 = tpu.memref_slice %arg9[%add3A_193, %dma_start3A_204] : memref<160x128xi32, #tpu.memory_space<vmem>> -> memref<1x128xi32, #tpu.memory_space<vmem>>
      %dma_start3A_206 = tpu.memref_squeeze %dma_start3A_205 : memref<1x128xi32, #tpu.memory_space<vmem>> -> memref<128xi32, #tpu.memory_space<vmem>>
      %dma_start3A_207 = arith.constant 0 : i32
      %dma_start3A_208 = arith.constant 0 : i32
      %dma_start3A_209 = tpu.memref_slice %arg16[%dma_start3A_207, %dma_start3A_208] : memref<10240x64xf32, #tpu.memory_space<vmem_shared>> -> memref<10240x64xf32, #tpu.memory_space<vmem_shared>>
      tpu.enqueue_indirect_dma source(%arg11 : memref<128x64xf32, #tpu.memory_space<vmem>>) target(%dma_start3A_209 : memref<10240x64xf32, #tpu.memory_space<vmem_shared>>) offsets(%dma_start3A_206 : memref<128xi32, #tpu.memory_space<vmem>>) semaphore(%arg21 : memref<!tpu.dma_semaphore, #tpu.memory_space<semaphore_mem>>) {add = true}
      %mul3A_210 = arith.constant 4 : i32
      %mul3A_211 = arith.muli %scan3A_189, %mul3A_210 : i32
      %add3A_212 = arith.constant 1 : i32
      %add3A_213 = arith.addi %mul3A_211, %add3A_212 : i32
      %add3A_214 = arith.constant 2 : i32
      %add3A_215 = arith.addi %add3A_213, %add3A_214 : i32
      %lt3A_216 = arith.constant 160 : i32
      %lt3A_217 = arith.cmpi slt, %add3A_215, %lt3A_216 : i32
      %convert_element_type3A_218 = arith.extui %lt3A_217 : i1 to i32
      %cond3A_219 = arith.constant 0 : i32
      %cond3A_220 = arith.cmpi ne, %convert_element_type3A_218, %cond3A_219 : i32
      scf.if %cond3A_220 {
        %ge3A = arith.constant 4 : i32
        %ge3A_279 = arith.cmpi sge, %add3A_215, %ge3A : i32
        %convert_element_type3A_280 = arith.extui %ge3A_279 : i1 to i32
        %cond3A_281 = arith.constant 0 : i32
        %cond3A_282 = arith.cmpi ne, %convert_element_type3A_280, %cond3A_281 : i32
        scf.if %cond3A_282 {
          %dma_wait3A_289 = arith.constant 0 : i32
          %dma_wait3A_290 = arith.constant 0 : i32
          %dma_wait3A_291 = tpu.memref_slice %arg9[%dma_wait3A_289, %dma_wait3A_290] : memref<160x128xi32, #tpu.memory_space<vmem>> -> memref<1x128xi32, #tpu.memory_space<vmem>>
          %dma_wait3A_292 = tpu.memref_squeeze %dma_wait3A_291 : memref<1x128xi32, #tpu.memory_space<vmem>> -> memref<128xi32, #tpu.memory_space<vmem>>
          %dma_wait3A_293 = arith.constant 0 : i32
          %dma_wait3A_294 = arith.constant 0 : i32
          %dma_wait3A_295 = tpu.memref_slice %arg16[%dma_wait3A_293, %dma_wait3A_294] : memref<10240x64xf32, #tpu.memory_space<vmem_shared>> -> memref<10240x64xf32, #tpu.memory_space<vmem_shared>>
          tpu.wait_indirect_dma semaphore(%arg24 : memref<!tpu.dma_semaphore, #tpu.memory_space<semaphore_mem>>) src(%arg14 : memref<128x64xf32, #tpu.memory_space<vmem>>) dst(%dma_wait3A_295 : memref<10240x64xf32, #tpu.memory_space<vmem_shared>>)
        } else {
        }
        %dma_start3A_283 = arith.constant 0 : i32
        %dma_start3A_284 = tpu.memref_slice %arg8[%add3A_215, %dma_start3A_283] : memref<160x128xi32, #tpu.memory_space<vmem>> -> memref<1x128xi32, #tpu.memory_space<vmem>>
        %dma_start3A_285 = tpu.memref_squeeze %dma_start3A_284 : memref<1x128xi32, #tpu.memory_space<vmem>> -> memref<128xi32, #tpu.memory_space<vmem>>
        %dma_start3A_286 = arith.constant 0 : i32
        %dma_start3A_287 = arith.constant 0 : i32
        %dma_start3A_288 = tpu.memref_slice %arg2[%dma_start3A_286, %dma_start3A_287] : memref<20000x64xf32, #tpu.memory_space<hbm>> -> memref<20000x64xf32, #tpu.memory_space<hbm>>
        tpu.enqueue_indirect_dma source(%dma_start3A_288 : memref<20000x64xf32, #tpu.memory_space<hbm>>) target(%arg14 : memref<128x64xf32, #tpu.memory_space<vmem>>) offsets(%dma_start3A_285 : memref<128xi32, #tpu.memory_space<vmem>>) semaphore(%arg20 : memref<!tpu.dma_semaphore, #tpu.memory_space<semaphore_mem>>)
      } else {
      }
      %dma_wait3A_221 = arith.constant 0 : i32
      %dma_wait3A_222 = tpu.memref_slice %arg8[%add3A_213, %dma_wait3A_221] : memref<160x128xi32, #tpu.memory_space<vmem>> -> memref<1x128xi32, #tpu.memory_space<vmem>>
      %dma_wait3A_223 = tpu.memref_squeeze %dma_wait3A_222 : memref<1x128xi32, #tpu.memory_space<vmem>> -> memref<128xi32, #tpu.memory_space<vmem>>
      %dma_wait3A_224 = arith.constant 0 : i32
      %dma_wait3A_225 = arith.constant 0 : i32
      %dma_wait3A_226 = tpu.memref_slice %arg2[%dma_wait3A_224, %dma_wait3A_225] : memref<20000x64xf32, #tpu.memory_space<hbm>> -> memref<20000x64xf32, #tpu.memory_space<hbm>>
      tpu.wait_indirect_dma semaphore(%arg18 : memref<!tpu.dma_semaphore, #tpu.memory_space<semaphore_mem>>) src(%dma_wait3A_226 : memref<20000x64xf32, #tpu.memory_space<hbm>>) dst(%arg12 : memref<128x64xf32, #tpu.memory_space<vmem>>)
      %dma_start3A_227 = arith.constant 0 : i32
      %dma_start3A_228 = tpu.memref_slice %arg9[%add3A_213, %dma_start3A_227] : memref<160x128xi32, #tpu.memory_space<vmem>> -> memref<1x128xi32, #tpu.memory_space<vmem>>
      %dma_start3A_229 = tpu.memref_squeeze %dma_start3A_228 : memref<1x128xi32, #tpu.memory_space<vmem>> -> memref<128xi32, #tpu.memory_space<vmem>>
      %dma_start3A_230 = arith.constant 0 : i32
      %dma_start3A_231 = arith.constant 0 : i32
      %dma_start3A_232 = tpu.memref_slice %arg16[%dma_start3A_230, %dma_start3A_231] : memref<10240x64xf32, #tpu.memory_space<vmem_shared>> -> memref<10240x64xf32, #tpu.memory_space<vmem_shared>>
      tpu.enqueue_indirect_dma source(%arg12 : memref<128x64xf32, #tpu.memory_space<vmem>>) target(%dma_start3A_232 : memref<10240x64xf32, #tpu.memory_space<vmem_shared>>) offsets(%dma_start3A_229 : memref<128xi32, #tpu.memory_space<vmem>>) semaphore(%arg22 : memref<!tpu.dma_semaphore, #tpu.memory_space<semaphore_mem>>) {add = true}
      %mul3A_233 = arith.constant 4 : i32
      %mul3A_234 = arith.muli %scan3A_189, %mul3A_233 : i32
      %add3A_235 = arith.constant 2 : i32
      %add3A_236 = arith.addi %mul3A_234, %add3A_235 : i32
      %add3A_237 = arith.constant 2 : i32
      %add3A_238 = arith.addi %add3A_236, %add3A_237 : i32
      %lt3A_239 = arith.constant 160 : i32
      %lt3A_240 = arith.cmpi slt, %add3A_238, %lt3A_239 : i32
      %convert_element_type3A_241 = arith.extui %lt3A_240 : i1 to i32
      %cond3A_242 = arith.constant 0 : i32
      %cond3A_243 = arith.cmpi ne, %convert_element_type3A_241, %cond3A_242 : i32
      scf.if %cond3A_243 {
        %ge3A = arith.constant 4 : i32
        %ge3A_279 = arith.cmpi sge, %add3A_238, %ge3A : i32
        %convert_element_type3A_280 = arith.extui %ge3A_279 : i1 to i32
        %cond3A_281 = arith.constant 0 : i32
        %cond3A_282 = arith.cmpi ne, %convert_element_type3A_280, %cond3A_281 : i32
        scf.if %cond3A_282 {
          %dma_wait3A_289 = arith.constant 0 : i32
          %dma_wait3A_290 = arith.constant 0 : i32
          %dma_wait3A_291 = tpu.memref_slice %arg9[%dma_wait3A_289, %dma_wait3A_290] : memref<160x128xi32, #tpu.memory_space<vmem>> -> memref<1x128xi32, #tpu.memory_space<vmem>>
          %dma_wait3A_292 = tpu.memref_squeeze %dma_wait3A_291 : memref<1x128xi32, #tpu.memory_space<vmem>> -> memref<128xi32, #tpu.memory_space<vmem>>
          %dma_wait3A_293 = arith.constant 0 : i32
          %dma_wait3A_294 = arith.constant 0 : i32
          %dma_wait3A_295 = tpu.memref_slice %arg16[%dma_wait3A_293, %dma_wait3A_294] : memref<10240x64xf32, #tpu.memory_space<vmem_shared>> -> memref<10240x64xf32, #tpu.memory_space<vmem_shared>>
          tpu.wait_indirect_dma semaphore(%arg21 : memref<!tpu.dma_semaphore, #tpu.memory_space<semaphore_mem>>) src(%arg11 : memref<128x64xf32, #tpu.memory_space<vmem>>) dst(%dma_wait3A_295 : memref<10240x64xf32, #tpu.memory_space<vmem_shared>>)
        } else {
        }
        %dma_start3A_283 = arith.constant 0 : i32
        %dma_start3A_284 = tpu.memref_slice %arg8[%add3A_238, %dma_start3A_283] : memref<160x128xi32, #tpu.memory_space<vmem>> -> memref<1x128xi32, #tpu.memory_space<vmem>>
        %dma_start3A_285 = tpu.memref_squeeze %dma_start3A_284 : memref<1x128xi32, #tpu.memory_space<vmem>> -> memref<128xi32, #tpu.memory_space<vmem>>
        %dma_start3A_286 = arith.constant 0 : i32
        %dma_start3A_287 = arith.constant 0 : i32
        %dma_start3A_288 = tpu.memref_slice %arg2[%dma_start3A_286, %dma_start3A_287] : memref<20000x64xf32, #tpu.memory_space<hbm>> -> memref<20000x64xf32, #tpu.memory_space<hbm>>
        tpu.enqueue_indirect_dma source(%dma_start3A_288 : memref<20000x64xf32, #tpu.memory_space<hbm>>) target(%arg11 : memref<128x64xf32, #tpu.memory_space<vmem>>) offsets(%dma_start3A_285 : memref<128xi32, #tpu.memory_space<vmem>>) semaphore(%arg17 : memref<!tpu.dma_semaphore, #tpu.memory_space<semaphore_mem>>)
      } else {
      }
      %dma_wait3A_244 = arith.constant 0 : i32
      %dma_wait3A_245 = tpu.memref_slice %arg8[%add3A_236, %dma_wait3A_244] : memref<160x128xi32, #tpu.memory_space<vmem>> -> memref<1x128xi32, #tpu.memory_space<vmem>>
      %dma_wait3A_246 = tpu.memref_squeeze %dma_wait3A_245 : memref<1x128xi32, #tpu.memory_space<vmem>> -> memref<128xi32, #tpu.memory_space<vmem>>
      %dma_wait3A_247 = arith.constant 0 : i32
      %dma_wait3A_248 = arith.constant 0 : i32
      %dma_wait3A_249 = tpu.memref_slice %arg2[%dma_wait3A_247, %dma_wait3A_248] : memref<20000x64xf32, #tpu.memory_space<hbm>> -> memref<20000x64xf32, #tpu.memory_space<hbm>>
      tpu.wait_indirect_dma semaphore(%arg19 : memref<!tpu.dma_semaphore, #tpu.memory_space<semaphore_mem>>) src(%dma_wait3A_249 : memref<20000x64xf32, #tpu.memory_space<hbm>>) dst(%arg13 : memref<128x64xf32, #tpu.memory_space<vmem>>)
      %dma_start3A_250 = arith.constant 0 : i32
      %dma_start3A_251 = tpu.memref_slice %arg9[%add3A_236, %dma_start3A_250] : memref<160x128xi32, #tpu.memory_space<vmem>> -> memref<1x128xi32, #tpu.memory_space<vmem>>
      %dma_start3A_252 = tpu.memref_squeeze %dma_start3A_251 : memref<1x128xi32, #tpu.memory_space<vmem>> -> memref<128xi32, #tpu.memory_space<vmem>>
      %dma_start3A_253 = arith.constant 0 : i32
      %dma_start3A_254 = arith.constant 0 : i32
      %dma_start3A_255 = tpu.memref_slice %arg16[%dma_start3A_253, %dma_start3A_254] : memref<10240x64xf32, #tpu.memory_space<vmem_shared>> -> memref<10240x64xf32, #tpu.memory_space<vmem_shared>>
      tpu.enqueue_indirect_dma source(%arg13 : memref<128x64xf32, #tpu.memory_space<vmem>>) target(%dma_start3A_255 : memref<10240x64xf32, #tpu.memory_space<vmem_shared>>) offsets(%dma_start3A_252 : memref<128xi32, #tpu.memory_space<vmem>>) semaphore(%arg23 : memref<!tpu.dma_semaphore, #tpu.memory_space<semaphore_mem>>) {add = true}
      %mul3A_256 = arith.constant 4 : i32
      %mul3A_257 = arith.muli %scan3A_189, %mul3A_256 : i32
      %add3A_258 = arith.constant 3 : i32
      %add3A_259 = arith.addi %mul3A_257, %add3A_258 : i32
      %add3A_260 = arith.constant 2 : i32
      %add3A_261 = arith.addi %add3A_259, %add3A_260 : i32
      %lt3A_262 = arith.constant 160 : i32
      %lt3A_263 = arith.cmpi slt, %add3A_261, %lt3A_262 : i32
      %convert_element_type3A_264 = arith.extui %lt3A_263 : i1 to i32
      %cond3A_265 = arith.constant 0 : i32
      %cond3A_266 = arith.cmpi ne, %convert_element_type3A_264, %cond3A_265 : i32
      scf.if %cond3A_266 {
        %ge3A = arith.constant 4 : i32
        %ge3A_279 = arith.cmpi sge, %add3A_261, %ge3A : i32
        %convert_element_type3A_280 = arith.extui %ge3A_279 : i1 to i32
        %cond3A_281 = arith.constant 0 : i32
        %cond3A_282 = arith.cmpi ne, %convert_element_type3A_280, %cond3A_281 : i32
        scf.if %cond3A_282 {
          %dma_wait3A_289 = arith.constant 0 : i32
          %dma_wait3A_290 = arith.constant 0 : i32
          %dma_wait3A_291 = tpu.memref_slice %arg9[%dma_wait3A_289, %dma_wait3A_290] : memref<160x128xi32, #tpu.memory_space<vmem>> -> memref<1x128xi32, #tpu.memory_space<vmem>>
          %dma_wait3A_292 = tpu.memref_squeeze %dma_wait3A_291 : memref<1x128xi32, #tpu.memory_space<vmem>> -> memref<128xi32, #tpu.memory_space<vmem>>
          %dma_wait3A_293 = arith.constant 0 : i32
          %dma_wait3A_294 = arith.constant 0 : i32
          %dma_wait3A_295 = tpu.memref_slice %arg16[%dma_wait3A_293, %dma_wait3A_294] : memref<10240x64xf32, #tpu.memory_space<vmem_shared>> -> memref<10240x64xf32, #tpu.memory_space<vmem_shared>>
          tpu.wait_indirect_dma semaphore(%arg22 : memref<!tpu.dma_semaphore, #tpu.memory_space<semaphore_mem>>) src(%arg12 : memref<128x64xf32, #tpu.memory_space<vmem>>) dst(%dma_wait3A_295 : memref<10240x64xf32, #tpu.memory_space<vmem_shared>>)
        } else {
        }
        %dma_start3A_283 = arith.constant 0 : i32
        %dma_start3A_284 = tpu.memref_slice %arg8[%add3A_261, %dma_start3A_283] : memref<160x128xi32, #tpu.memory_space<vmem>> -> memref<1x128xi32, #tpu.memory_space<vmem>>
        %dma_start3A_285 = tpu.memref_squeeze %dma_start3A_284 : memref<1x128xi32, #tpu.memory_space<vmem>> -> memref<128xi32, #tpu.memory_space<vmem>>
        %dma_start3A_286 = arith.constant 0 : i32
        %dma_start3A_287 = arith.constant 0 : i32
        %dma_start3A_288 = tpu.memref_slice %arg2[%dma_start3A_286, %dma_start3A_287] : memref<20000x64xf32, #tpu.memory_space<hbm>> -> memref<20000x64xf32, #tpu.memory_space<hbm>>
        tpu.enqueue_indirect_dma source(%dma_start3A_288 : memref<20000x64xf32, #tpu.memory_space<hbm>>) target(%arg12 : memref<128x64xf32, #tpu.memory_space<vmem>>) offsets(%dma_start3A_285 : memref<128xi32, #tpu.memory_space<vmem>>) semaphore(%arg18 : memref<!tpu.dma_semaphore, #tpu.memory_space<semaphore_mem>>)
      } else {
      }
      %dma_wait3A_267 = arith.constant 0 : i32
      %dma_wait3A_268 = tpu.memref_slice %arg8[%add3A_259, %dma_wait3A_267] : memref<160x128xi32, #tpu.memory_space<vmem>> -> memref<1x128xi32, #tpu.memory_space<vmem>>
      %dma_wait3A_269 = tpu.memref_squeeze %dma_wait3A_268 : memref<1x128xi32, #tpu.memory_space<vmem>> -> memref<128xi32, #tpu.memory_space<vmem>>
      %dma_wait3A_270 = arith.constant 0 : i32
      %dma_wait3A_271 = arith.constant 0 : i32
      %dma_wait3A_272 = tpu.memref_slice %arg2[%dma_wait3A_270, %dma_wait3A_271] : memref<20000x64xf32, #tpu.memory_space<hbm>> -> memref<20000x64xf32, #tpu.memory_space<hbm>>
      tpu.wait_indirect_dma semaphore(%arg20 : memref<!tpu.dma_semaphore, #tpu.memory_space<semaphore_mem>>) src(%dma_wait3A_272 : memref<20000x64xf32, #tpu.memory_space<hbm>>) dst(%arg14 : memref<128x64xf32, #tpu.memory_space<vmem>>)
      %dma_start3A_273 = arith.constant 0 : i32
      %dma_start3A_274 = tpu.memref_slice %arg9[%add3A_259, %dma_start3A_273] : memref<160x128xi32, #tpu.memory_space<vmem>> -> memref<1x128xi32, #tpu.memory_space<vmem>>
      %dma_start3A_275 = tpu.memref_squeeze %dma_start3A_274 : memref<1x128xi32, #tpu.memory_space<vmem>> -> memref<128xi32, #tpu.memory_space<vmem>>
      %dma_start3A_276 = arith.constant 0 : i32
      %dma_start3A_277 = arith.constant 0 : i32
      %dma_start3A_278 = tpu.memref_slice %arg16[%dma_start3A_276, %dma_start3A_277] : memref<10240x64xf32, #tpu.memory_space<vmem_shared>> -> memref<10240x64xf32, #tpu.memory_space<vmem_shared>>
      tpu.enqueue_indirect_dma source(%arg14 : memref<128x64xf32, #tpu.memory_space<vmem>>) target(%dma_start3A_278 : memref<10240x64xf32, #tpu.memory_space<vmem_shared>>) offsets(%dma_start3A_275 : memref<128xi32, #tpu.memory_space<vmem>>) semaphore(%arg24 : memref<!tpu.dma_semaphore, #tpu.memory_space<semaphore_mem>>) {add = true}
    }
    %scan3A_30 = arith.constant 40 : i32
    %dma_wait3A = arith.constant 0 : i32
    %dma_wait3A_31 = arith.constant 0 : i32
    %dma_wait3A_32 = tpu.memref_slice %arg9[%dma_wait3A, %dma_wait3A_31] : memref<160x128xi32, #tpu.memory_space<vmem>> -> memref<1x128xi32, #tpu.memory_space<vmem>>
    %dma_wait3A_33 = tpu.memref_squeeze %dma_wait3A_32 : memref<1x128xi32, #tpu.memory_space<vmem>> -> memref<128xi32, #tpu.memory_space<vmem>>
    %dma_wait3A_34 = arith.constant 0 : i32
    %dma_wait3A_35 = arith.constant 0 : i32
    %dma_wait3A_36 = tpu.memref_slice %arg16[%dma_wait3A_34, %dma_wait3A_35] : memref<10240x64xf32, #tpu.memory_space<vmem_shared>> -> memref<10240x64xf32, #tpu.memory_space<vmem_shared>>
    tpu.wait_indirect_dma semaphore(%arg21 : memref<!tpu.dma_semaphore, #tpu.memory_space<semaphore_mem>>) src(%arg11 : memref<128x64xf32, #tpu.memory_space<vmem>>) dst(%dma_wait3A_36 : memref<10240x64xf32, #tpu.memory_space<vmem_shared>>)
    %dma_wait3A_37 = arith.constant 0 : i32
    %dma_wait3A_38 = arith.constant 0 : i32
    %dma_wait3A_39 = tpu.memref_slice %arg9[%dma_wait3A_37, %dma_wait3A_38] : memref<160x128xi32, #tpu.memory_space<vmem>> -> memref<1x128xi32, #tpu.memory_space<vmem>>
    %dma_wait3A_40 = tpu.memref_squeeze %dma_wait3A_39 : memref<1x128xi32, #tpu.memory_space<vmem>> -> memref<128xi32, #tpu.memory_space<vmem>>
    %dma_wait3A_41 = arith.constant 0 : i32
    %dma_wait3A_42 = arith.constant 0 : i32
    %dma_wait3A_43 = tpu.memref_slice %arg16[%dma_wait3A_41, %dma_wait3A_42] : memref<10240x64xf32, #tpu.memory_space<vmem_shared>> -> memref<10240x64xf32, #tpu.memory_space<vmem_shared>>
    tpu.wait_indirect_dma semaphore(%arg22 : memref<!tpu.dma_semaphore, #tpu.memory_space<semaphore_mem>>) src(%arg12 : memref<128x64xf32, #tpu.memory_space<vmem>>) dst(%dma_wait3A_43 : memref<10240x64xf32, #tpu.memory_space<vmem_shared>>)
    %dma_wait3A_44 = arith.constant 0 : i32
    %dma_wait3A_45 = arith.constant 0 : i32
    %dma_wait3A_46 = tpu.memref_slice %arg9[%dma_wait3A_44, %dma_wait3A_45] : memref<160x128xi32, #tpu.memory_space<vmem>> -> memref<1x128xi32, #tpu.memory_space<vmem>>
    %dma_wait3A_47 = tpu.memref_squeeze %dma_wait3A_46 : memref<1x128xi32, #tpu.memory_space<vmem>> -> memref<128xi32, #tpu.memory_space<vmem>>
    %dma_wait3A_48 = arith.constant 0 : i32
    %dma_wait3A_49 = arith.constant 0 : i32
    %dma_wait3A_50 = tpu.memref_slice %arg16[%dma_wait3A_48, %dma_wait3A_49] : memref<10240x64xf32, #tpu.memory_space<vmem_shared>> -> memref<10240x64xf32, #tpu.memory_space<vmem_shared>>
    tpu.wait_indirect_dma semaphore(%arg23 : memref<!tpu.dma_semaphore, #tpu.memory_space<semaphore_mem>>) src(%arg13 : memref<128x64xf32, #tpu.memory_space<vmem>>) dst(%dma_wait3A_50 : memref<10240x64xf32, #tpu.memory_space<vmem_shared>>)
    %dma_wait3A_51 = arith.constant 0 : i32
    %dma_wait3A_52 = arith.constant 0 : i32
    %dma_wait3A_53 = tpu.memref_slice %arg9[%dma_wait3A_51, %dma_wait3A_52] : memref<160x128xi32, #tpu.memory_space<vmem>> -> memref<1x128xi32, #tpu.memory_space<vmem>>
    %dma_wait3A_54 = tpu.memref_squeeze %dma_wait3A_53 : memref<1x128xi32, #tpu.memory_space<vmem>> -> memref<128xi32, #tpu.memory_space<vmem>>
    %dma_wait3A_55 = arith.constant 0 : i32
    %dma_wait3A_56 = arith.constant 0 : i32
    %dma_wait3A_57 = tpu.memref_slice %arg16[%dma_wait3A_55, %dma_wait3A_56] : memref<10240x64xf32, #tpu.memory_space<vmem_shared>> -> memref<10240x64xf32, #tpu.memory_space<vmem_shared>>
    tpu.wait_indirect_dma semaphore(%arg24 : memref<!tpu.dma_semaphore, #tpu.memory_space<semaphore_mem>>) src(%arg14 : memref<128x64xf32, #tpu.memory_space<vmem>>) dst(%dma_wait3A_57 : memref<10240x64xf32, #tpu.memory_space<vmem_shared>>)
    %barrier3A_58 = arith.constant 0 : index
    tpu.barrier barrier_id(%barrier3A_58)
    %add3A_59 = arith.constant 0 : i32
    %add3A_60 = arith.addi %mul3A_15, %add3A_59 : i32
    %dma_start3A_61 = arith.constant 0 : i32
    %dma_start3A_62 = tpu.memref_slice %arg16[%add3A_60, %dma_start3A_61] : memref<10240x64xf32, #tpu.memory_space<vmem_shared>> -> memref<128x64xf32, #tpu.memory_space<vmem_shared>>
    %dma_start3A_63 = arith.constant 0 : i32
    %dma_start3A_64 = tpu.memref_slice %arg16[%add3A_60, %dma_start3A_63] : memref<10240x64xf32, #tpu.memory_space<vmem_shared>> -> memref<128x64xf32, #tpu.memory_space<vmem_shared>>
    tpu.enqueue_dma source(%dma_start3A_64 : memref<128x64xf32, #tpu.memory_space<vmem_shared>>) target(%arg11 : memref<128x64xf32, #tpu.memory_space<vmem>>) target_semaphore(%arg17 : memref<!tpu.dma_semaphore, #tpu.memory_space<semaphore_mem>>)
    %add3A_65 = arith.constant 128 : i32
    %add3A_66 = arith.addi %mul3A_15, %add3A_65 : i32
    %dma_start3A_67 = arith.constant 0 : i32
    %dma_start3A_68 = tpu.memref_slice %arg16[%add3A_66, %dma_start3A_67] : memref<10240x64xf32, #tpu.memory_space<vmem_shared>> -> memref<128x64xf32, #tpu.memory_space<vmem_shared>>
    %dma_start3A_69 = arith.constant 0 : i32
    %dma_start3A_70 = tpu.memref_slice %arg16[%add3A_66, %dma_start3A_69] : memref<10240x64xf32, #tpu.memory_space<vmem_shared>> -> memref<128x64xf32, #tpu.memory_space<vmem_shared>>
    tpu.enqueue_dma source(%dma_start3A_70 : memref<128x64xf32, #tpu.memory_space<vmem_shared>>) target(%arg12 : memref<128x64xf32, #tpu.memory_space<vmem>>) target_semaphore(%arg18 : memref<!tpu.dma_semaphore, #tpu.memory_space<semaphore_mem>>)
    %add3A_71 = arith.constant 256 : i32
    %add3A_72 = arith.addi %mul3A_15, %add3A_71 : i32
    %dma_start3A_73 = arith.constant 0 : i32
    %dma_start3A_74 = tpu.memref_slice %arg16[%add3A_72, %dma_start3A_73] : memref<10240x64xf32, #tpu.memory_space<vmem_shared>> -> memref<128x64xf32, #tpu.memory_space<vmem_shared>>
    %dma_start3A_75 = arith.constant 0 : i32
    %dma_start3A_76 = tpu.memref_slice %arg16[%add3A_72, %dma_start3A_75] : memref<10240x64xf32, #tpu.memory_space<vmem_shared>> -> memref<128x64xf32, #tpu.memory_space<vmem_shared>>
    tpu.enqueue_dma source(%dma_start3A_76 : memref<128x64xf32, #tpu.memory_space<vmem_shared>>) target(%arg13 : memref<128x64xf32, #tpu.memory_space<vmem>>) target_semaphore(%arg19 : memref<!tpu.dma_semaphore, #tpu.memory_space<semaphore_mem>>)
    %add3A_77 = arith.constant 384 : i32
    %add3A_78 = arith.addi %mul3A_15, %add3A_77 : i32
    %dma_start3A_79 = arith.constant 0 : i32
    %dma_start3A_80 = tpu.memref_slice %arg16[%add3A_78, %dma_start3A_79] : memref<10240x64xf32, #tpu.memory_space<vmem_shared>> -> memref<128x64xf32, #tpu.memory_space<vmem_shared>>
    %dma_start3A_81 = arith.constant 0 : i32
    %dma_start3A_82 = tpu.memref_slice %arg16[%add3A_78, %dma_start3A_81] : memref<10240x64xf32, #tpu.memory_space<vmem_shared>> -> memref<128x64xf32, #tpu.memory_space<vmem_shared>>
    tpu.enqueue_dma source(%dma_start3A_82 : memref<128x64xf32, #tpu.memory_space<vmem_shared>>) target(%arg14 : memref<128x64xf32, #tpu.memory_space<vmem>>) target_semaphore(%arg20 : memref<!tpu.dma_semaphore, #tpu.memory_space<semaphore_mem>>)
    %add3A_83 = arith.constant 512 : i32
    %add3A_84 = arith.addi %mul3A_15, %add3A_83 : i32
    %dma_start3A_85 = arith.constant 0 : i32
    %dma_start3A_86 = tpu.memref_slice %arg16[%add3A_84, %dma_start3A_85] : memref<10240x64xf32, #tpu.memory_space<vmem_shared>> -> memref<128x64xf32, #tpu.memory_space<vmem_shared>>
    %dma_start3A_87 = arith.constant 0 : i32
    %dma_start3A_88 = tpu.memref_slice %arg16[%add3A_84, %dma_start3A_87] : memref<10240x64xf32, #tpu.memory_space<vmem_shared>> -> memref<128x64xf32, #tpu.memory_space<vmem_shared>>
    tpu.enqueue_dma source(%dma_start3A_88 : memref<128x64xf32, #tpu.memory_space<vmem_shared>>) target(%arg15 : memref<128x64xf32, #tpu.memory_space<vmem>>) target_semaphore(%arg21 : memref<!tpu.dma_semaphore, #tpu.memory_space<semaphore_mem>>)
    %add3A_89 = arith.constant 0 : i32
    %add3A_90 = arith.addi %mul3A_15, %add3A_89 : i32
    %dma_wait3A_91 = arith.constant 0 : i32
    %dma_wait3A_92 = tpu.memref_slice %arg16[%add3A_90, %dma_wait3A_91] : memref<10240x64xf32, #tpu.memory_space<vmem_shared>> -> memref<128x64xf32, #tpu.memory_space<vmem_shared>>
    %dma_wait3A_93 = arith.constant 0 : i32
    %dma_wait3A_94 = tpu.memref_slice %arg16[%add3A_90, %dma_wait3A_93] : memref<10240x64xf32, #tpu.memory_space<vmem_shared>> -> memref<128x64xf32, #tpu.memory_space<vmem_shared>>
    tpu.wait_dma2 semaphore(%arg17 : memref<!tpu.dma_semaphore, #tpu.memory_space<semaphore_mem>>) src(%dma_wait3A_94 : memref<128x64xf32, #tpu.memory_space<vmem_shared>>) dst(%arg11 : memref<128x64xf32, #tpu.memory_space<vmem>>)
    %dma_start3A_95 = arith.constant 0 : i32
    %dma_start3A_96 = arith.constant 0 : i32
    %dma_start3A_97 = tpu.memref_slice %arg10[%dma_start3A_95, %dma_start3A_96] : memref<5x128xi32, #tpu.memory_space<vmem>> -> memref<1x128xi32, #tpu.memory_space<vmem>>
    %dma_start3A_98 = tpu.memref_squeeze %dma_start3A_97 : memref<1x128xi32, #tpu.memory_space<vmem>> -> memref<128xi32, #tpu.memory_space<vmem>>
    %dma_start3A_99 = arith.constant 0 : i32
    %dma_start3A_100 = arith.constant 0 : i32
    %dma_start3A_101 = tpu.memref_slice %arg7[%dma_start3A_99, %dma_start3A_100] : memref<20480x64xf32, #tpu.memory_space<hbm>> -> memref<20480x64xf32, #tpu.memory_space<hbm>>
    tpu.enqueue_indirect_dma source(%arg11 : memref<128x64xf32, #tpu.memory_space<vmem>>) target(%dma_start3A_101 : memref<20480x64xf32, #tpu.memory_space<hbm>>) offsets(%dma_start3A_98 : memref<128xi32, #tpu.memory_space<vmem>>) semaphore(%arg22 : memref<!tpu.dma_semaphore, #tpu.memory_space<semaphore_mem>>)
    %add3A_102 = arith.constant 128 : i32
    %add3A_103 = arith.addi %mul3A_15, %add3A_102 : i32
    %dma_wait3A_104 = arith.constant 0 : i32
    %dma_wait3A_105 = tpu.memref_slice %arg16[%add3A_103, %dma_wait3A_104] : memref<10240x64xf32, #tpu.memory_space<vmem_shared>> -> memref<128x64xf32, #tpu.memory_space<vmem_shared>>
    %dma_wait3A_106 = arith.constant 0 : i32
    %dma_wait3A_107 = tpu.memref_slice %arg16[%add3A_103, %dma_wait3A_106] : memref<10240x64xf32, #tpu.memory_space<vmem_shared>> -> memref<128x64xf32, #tpu.memory_space<vmem_shared>>
    tpu.wait_dma2 semaphore(%arg18 : memref<!tpu.dma_semaphore, #tpu.memory_space<semaphore_mem>>) src(%dma_wait3A_107 : memref<128x64xf32, #tpu.memory_space<vmem_shared>>) dst(%arg12 : memref<128x64xf32, #tpu.memory_space<vmem>>)
    %dma_start3A_108 = arith.constant 1 : i32
    %dma_start3A_109 = arith.constant 0 : i32
    %dma_start3A_110 = tpu.memref_slice %arg10[%dma_start3A_108, %dma_start3A_109] : memref<5x128xi32, #tpu.memory_space<vmem>> -> memref<1x128xi32, #tpu.memory_space<vmem>>
    %dma_start3A_111 = tpu.memref_squeeze %dma_start3A_110 : memref<1x128xi32, #tpu.memory_space<vmem>> -> memref<128xi32, #tpu.memory_space<vmem>>
    %dma_start3A_112 = arith.constant 0 : i32
    %dma_start3A_113 = arith.constant 0 : i32
    %dma_start3A_114 = tpu.memref_slice %arg7[%dma_start3A_112, %dma_start3A_113] : memref<20480x64xf32, #tpu.memory_space<hbm>> -> memref<20480x64xf32, #tpu.memory_space<hbm>>
    tpu.enqueue_indirect_dma source(%arg12 : memref<128x64xf32, #tpu.memory_space<vmem>>) target(%dma_start3A_114 : memref<20480x64xf32, #tpu.memory_space<hbm>>) offsets(%dma_start3A_111 : memref<128xi32, #tpu.memory_space<vmem>>) semaphore(%arg23 : memref<!tpu.dma_semaphore, #tpu.memory_space<semaphore_mem>>)
    %add3A_115 = arith.constant 256 : i32
    %add3A_116 = arith.addi %mul3A_15, %add3A_115 : i32
    %dma_wait3A_117 = arith.constant 0 : i32
    %dma_wait3A_118 = tpu.memref_slice %arg16[%add3A_116, %dma_wait3A_117] : memref<10240x64xf32, #tpu.memory_space<vmem_shared>> -> memref<128x64xf32, #tpu.memory_space<vmem_shared>>
    %dma_wait3A_119 = arith.constant 0 : i32
    %dma_wait3A_120 = tpu.memref_slice %arg16[%add3A_116, %dma_wait3A_119] : memref<10240x64xf32, #tpu.memory_space<vmem_shared>> -> memref<128x64xf32, #tpu.memory_space<vmem_shared>>
    tpu.wait_dma2 semaphore(%arg19 : memref<!tpu.dma_semaphore, #tpu.memory_space<semaphore_mem>>) src(%dma_wait3A_120 : memref<128x64xf32, #tpu.memory_space<vmem_shared>>) dst(%arg13 : memref<128x64xf32, #tpu.memory_space<vmem>>)
    %dma_start3A_121 = arith.constant 2 : i32
    %dma_start3A_122 = arith.constant 0 : i32
    %dma_start3A_123 = tpu.memref_slice %arg10[%dma_start3A_121, %dma_start3A_122] : memref<5x128xi32, #tpu.memory_space<vmem>> -> memref<1x128xi32, #tpu.memory_space<vmem>>
    %dma_start3A_124 = tpu.memref_squeeze %dma_start3A_123 : memref<1x128xi32, #tpu.memory_space<vmem>> -> memref<128xi32, #tpu.memory_space<vmem>>
    %dma_start3A_125 = arith.constant 0 : i32
    %dma_start3A_126 = arith.constant 0 : i32
    %dma_start3A_127 = tpu.memref_slice %arg7[%dma_start3A_125, %dma_start3A_126] : memref<20480x64xf32, #tpu.memory_space<hbm>> -> memref<20480x64xf32, #tpu.memory_space<hbm>>
    tpu.enqueue_indirect_dma source(%arg13 : memref<128x64xf32, #tpu.memory_space<vmem>>) target(%dma_start3A_127 : memref<20480x64xf32, #tpu.memory_space<hbm>>) offsets(%dma_start3A_124 : memref<128xi32, #tpu.memory_space<vmem>>) semaphore(%arg24 : memref<!tpu.dma_semaphore, #tpu.memory_space<semaphore_mem>>)
    %add3A_128 = arith.constant 384 : i32
    %add3A_129 = arith.addi %mul3A_15, %add3A_128 : i32
    %dma_wait3A_130 = arith.constant 0 : i32
    %dma_wait3A_131 = tpu.memref_slice %arg16[%add3A_129, %dma_wait3A_130] : memref<10240x64xf32, #tpu.memory_space<vmem_shared>> -> memref<128x64xf32, #tpu.memory_space<vmem_shared>>
    %dma_wait3A_132 = arith.constant 0 : i32
    %dma_wait3A_133 = tpu.memref_slice %arg16[%add3A_129, %dma_wait3A_132] : memref<10240x64xf32, #tpu.memory_space<vmem_shared>> -> memref<128x64xf32, #tpu.memory_space<vmem_shared>>
    tpu.wait_dma2 semaphore(%arg20 : memref<!tpu.dma_semaphore, #tpu.memory_space<semaphore_mem>>) src(%dma_wait3A_133 : memref<128x64xf32, #tpu.memory_space<vmem_shared>>) dst(%arg14 : memref<128x64xf32, #tpu.memory_space<vmem>>)
    %dma_start3A_134 = arith.constant 3 : i32
    %dma_start3A_135 = arith.constant 0 : i32
    %dma_start3A_136 = tpu.memref_slice %arg10[%dma_start3A_134, %dma_start3A_135] : memref<5x128xi32, #tpu.memory_space<vmem>> -> memref<1x128xi32, #tpu.memory_space<vmem>>
    %dma_start3A_137 = tpu.memref_squeeze %dma_start3A_136 : memref<1x128xi32, #tpu.memory_space<vmem>> -> memref<128xi32, #tpu.memory_space<vmem>>
    %dma_start3A_138 = arith.constant 0 : i32
    %dma_start3A_139 = arith.constant 0 : i32
    %dma_start3A_140 = tpu.memref_slice %arg7[%dma_start3A_138, %dma_start3A_139] : memref<20480x64xf32, #tpu.memory_space<hbm>> -> memref<20480x64xf32, #tpu.memory_space<hbm>>
    tpu.enqueue_indirect_dma source(%arg14 : memref<128x64xf32, #tpu.memory_space<vmem>>) target(%dma_start3A_140 : memref<20480x64xf32, #tpu.memory_space<hbm>>) offsets(%dma_start3A_137 : memref<128xi32, #tpu.memory_space<vmem>>) semaphore(%arg17 : memref<!tpu.dma_semaphore, #tpu.memory_space<semaphore_mem>>)
    %add3A_141 = arith.constant 512 : i32
    %add3A_142 = arith.addi %mul3A_15, %add3A_141 : i32
    %dma_wait3A_143 = arith.constant 0 : i32
    %dma_wait3A_144 = tpu.memref_slice %arg16[%add3A_142, %dma_wait3A_143] : memref<10240x64xf32, #tpu.memory_space<vmem_shared>> -> memref<128x64xf32, #tpu.memory_space<vmem_shared>>
    %dma_wait3A_145 = arith.constant 0 : i32
    %dma_wait3A_146 = tpu.memref_slice %arg16[%add3A_142, %dma_wait3A_145] : memref<10240x64xf32, #tpu.memory_space<vmem_shared>> -> memref<128x64xf32, #tpu.memory_space<vmem_shared>>
    tpu.wait_dma2 semaphore(%arg21 : memref<!tpu.dma_semaphore, #tpu.memory_space<semaphore_mem>>) src(%dma_wait3A_146 : memref<128x64xf32, #tpu.memory_space<vmem_shared>>) dst(%arg15 : memref<128x64xf32, #tpu.memory_space<vmem>>)
    %dma_start3A_147 = arith.constant 4 : i32
    %dma_start3A_148 = arith.constant 0 : i32
    %dma_start3A_149 = tpu.memref_slice %arg10[%dma_start3A_147, %dma_start3A_148] : memref<5x128xi32, #tpu.memory_space<vmem>> -> memref<1x128xi32, #tpu.memory_space<vmem>>
    %dma_start3A_150 = tpu.memref_squeeze %dma_start3A_149 : memref<1x128xi32, #tpu.memory_space<vmem>> -> memref<128xi32, #tpu.memory_space<vmem>>
    %dma_start3A_151 = arith.constant 0 : i32
    %dma_start3A_152 = arith.constant 0 : i32
    %dma_start3A_153 = tpu.memref_slice %arg7[%dma_start3A_151, %dma_start3A_152] : memref<20480x64xf32, #tpu.memory_space<hbm>> -> memref<20480x64xf32, #tpu.memory_space<hbm>>
    tpu.enqueue_indirect_dma source(%arg15 : memref<128x64xf32, #tpu.memory_space<vmem>>) target(%dma_start3A_153 : memref<20480x64xf32, #tpu.memory_space<hbm>>) offsets(%dma_start3A_150 : memref<128xi32, #tpu.memory_space<vmem>>) semaphore(%arg18 : memref<!tpu.dma_semaphore, #tpu.memory_space<semaphore_mem>>)
    %dma_wait3A_154 = arith.constant 0 : i32
    %dma_wait3A_155 = arith.constant 0 : i32
    %dma_wait3A_156 = tpu.memref_slice %arg10[%dma_wait3A_154, %dma_wait3A_155] : memref<5x128xi32, #tpu.memory_space<vmem>> -> memref<1x128xi32, #tpu.memory_space<vmem>>
    %dma_wait3A_157 = tpu.memref_squeeze %dma_wait3A_156 : memref<1x128xi32, #tpu.memory_space<vmem>> -> memref<128xi32, #tpu.memory_space<vmem>>
    %dma_wait3A_158 = arith.constant 0 : i32
    %dma_wait3A_159 = arith.constant 0 : i32
    %dma_wait3A_160 = tpu.memref_slice %arg7[%dma_wait3A_158, %dma_wait3A_159] : memref<20480x64xf32, #tpu.memory_space<hbm>> -> memref<20480x64xf32, #tpu.memory_space<hbm>>
    tpu.wait_indirect_dma semaphore(%arg22 : memref<!tpu.dma_semaphore, #tpu.memory_space<semaphore_mem>>) src(%arg11 : memref<128x64xf32, #tpu.memory_space<vmem>>) dst(%dma_wait3A_160 : memref<20480x64xf32, #tpu.memory_space<hbm>>)
    %dma_wait3A_161 = arith.constant 1 : i32
    %dma_wait3A_162 = arith.constant 0 : i32
    %dma_wait3A_163 = tpu.memref_slice %arg10[%dma_wait3A_161, %dma_wait3A_162] : memref<5x128xi32, #tpu.memory_space<vmem>> -> memref<1x128xi32, #tpu.memory_space<vmem>>
    %dma_wait3A_164 = tpu.memref_squeeze %dma_wait3A_163 : memref<1x128xi32, #tpu.memory_space<vmem>> -> memref<128xi32, #tpu.memory_space<vmem>>
    %dma_wait3A_165 = arith.constant 0 : i32
    %dma_wait3A_166 = arith.constant 0 : i32
    %dma_wait3A_167 = tpu.memref_slice %arg7[%dma_wait3A_165, %dma_wait3A_166] : memref<20480x64xf32, #tpu.memory_space<hbm>> -> memref<20480x64xf32, #tpu.memory_space<hbm>>
    tpu.wait_indirect_dma semaphore(%arg23 : memref<!tpu.dma_semaphore, #tpu.memory_space<semaphore_mem>>) src(%arg12 : memref<128x64xf32, #tpu.memory_space<vmem>>) dst(%dma_wait3A_167 : memref<20480x64xf32, #tpu.memory_space<hbm>>)
    %dma_wait3A_168 = arith.constant 2 : i32
    %dma_wait3A_169 = arith.constant 0 : i32
    %dma_wait3A_170 = tpu.memref_slice %arg10[%dma_wait3A_168, %dma_wait3A_169] : memref<5x128xi32, #tpu.memory_space<vmem>> -> memref<1x128xi32, #tpu.memory_space<vmem>>
    %dma_wait3A_171 = tpu.memref_squeeze %dma_wait3A_170 : memref<1x128xi32, #tpu.memory_space<vmem>> -> memref<128xi32, #tpu.memory_space<vmem>>
    %dma_wait3A_172 = arith.constant 0 : i32
    %dma_wait3A_173 = arith.constant 0 : i32
    %dma_wait3A_174 = tpu.memref_slice %arg7[%dma_wait3A_172, %dma_wait3A_173] : memref<20480x64xf32, #tpu.memory_space<hbm>> -> memref<20480x64xf32, #tpu.memory_space<hbm>>
    tpu.wait_indirect_dma semaphore(%arg24 : memref<!tpu.dma_semaphore, #tpu.memory_space<semaphore_mem>>) src(%arg13 : memref<128x64xf32, #tpu.memory_space<vmem>>) dst(%dma_wait3A_174 : memref<20480x64xf32, #tpu.memory_space<hbm>>)
    %dma_wait3A_175 = arith.constant 3 : i32
    %dma_wait3A_176 = arith.constant 0 : i32
    %dma_wait3A_177 = tpu.memref_slice %arg10[%dma_wait3A_175, %dma_wait3A_176] : memref<5x128xi32, #tpu.memory_space<vmem>> -> memref<1x128xi32, #tpu.memory_space<vmem>>
    %dma_wait3A_178 = tpu.memref_squeeze %dma_wait3A_177 : memref<1x128xi32, #tpu.memory_space<vmem>> -> memref<128xi32, #tpu.memory_space<vmem>>
    %dma_wait3A_179 = arith.constant 0 : i32
    %dma_wait3A_180 = arith.constant 0 : i32
    %dma_wait3A_181 = tpu.memref_slice %arg7[%dma_wait3A_179, %dma_wait3A_180] : memref<20480x64xf32, #tpu.memory_space<hbm>> -> memref<20480x64xf32, #tpu.memory_space<hbm>>
    tpu.wait_indirect_dma semaphore(%arg17 : memref<!tpu.dma_semaphore, #tpu.memory_space<semaphore_mem>>) src(%arg14 : memref<128x64xf32, #tpu.memory_space<vmem>>) dst(%dma_wait3A_181 : memref<20480x64xf32, #tpu.memory_space<hbm>>)
    %dma_wait3A_182 = arith.constant 4 : i32
    %dma_wait3A_183 = arith.constant 0 : i32
    %dma_wait3A_184 = tpu.memref_slice %arg10[%dma_wait3A_182, %dma_wait3A_183] : memref<5x128xi32, #tpu.memory_space<vmem>> -> memref<1x128xi32, #tpu.memory_space<vmem>>
    %dma_wait3A_185 = tpu.memref_squeeze %dma_wait3A_184 : memref<1x128xi32, #tpu.memory_space<vmem>> -> memref<128xi32, #tpu.memory_space<vmem>>
    %dma_wait3A_186 = arith.constant 0 : i32
    %dma_wait3A_187 = arith.constant 0 : i32
    %dma_wait3A_188 = tpu.memref_slice %arg7[%dma_wait3A_186, %dma_wait3A_187] : memref<20480x64xf32, #tpu.memory_space<hbm>> -> memref<20480x64xf32, #tpu.memory_space<hbm>>
    tpu.wait_indirect_dma semaphore(%arg18 : memref<!tpu.dma_semaphore, #tpu.memory_space<semaphore_mem>>) src(%arg15 : memref<128x64xf32, #tpu.memory_space<vmem>>) dst(%dma_wait3A_188 : memref<20480x64xf32, #tpu.memory_space<hbm>>)
    return
  }
}

module attributes {stable_mosaic.version = 14 : i64} {
  func.func @body(%arg0: i32, %arg1: memref<2000x128xf32, #tpu.memory_space<vmem>>, %arg2: memref<2000x128xf32, #tpu.memory_space<vmem>>, %arg3: memref<128x128xf32, #tpu.memory_space<vmem>>, %arg4: memref<128x128xf32, #tpu.memory_space<vmem>>, %arg5: memref<2000x128xf32, #tpu.memory_space<vmem>>) attributes {dimension_semantics = [#tpu.dimension_semantics<arbitrary>], iteration_bounds = array<i64: 5>, scalar_prefetch = 0 : i64, scratch_operands = 0 : i64, tpu.core_type = #tpu.core_type<tc>, window_params = [{transform_indices = @transform_0, window_bounds = array<i64: 2000, 128>}, {transform_indices = @transform_1, window_bounds = array<i64: 2000, 128>}, {pipeline_mode = #tpu.pipeline_mode<synchronous>, transform_indices = @transform_2, window_bounds = array<i64: 128, 128>}, {pipeline_mode = #tpu.pipeline_mode<synchronous>, transform_indices = @transform_3, window_bounds = array<i64: 128, 128>}, {transform_indices = @transform_4, window_bounds = array<i64: 2000, 128>}]} {
    %get3A = arith.constant 0 : index
    %get3A_0 = arith.constant 0 : index
    %get3A_1 = vector.load %arg1[%get3A, %get3A_0] : memref<2000x128xf32, #tpu.memory_space<vmem>>, vector<2000x128xf32>
    %jit3A = arith.constant 0.000000e+00 : f32
    %jit3A_2 = arith.constant 5.000000e+00 : f32
    %max3A = vector.broadcast %jit3A : f32 to vector<2000x128xf32>
    %max3A_3 = arith.maximumf %max3A, %get3A_1 : vector<2000x128xf32>
    %min3A = vector.broadcast %jit3A_2 : f32 to vector<2000x128xf32>
    %min3A_4 = arith.minimumf %min3A, %max3A_3 : vector<2000x128xf32>
    %get3A_5 = arith.constant 0 : index
    %get3A_6 = arith.constant 0 : index
    %get3A_7 = vector.load %arg3[%get3A_5, %get3A_6] : memref<128x128xf32, #tpu.memory_space<vmem>>, vector<128x128xf32>
    %dot_general3A = arith.constant dense<0.000000e+00> : vector<2000x128xf32>
    %dot_general3A_8 = tpu.matmul %min3A_4, %get3A_7, %dot_general3A {dimension_numbers = #tpu.dot_dimension_numbers<[1], [0], [0], [1], [0, 0, 1, 1], [], []>, transpose_lhs_hint = false} : vector<2000x128xf32>, vector<128x128xf32>, vector<2000x128xf32> -> vector<2000x128xf32>
    %get3A_9 = arith.constant 0 : index
    %get3A_10 = arith.constant 0 : index
    %get3A_11 = vector.load %arg2[%get3A_9, %get3A_10] : memref<2000x128xf32, #tpu.memory_space<vmem>>, vector<2000x128xf32>
    %get3A_12 = arith.constant 0 : index
    %get3A_13 = arith.constant 0 : index
    %get3A_14 = vector.load %arg4[%get3A_12, %get3A_13] : memref<128x128xf32, #tpu.memory_space<vmem>>, vector<128x128xf32>
    %dot_general3A_15 = arith.constant dense<0.000000e+00> : vector<2000x128xf32>
    %dot_general3A_16 = tpu.matmul %get3A_11, %get3A_14, %dot_general3A_15 {dimension_numbers = #tpu.dot_dimension_numbers<[1], [0], [0], [1], [0, 0, 1, 1], [], []>, transpose_lhs_hint = false} : vector<2000x128xf32>, vector<128x128xf32>, vector<2000x128xf32> -> vector<2000x128xf32>
    %add3A = arith.addf %dot_general3A_8, %dot_general3A_16 : vector<2000x128xf32>
    %reduce_max3A = arith.constant dense<0xFF800000> : vector<2000xf32>
    %reduce_max3A_17 = vector.multi_reduction <maximumf>, %add3A, %reduce_max3A [1] : vector<2000x128xf32> to vector<2000xf32>
    %broadcast_in_dim3A = vector.shape_cast %reduce_max3A_17 : vector<2000xf32> to vector<2000x1xf32>
    %sub3A = vector.broadcast %broadcast_in_dim3A : vector<2000x1xf32> to vector<2000x128xf32>
    %sub3A_18 = arith.subf %add3A, %sub3A : vector<2000x128xf32>
    %exp3A = math.exp %sub3A_18 : vector<2000x128xf32>
    %reduce_sum3A = arith.constant dense<0.000000e+00> : vector<2000xf32>
    %reduce_sum3A_19 = vector.multi_reduction <add>, %exp3A, %reduce_sum3A [1] : vector<2000x128xf32> to vector<2000xf32>
    %broadcast_in_dim3A_20 = vector.shape_cast %reduce_sum3A_19 : vector<2000xf32> to vector<2000x1xf32>
    %div3A = vector.broadcast %broadcast_in_dim3A_20 : vector<2000x1xf32> to vector<2000x128xf32>
    %div3A_21 = arith.divf %exp3A, %div3A : vector<2000x128xf32>
    %swap3A = arith.constant 0 : index
    %swap3A_22 = arith.constant 0 : index
    %swap3A_23 = vector.load %arg5[%swap3A, %swap3A_22] : memref<2000x128xf32, #tpu.memory_space<vmem>>, vector<2000x128xf32>
    tpu.vector_store %arg5[%swap3A, %swap3A_22], %div3A_21 {strides = array<i32>} : memref<2000x128xf32, #tpu.memory_space<vmem>>, vector<2000x128xf32>,
    return
  }
  func.func @transform_0(%arg0: i32) -> (i32, i32) {
    %c0_i32 = arith.constant 0 : i32
    %c0_i32_0 = arith.constant 0 : i32
    return %arg0, %c0_i32 : i32, i32
  }
  func.func @transform_1(%arg0: i32) -> (i32, i32) {
    %c0_i32 = arith.constant 0 : i32
    %c0_i32_0 = arith.constant 0 : i32
    return %arg0, %c0_i32 : i32, i32
  }
  func.func @transform_2(%arg0: i32) -> (i32, i32) {
    %c0_i32 = arith.constant 0 : i32
    %c0_i32_0 = arith.constant 0 : i32
    %c0_i32_1 = arith.constant 0 : i32
    return %c0_i32, %c0_i32_0 : i32, i32
  }
  func.func @transform_3(%arg0: i32) -> (i32, i32) {
    %c0_i32 = arith.constant 0 : i32
    %c0_i32_0 = arith.constant 0 : i32
    %c0_i32_1 = arith.constant 0 : i32
    return %c0_i32, %c0_i32_0 : i32, i32
  }
  func.func @transform_4(%arg0: i32) -> (i32, i32) {
    %c0_i32 = arith.constant 0 : i32
    %c0_i32_0 = arith.constant 0 : i32
    return %arg0, %c0_i32 : i32, i32
  }
}

module attributes {stable_mosaic.version = 14 : i64} {
  func.func @body(%arg0: i32, %arg1: memref<2000x128xf32, #tpu.memory_space<vmem>>, %arg2: memref<128x128xf32, #tpu.memory_space<vmem>>, %arg3: memref<2000x128xf32, #tpu.memory_space<vmem>>) attributes {dimension_semantics = [#tpu.dimension_semantics<arbitrary>], iteration_bounds = array<i64: 5>, scalar_prefetch = 0 : i64, scratch_operands = 0 : i64, tpu.core_type = #tpu.core_type<tc>, window_params = [{transform_indices = @transform_0, window_bounds = array<i64: 2000, 128>}, {pipeline_mode = #tpu.pipeline_mode<synchronous>, transform_indices = @transform_1, window_bounds = array<i64: 128, 128>}, {transform_indices = @transform_2, window_bounds = array<i64: 2000, 128>}]} {
    %get3A = arith.constant 0 : index
    %get3A_0 = arith.constant 0 : index
    %get3A_1 = vector.load %arg1[%get3A, %get3A_0] : memref<2000x128xf32, #tpu.memory_space<vmem>>, vector<2000x128xf32>
    %get3A_2 = arith.constant 0 : index
    %get3A_3 = arith.constant 0 : index
    %get3A_4 = vector.load %arg2[%get3A_2, %get3A_3] : memref<128x128xf32, #tpu.memory_space<vmem>>, vector<128x128xf32>
    %dot_general3A = arith.constant dense<0.000000e+00> : vector<2000x128xf32>
    %dot_general3A_5 = tpu.matmul %get3A_1, %get3A_4, %dot_general3A {dimension_numbers = #tpu.dot_dimension_numbers<[1], [0], [0], [1], [0, 0, 1, 1], [], []>, transpose_lhs_hint = false} : vector<2000x128xf32>, vector<128x128xf32>, vector<2000x128xf32> -> vector<2000x128xf32>
    %reduce_max3A = arith.constant dense<0xFF800000> : vector<2000xf32>
    %reduce_max3A_6 = vector.multi_reduction <maximumf>, %dot_general3A_5, %reduce_max3A [1] : vector<2000x128xf32> to vector<2000xf32>
    %broadcast_in_dim3A = vector.shape_cast %reduce_max3A_6 : vector<2000xf32> to vector<2000x1xf32>
    %sub3A = vector.broadcast %broadcast_in_dim3A : vector<2000x1xf32> to vector<2000x128xf32>
    %sub3A_7 = arith.subf %dot_general3A_5, %sub3A : vector<2000x128xf32>
    %exp3A = math.exp %sub3A_7 : vector<2000x128xf32>
    %reduce_sum3A = arith.constant dense<0.000000e+00> : vector<2000xf32>
    %reduce_sum3A_8 = vector.multi_reduction <add>, %exp3A, %reduce_sum3A [1] : vector<2000x128xf32> to vector<2000xf32>
    %broadcast_in_dim3A_9 = vector.shape_cast %reduce_sum3A_8 : vector<2000xf32> to vector<2000x1xf32>
    %div3A = vector.broadcast %broadcast_in_dim3A_9 : vector<2000x1xf32> to vector<2000x128xf32>
    %div3A_10 = arith.divf %exp3A, %div3A : vector<2000x128xf32>
    %swap3A = arith.constant 0 : index
    %swap3A_11 = arith.constant 0 : index
    %swap3A_12 = vector.load %arg3[%swap3A, %swap3A_11] : memref<2000x128xf32, #tpu.memory_space<vmem>>, vector<2000x128xf32>
    tpu.vector_store %arg3[%swap3A, %swap3A_11], %div3A_10 {strides = array<i32>} : memref<2000x128xf32, #tpu.memory_space<vmem>>, vector<2000x128xf32>,
    return
  }
  func.func @transform_0(%arg0: i32) -> (i32, i32) {
    %c0_i32 = arith.constant 0 : i32
    %c0_i32_0 = arith.constant 0 : i32
    return %arg0, %c0_i32 : i32, i32
  }
  func.func @transform_1(%arg0: i32) -> (i32, i32) {
    %c0_i32 = arith.constant 0 : i32
    %c0_i32_0 = arith.constant 0 : i32
    %c0_i32_1 = arith.constant 0 : i32
    return %c0_i32, %c0_i32_0 : i32, i32
  }
  func.func @transform_2(%arg0: i32) -> (i32, i32) {
    %c0_i32 = arith.constant 0 : i32
    %c0_i32_0 = arith.constant 0 : i32
    return %arg0, %c0_i32 : i32, i32
  }
}

module attributes {stable_mosaic.version = 14 : i64} {
  func.func @body(%arg0: memref<2x320000xi32, #tpu.memory_space<vmem>>, %arg1: memref<32x160x128xi32, #tpu.memory_space<vmem>>, %arg2: memref<16x160x128xi32, #tpu.memory_space<vmem>>) attributes {dimension_semantics = [], scalar_prefetch = 0 : i64, scratch_operands = 0 : i64, tpu.core_type = #tpu.core_type<tc>} {
    %get3A = arith.constant 0 : index
    %get3A_0 = arith.constant 0 : index
    %get3A_1 = vector.load %arg0[%get3A, %get3A_0] : memref<2x320000xi32, #tpu.memory_space<vmem>>, vector<2x320000xi32>
    %slice3A = vector.extract_strided_slice %get3A_1 {offsets = [0, 0], sizes = [1, 320000], strides = [1, 1]} : vector<2x320000xi32> to vector<1x320000xi32>
    %squeeze3A = vector.shape_cast %slice3A : vector<1x320000xi32> to vector<320000xi32>
    %reshape3A = vector.shape_cast %squeeze3A : vector<320000xi32> to vector<2500x128xi32>
    %mul3A = arith.constant 2 : i32
    %mul3A_2 = vector.broadcast %mul3A : i32 to vector<2500x128xi32>
    %mul3A_3 = arith.muli %mul3A_2, %reshape3A : vector<2500x128xi32>
    %slice3A_4 = vector.extract_strided_slice %get3A_1 {offsets = [1, 0], sizes = [1, 320000], strides = [1, 1]} : vector<2x320000xi32> to vector<1x320000xi32>
    %squeeze3A_5 = vector.shape_cast %slice3A_4 : vector<1x320000xi32> to vector<320000xi32>
    %reshape3A_6 = vector.shape_cast %squeeze3A_5 : vector<320000xi32> to vector<2500x128xi32>
    %iota3A = tpu.iota {dimensions = array<i32: 0>} : vector<60x128xi32>
    %mul3A_7 = arith.constant 128 : i32
    %mul3A_8 = vector.broadcast %mul3A_7 : i32 to vector<60x128xi32>
    %mul3A_9 = arith.muli %iota3A, %mul3A_8 : vector<60x128xi32>
    %iota3A_10 = tpu.iota {dimensions = array<i32: 1>} : vector<60x128xi32>
    %add3A = arith.addi %mul3A_9, %iota3A_10 : vector<60x128xi32>
    %jit3A = arith.constant 10000 : i32
    %eq3A = arith.constant 0 : i32
    %eq3A_11 = arith.cmpi eq, %jit3A, %eq3A : i32
    %jit3A_12 = arith.constant 1 : i32
    %select_n3A = arith.select %eq3A_11, %jit3A_12, %jit3A : i32
    %rem3A = vector.broadcast %select_n3A : i32 to vector<60x128xi32>
    %rem3A_13 = arith.remsi %add3A, %rem3A : vector<60x128xi32>
    %ne3A = arith.constant 0 : i32
    %ne3A_14 = vector.broadcast %ne3A : i32 to vector<60x128xi32>
    %ne3A_15 = arith.cmpi ne, %rem3A_13, %ne3A_14 : vector<60x128xi32>
    %lt3A = arith.constant 0 : i32
    %lt3A_16 = vector.broadcast %lt3A : i32 to vector<60x128xi32>
    %lt3A_17 = arith.cmpi slt, %rem3A_13, %lt3A_16 : vector<60x128xi32>
    %lt3A_18 = arith.constant 0 : i32
    %lt3A_19 = arith.cmpi slt, %select_n3A, %lt3A_18 : i32
    %ne3A_20 = vector.broadcast %lt3A_19 : i1 to vector<60x128xi1>
    %ne3A_21 = vector.broadcast %ne3A_20 : vector<60x128xi1> to vector<60x128xi1>
    %ne3A_22 = arith.xori %lt3A_17, %ne3A_21 : vector<60x128xi1>
    %and3A = arith.andi %ne3A_22, %ne3A_15 : vector<60x128xi1>
    %add3A_23 = vector.broadcast %select_n3A : i32 to vector<60x128xi32>
    %add3A_24 = arith.addi %rem3A_13, %add3A_23 : vector<60x128xi32>
    %select_n3A_25 = arith.select %and3A, %add3A_24, %rem3A_13 : vector<60x128xi1>, vector<60x128xi32>
    %mul3A_26 = arith.constant 2 : i32
    %mul3A_27 = vector.broadcast %mul3A_26 : i32 to vector<60x128xi32>
    %mul3A_28 = arith.muli %mul3A_27, %select_n3A_25 : vector<60x128xi32>
    %concatenate3A = tpu.concatenate %mul3A_3, %mul3A_28 in 0 : vector<2500x128xi32>, vector<60x128xi32> -> vector<2560x128xi32>
    %jit3A_29 = arith.constant 240 : i32
    %eq3A_30 = arith.constant 0 : i32
    %eq3A_31 = arith.cmpi eq, %jit3A_29, %eq3A_30 : i32
    %jit3A_32 = arith.constant 1 : i32
    %select_n3A_33 = arith.select %eq3A_31, %jit3A_32, %jit3A_29 : i32
    %rem3A_34 = vector.broadcast %select_n3A_33 : i32 to vector<60x128xi32>
    %rem3A_35 = arith.remsi %add3A, %rem3A_34 : vector<60x128xi32>
    %ne3A_36 = arith.constant 0 : i32
    %ne3A_37 = vector.broadcast %ne3A_36 : i32 to vector<60x128xi32>
    %ne3A_38 = arith.cmpi ne, %rem3A_35, %ne3A_37 : vector<60x128xi32>
    %lt3A_39 = arith.constant 0 : i32
    %lt3A_40 = vector.broadcast %lt3A_39 : i32 to vector<60x128xi32>
    %lt3A_41 = arith.cmpi slt, %rem3A_35, %lt3A_40 : vector<60x128xi32>
    %lt3A_42 = arith.constant 0 : i32
    %lt3A_43 = arith.cmpi slt, %select_n3A_33, %lt3A_42 : i32
    %ne3A_44 = vector.broadcast %lt3A_43 : i1 to vector<60x128xi1>
    %ne3A_45 = vector.broadcast %ne3A_44 : vector<60x128xi1> to vector<60x128xi1>
    %ne3A_46 = arith.xori %lt3A_41, %ne3A_45 : vector<60x128xi1>
    %and3A_47 = arith.andi %ne3A_46, %ne3A_38 : vector<60x128xi1>
    %add3A_48 = vector.broadcast %select_n3A_33 : i32 to vector<60x128xi32>
    %add3A_49 = arith.addi %rem3A_35, %add3A_48 : vector<60x128xi32>
    %select_n3A_50 = arith.select %and3A_47, %add3A_49, %rem3A_35 : vector<60x128xi1>, vector<60x128xi32>
    %add3A_51 = arith.constant 10000 : i32
    %add3A_52 = vector.broadcast %add3A_51 : i32 to vector<60x128xi32>
    %add3A_53 = arith.addi %add3A_52, %select_n3A_50 : vector<60x128xi32>
    %concatenate3A_54 = tpu.concatenate %reshape3A_6, %add3A_53 in 0 : vector<2500x128xi32>, vector<60x128xi32> -> vector<2560x128xi32>
    %add3A_55 = arith.constant 1 : i32
    %add3A_56 = vector.broadcast %add3A_55 : i32 to vector<2560x128xi32>
    %add3A_57 = arith.addi %concatenate3A, %add3A_56 : vector<2560x128xi32>
    %stack3A = vector.shape_cast %concatenate3A : vector<2560x128xi32> to vector<1x2560x128xi32>
    %stack3A_58 = vector.shape_cast %add3A_57 : vector<2560x128xi32> to vector<1x2560x128xi32>
    %stack3A_59 = tpu.concatenate %stack3A, %stack3A_58 in 0 : vector<1x2560x128xi32>, vector<1x2560x128xi32> -> vector<2x2560x128xi32>
    %reshape3A_60 = vector.shape_cast %stack3A_59 : vector<2x2560x128xi32> to vector<32x160x128xi32>
    %swap3A = arith.constant 0 : index
    %swap3A_61 = arith.constant 0 : index
    %swap3A_62 = arith.constant 0 : index
    %swap3A_63 = vector.load %arg1[%swap3A, %swap3A_61, %swap3A_62] : memref<32x160x128xi32, #tpu.memory_space<vmem>>, vector<32x160x128xi32>
    tpu.vector_store %arg1[%swap3A, %swap3A_61, %swap3A_62], %reshape3A_60 {strides = array<i32>} : memref<32x160x128xi32, #tpu.memory_space<vmem>>, vector<32x160x128xi32>,
    %reshape3A_64 = vector.shape_cast %concatenate3A_54 : vector<2560x128xi32> to vector<16x160x128xi32>
    %swap3A_65 = arith.constant 0 : index
    %swap3A_66 = arith.constant 0 : index
    %swap3A_67 = arith.constant 0 : index
    %swap3A_68 = vector.load %arg2[%swap3A_65, %swap3A_66, %swap3A_67] : memref<16x160x128xi32, #tpu.memory_space<vmem>>, vector<16x160x128xi32>
    tpu.vector_store %arg2[%swap3A_65, %swap3A_66, %swap3A_67], %reshape3A_64 {strides = array<i32>} : memref<16x160x128xi32, #tpu.memory_space<vmem>>, vector<16x160x128xi32>,
    return
  }
}

module attributes {stable_mosaic.version = 14 : i64} {
  func.func @body(%arg0: i32, %arg1: memref<2000x128xf32, #tpu.memory_space<vmem>>, %arg2: memref<2000x128xf32, #tpu.memory_space<vmem>>, %arg3: memref<128x128xf32, #tpu.memory_space<vmem>>, %arg4: memref<128x128xf32, #tpu.memory_space<vmem>>, %arg5: memref<128x128xf32, #tpu.memory_space<vmem>>, %arg6: memref<2000x128xf32, #tpu.memory_space<vmem>>) attributes {dimension_semantics = [#tpu.dimension_semantics<arbitrary>], iteration_bounds = array<i64: 5>, scalar_prefetch = 0 : i64, scratch_operands = 0 : i64, tpu.core_type = #tpu.core_type<tc>, window_params = [{transform_indices = @transform_0, window_bounds = array<i64: 2000, 128>}, {transform_indices = @transform_1, window_bounds = array<i64: 2000, 128>}, {pipeline_mode = #tpu.pipeline_mode<synchronous>, transform_indices = @transform_2, window_bounds = array<i64: 128, 128>}, {pipeline_mode = #tpu.pipeline_mode<synchronous>, transform_indices = @transform_3, window_bounds = array<i64: 128, 128>}, {pipeline_mode = #tpu.pipeline_mode<synchronous>, transform_indices = @transform_4, window_bounds = array<i64: 128, 128>}, {transform_indices = @transform_5, window_bounds = array<i64: 2000, 128>}]} {
    %get3A = arith.constant 0 : index
    %get3A_0 = arith.constant 0 : index
    %get3A_1 = vector.load %arg1[%get3A, %get3A_0] : memref<2000x128xf32, #tpu.memory_space<vmem>>, vector<2000x128xf32>
    %jit3A = arith.constant 0.000000e+00 : f32
    %jit3A_2 = arith.constant 5.000000e+00 : f32
    %max3A = vector.broadcast %jit3A : f32 to vector<2000x128xf32>
    %max3A_3 = arith.maximumf %max3A, %get3A_1 : vector<2000x128xf32>
    %min3A = vector.broadcast %jit3A_2 : f32 to vector<2000x128xf32>
    %min3A_4 = arith.minimumf %min3A, %max3A_3 : vector<2000x128xf32>
    %get3A_5 = arith.constant 0 : index
    %get3A_6 = arith.constant 0 : index
    %get3A_7 = vector.load %arg3[%get3A_5, %get3A_6] : memref<128x128xf32, #tpu.memory_space<vmem>>, vector<128x128xf32>
    %dot_general3A = arith.constant dense<0.000000e+00> : vector<2000x128xf32>
    %dot_general3A_8 = tpu.matmul %min3A_4, %get3A_7, %dot_general3A {dimension_numbers = #tpu.dot_dimension_numbers<[1], [0], [0], [1], [0, 0, 1, 1], [], []>, transpose_lhs_hint = false} : vector<2000x128xf32>, vector<128x128xf32>, vector<2000x128xf32> -> vector<2000x128xf32>
    %get3A_9 = arith.constant 0 : index
    %get3A_10 = arith.constant 0 : index
    %get3A_11 = vector.load %arg2[%get3A_9, %get3A_10] : memref<2000x128xf32, #tpu.memory_space<vmem>>, vector<2000x128xf32>
    %get3A_12 = arith.constant 0 : index
    %get3A_13 = arith.constant 0 : index
    %get3A_14 = vector.load %arg4[%get3A_12, %get3A_13] : memref<128x128xf32, #tpu.memory_space<vmem>>, vector<128x128xf32>
    %dot_general3A_15 = arith.constant dense<0.000000e+00> : vector<2000x128xf32>
    %dot_general3A_16 = tpu.matmul %get3A_11, %get3A_14, %dot_general3A_15 {dimension_numbers = #tpu.dot_dimension_numbers<[1], [0], [0], [1], [0, 0, 1, 1], [], []>, transpose_lhs_hint = false} : vector<2000x128xf32>, vector<128x128xf32>, vector<2000x128xf32> -> vector<2000x128xf32>
    %add3A = arith.addf %dot_general3A_8, %dot_general3A_16 : vector<2000x128xf32>
    %reduce_max3A = arith.constant dense<0xFF800000> : vector<2000xf32>
    %reduce_max3A_17 = vector.multi_reduction <maximumf>, %add3A, %reduce_max3A [1] : vector<2000x128xf32> to vector<2000xf32>
    %broadcast_in_dim3A = vector.shape_cast %reduce_max3A_17 : vector<2000xf32> to vector<2000x1xf32>
    %sub3A = vector.broadcast %broadcast_in_dim3A : vector<2000x1xf32> to vector<2000x128xf32>
    %sub3A_18 = arith.subf %add3A, %sub3A : vector<2000x128xf32>
    %exp3A = math.exp %sub3A_18 : vector<2000x128xf32>
    %reduce_sum3A = arith.constant dense<0.000000e+00> : vector<2000xf32>
    %reduce_sum3A_19 = vector.multi_reduction <add>, %exp3A, %reduce_sum3A [1] : vector<2000x128xf32> to vector<2000xf32>
    %broadcast_in_dim3A_20 = vector.shape_cast %reduce_sum3A_19 : vector<2000xf32> to vector<2000x1xf32>
    %div3A = vector.broadcast %broadcast_in_dim3A_20 : vector<2000x1xf32> to vector<2000x128xf32>
    %div3A_21 = arith.divf %exp3A, %div3A : vector<2000x128xf32>
    %get3A_22 = arith.constant 0 : index
    %get3A_23 = arith.constant 0 : index
    %get3A_24 = vector.load %arg5[%get3A_22, %get3A_23] : memref<128x128xf32, #tpu.memory_space<vmem>>, vector<128x128xf32>
    %dot_general3A_25 = arith.constant dense<0.000000e+00> : vector<2000x128xf32>
    %dot_general3A_26 = tpu.matmul %div3A_21, %get3A_24, %dot_general3A_25 {dimension_numbers = #tpu.dot_dimension_numbers<[1], [0], [0], [1], [0, 0, 1, 1], [], []>, transpose_lhs_hint = false} : vector<2000x128xf32>, vector<128x128xf32>, vector<2000x128xf32> -> vector<2000x128xf32>
    %reduce_max3A_27 = arith.constant dense<0xFF800000> : vector<2000xf32>
    %reduce_max3A_28 = vector.multi_reduction <maximumf>, %dot_general3A_26, %reduce_max3A_27 [1] : vector<2000x128xf32> to vector<2000xf32>
    %broadcast_in_dim3A_29 = vector.shape_cast %reduce_max3A_28 : vector<2000xf32> to vector<2000x1xf32>
    %sub3A_30 = vector.broadcast %broadcast_in_dim3A_29 : vector<2000x1xf32> to vector<2000x128xf32>
    %sub3A_31 = arith.subf %dot_general3A_26, %sub3A_30 : vector<2000x128xf32>
    %exp3A_32 = math.exp %sub3A_31 : vector<2000x128xf32>
    %reduce_sum3A_33 = arith.constant dense<0.000000e+00> : vector<2000xf32>
    %reduce_sum3A_34 = vector.multi_reduction <add>, %exp3A_32, %reduce_sum3A_33 [1] : vector<2000x128xf32> to vector<2000xf32>
    %broadcast_in_dim3A_35 = vector.shape_cast %reduce_sum3A_34 : vector<2000xf32> to vector<2000x1xf32>
    %div3A_36 = vector.broadcast %broadcast_in_dim3A_35 : vector<2000x1xf32> to vector<2000x128xf32>
    %div3A_37 = arith.divf %exp3A_32, %div3A_36 : vector<2000x128xf32>
    %swap3A = arith.constant 0 : index
    %swap3A_38 = arith.constant 0 : index
    %swap3A_39 = vector.load %arg6[%swap3A, %swap3A_38] : memref<2000x128xf32, #tpu.memory_space<vmem>>, vector<2000x128xf32>
    tpu.vector_store %arg6[%swap3A, %swap3A_38], %div3A_37 {strides = array<i32>} : memref<2000x128xf32, #tpu.memory_space<vmem>>, vector<2000x128xf32>,
    return
  }
  func.func @transform_0(%arg0: i32) -> (i32, i32) {
    %c0_i32 = arith.constant 0 : i32
    %c0_i32_0 = arith.constant 0 : i32
    return %arg0, %c0_i32 : i32, i32
  }
  func.func @transform_1(%arg0: i32) -> (i32, i32) {
    %c0_i32 = arith.constant 0 : i32
    %c0_i32_0 = arith.constant 0 : i32
    return %arg0, %c0_i32 : i32, i32
  }
  func.func @transform_2(%arg0: i32) -> (i32, i32) {
    %c0_i32 = arith.constant 0 : i32
    %c0_i32_0 = arith.constant 0 : i32
    %c0_i32_1 = arith.constant 0 : i32
    return %c0_i32, %c0_i32_0 : i32, i32
  }
  func.func @transform_3(%arg0: i32) -> (i32, i32) {
    %c0_i32 = arith.constant 0 : i32
    %c0_i32_0 = arith.constant 0 : i32
    %c0_i32_1 = arith.constant 0 : i32
    return %c0_i32, %c0_i32_0 : i32, i32
  }
  func.func @transform_4(%arg0: i32) -> (i32, i32) {
    %c0_i32 = arith.constant 0 : i32
    %c0_i32_0 = arith.constant 0 : i32
    %c0_i32_1 = arith.constant 0 : i32
    return %c0_i32, %c0_i32_0 : i32, i32
  }
  func.func @transform_5(%arg0: i32) -> (i32, i32) {
    %c0_i32 = arith.constant 0 : i32
    %c0_i32_0 = arith.constant 0 : i32
    return %arg0, %c0_i32 : i32, i32
  }
}

</mosaic_0001>

<sc_bundles>
// kernel: kernel.11.cloned.1.call-start
scs
__scs_entry_jumppad:
0x0: {  	(pc) =	sbr.rel $0x88, $3  }
0x1: {  	(tag) =	ssettag $0x0;
	lr =	simm.s32 $0x1  }
0x2: {  	[smem:$0x3F9B] =	sst lr;
	_ =	strace $0xD0000000  }
0x3: {  	_ = 	snop  }
0x4: {  	_ = 	snop  }
0x5: {  	_ = 	snop  }
0x6: {  	_ = 	snop  }
0x7: {  	_ = 	snop  }
__scs_overlays_trampoline_lowered:
0x8: {  	[smem:$0x3FAA] =	sst s0  }
0x9: {  	[smem:$0x3FAB] =	sst s1  }
0xa: {  	[smem:$0x3FAC] =	sst s2  }
0xb: {  	[smem:$0x3FAD] =	sst s3  }
0xc: {  	[smem:$0x3FAE] =	sst s4  }
0xd: {  	[smem:$0x3FAF] =	sst s5  }
0xe: {  	[smem:$0x3FB0] =	sst s6  }
0xf: {  	[smem:$0x3FB1] =	sst s7  }
0x10: {  	[smem:$0x3FB2] =	sst s8  }
0x11: {  	[smem:$0x3FB3] =	sst s9;
	s0 =	simm.s32 @!p0 $0x0  }
0x12: {  	s1 =	sld [smem:$0x3F99];
	s0 =	simm.s32 @p0 $0x1  }
0x13: {  	[smem:$0x3FB4] =	sst s0;
	s0 =	simm.s32 @!p1 $0x0  }
0x14: {  	s2 =	sld [smem:$0x3F98];
	s0 =	simm.s32 @p1 $0x1  }
0x15: {  	[smem:$0x3FB5] =	sst s0;
	s0 =	simm.s32 @!p2 $0x0  }
0x16: {  	s3 =	sld [smem:$0x3FDB];
	s0 =	simm.s32 @p2 $0x1  }
0x17: {  	s4 =	simm.s32 $0x1BF5;
	[smem:$0x3FB7] =	sst s0  }
0x18: {  	s0 =	sld [smem:$0x3F9A];
	_ =	swait.ge [sflag:s4], $0x0  }
0x19: {  	s7 =	sld [smem:$0x3F9B]  }
0x1a: {  	s8 =	sadd.s32 $0xFFFFE003, lr  }
0x1b: {  	s9 =	sadd.s32 $0xFFFFFEF7, lr;
	s5 =	simm.s32 $0xFFFFFFFF;
	p2 =	slt.u32 s8, $0xFFFFF086  }
0x1c: {  	p1 =	slt.u32 s9, $0xF7A;
	s5 =	simm.s32 @!p2 $0x0  }
0x1d: {  	s5 =	simm.s32 @p1 $0x1;
	p0 =	seq.s32 s7, s2  }
0x1e: {  	s7 =	smul.u32 @!p0 $0xF7A, s2;
	p2 =	seq.s32 @!p0 s5, $0x0  }
0x1f: {  	s9 =	smul.u32 $0xF7A, s1;
	s8 =	simm.s32 @!p0 $0x1BF5;
	p2 =	por !p2, p0  }
0x20: {  	[sflag:s8] =	ssyncset.s32 @!p0 $0xFFFFF086;
	s6 =	sadd.s32 @!p0 s3, s7;
	s7 =	simm.s32 @!p0 $0x108  }
0x21: {  	s3 =	sadd.s32 s3, s9;
	s6 =	sadd.s32 @!p0 $0x88, s6;
	s7 =	simm.s32 @p2 $0x1082  }
0x22: {  	[simem:s7], [sflag:s8] =	dma.local @!p0 [hbm:s6], $0xF7A  }
0x23: {  	s9 =	sor.u32 $0xD0000000, s2;
	s6 =	simm.s32 $0x108;
	_ =	swait.ge @!p0 [sflag:s8], $0x0  }
0x24: {  	s3 =	sadd.s32 $0x88, s3;
	s6 =	simm.s32 @!p1 $0x1082;
	[sflag:s4] =	ssyncset.s32 $0xFFFFF086  }
0x25: {  	[simem:s6], [sflag:s4] =	dma.local [hbm:s3], $0xF7A  }
0x26: {  	[smem:$0x3F9B] =	sst s1;
	(tag) =	ssettag s2;
	_ =	strace s9  }
0x27: {  	s1 =	sld [smem:$0x3FAB]  }
0x28: {  	s2 =	sld [smem:$0x3FAC]  }
0x29: {  	s4 =	sld [smem:$0x3FAE]  }
0x2a: {  	p0 =	seq.s32 s5, $0x0;
	s5 =	sld [smem:$0x3FAF]  }
0x2b: {  	s6 =	sld [smem:$0x3FB0]  }
0x2c: {  	s7 =	sld [smem:$0x3FB1]  }
0x2d: {  	s3 =	simm.s32 $0x108;
	s8 =	sld [smem:$0x3FB2]  }
0x2e: {  	s3 =	simm.s32 @!p0 $0x1082;
	s9 =	sld [smem:$0x3FB3]  }
0x2f: {  	lr =	sadd.s32 s0, s3;
	s0 =	sld [smem:$0x3FAA]  }
0x30: {  	s3 =	sld [smem:$0x3FAD]  }
0x31: {  	[smem:$0x3FB6] =	sst s10  }
0x32: {  	s10 =	sld [smem:$0x3FB4];
	_ =	sdelay $0x3  }
0x33: {  	p0 =	seq.s32 s10, $0x1;
	s10 =	sld [smem:$0x3FB6];
	_ =	sdelay $0x3  }
0x34: {  	[smem:$0x3FB6] =	sst s10  }
0x35: {  	s10 =	sld [smem:$0x3FB5];
	_ =	sdelay $0x3  }
0x36: {  	p1 =	seq.s32 s10, $0x1;
	s10 =	sld [smem:$0x3FB6];
	_ =	sdelay $0x3  }
0x37: {  	[smem:$0x3FB6] =	sst s10  }
0x38: {  	s10 =	sld [smem:$0x3FB7]  }
0x39: {  	_ = 	snop;
	(pc) =	sbr.ind lr, $3  }
0x3a: {  	_ = 	snop  }
0x3b: {  	_ = 	snop  }
0x3c: {  	p2 =	seq.s32 s10, $0x1;
	s10 =	sld [smem:$0x3FB6]  }
0x3d: {  	_ =	shalt  }
0x3e: {  	_ =	shalt  }
0x3f: {  	_ =	shalt  }
0x40: {  	_ =	shalt  }
0x41: {  	_ =	shalt  }
0x42: {  	_ =	shalt  }
0x43: {  	_ =	shalt  }
0x44: {  	_ =	shalt  }
0x45: {  	_ =	shalt  }
0x46: {  	_ =	shalt  }
0x47: {  	_ =	shalt  }
0x48: {  	_ =	shalt  }
0x49: {  	_ =	shalt  }
0x4a: {  	_ =	shalt  }
0x4b: {  	_ =	shalt  }
0x4c: {  	_ =	shalt  }
0x4d: {  	_ =	shalt  }
0x4e: {  	_ =	shalt  }
0x4f: {  	_ =	shalt  }
0x50: {  	_ =	shalt  }
0x51: {  	_ =	shalt  }
0x52: {  	_ =	shalt  }
0x53: {  	_ =	shalt  }
0x54: {  	_ =	shalt  }
0x55: {  	_ =	shalt  }
0x56: {  	_ =	shalt  }
0x57: {  	_ =	shalt  }
0x58: {  	_ =	shalt  }
0x59: {  	_ =	shalt  }
0x5a: {  	_ =	shalt  }
0x5b: {  	_ =	shalt  }
0x5c: {  	_ =	shalt  }
0x5d: {  	_ =	shalt  }
0x5e: {  	_ =	shalt  }
0x5f: {  	_ =	shalt  }
0x60: {  	_ =	shalt  }
0x61: {  	_ =	shalt  }
0x62: {  	_ =	shalt  }
0x63: {  	_ =	shalt  }
0x64: {  	_ =	shalt  }
0x65: {  	_ =	shalt  }
0x66: {  	_ =	shalt  }
0x67: {  	_ =	shalt  }
0x68: {  	_ =	shalt  }
0x69: {  	_ =	shalt  }
0x6a: {  	_ =	shalt  }
0x6b: {  	_ =	shalt  }
0x6c: {  	_ =	shalt  }
0x6d: {  	_ =	shalt  }
0x6e: {  	_ =	shalt  }
0x6f: {  	_ =	shalt  }
0x70: {  	_ =	shalt  }
0x71: {  	_ =	shalt  }
0x72: {  	_ =	shalt  }
0x73: {  	_ =	shalt  }
0x74: {  	_ =	shalt  }
0x75: {  	_ =	shalt  }
0x76: {  	_ =	shalt  }
0x77: {  	_ =	shalt  }
0x78: {  	_ =	shalt  }
0x79: {  	_ =	shalt  }
0x7a: {  	_ =	shalt  }
0x7b: {  	_ =	shalt  }
0x7c: {  	_ =	shalt  }
0x7d: {  	_ =	shalt  }
0x7e: {  	_ =	shalt  }
0x7f: {  	_ =	shalt  }
0x80: {  	_ =	shalt  }
0x81: {  	_ =	shalt  }
0x82: {  	_ =	shalt  }
0x83: {  	_ =	shalt  }
0x84: {  	_ =	shalt  }
0x85: {  	_ =	shalt  }
0x86: {  	_ =	shalt  }
0x87: {  	_ =	shalt  }
.Lfunc_end0:
.L_simem_size_0:
called_computation.1_lowered:
.L_overlay_start_0:
0x88: {  	s2 =	sld [smem:$0x3FD9]  }
0x89: {  	s3 =	sld [smem:$0x3FFE];
	_ =	sdelay $0x1  }
0x8a: {  	s1 =	srdreg.scid  }
0x8b: {  	s0 =	sand.u32 $0x1, s1  }
0x8c: {  	s17 =	sshll.u32 s0, $0xA;
	s2 =	sadd.s32 s3, s2  }
0x8d: {  	s2 =	sadd.s32 s2, s17  }
0x8e: {  	[smem:$0x3FC2] =	sst s2  }
0x8f: {  	_ = 	snop  }
0x90: {  	s2 =	sld [smem:$0x3FD0];
	(tm) =	ssettm $0x1  }
0x91: {  	s18 =	sld [smem:$0x3FFB];
	_ =	sdelay $0x3  }
0x92: {  	_ =	strace s18  }
0x93: {  	s3 =	sld [smem:$0x3FFC];
	_ =	sdelay $0x3  }
0x94: {  	_ =	strace s3  }
0x95: {  	s3 =	sld [smem:$0x3FFD];
	_ =	sdelay $0x3  }
0x96: {  	_ =	strace s3  }
0x97: {  	_ =	strace $0x8FFFFFFF  }
0x98: {  	s19 =	sld [smem:$0x3FDB];
	_ =	sdelay $0x1  }
0x99: {  	s4 =	simm.s32 $_scs_section_size  }
0x9a: {  	s5 =	simm.s32 $_size__tile_overlayer_lowered;
	s6 =	simm.s32 $_tile_overlayer_lowered  }
0x9b: {  	s22 =	simm.s32 $0x1BFF;
	s21 =	sshll.u32 s6, $0x1;
	s3 =	sadd.s32 s4, s19  }
0x9c: {  	s7 =	simm.s32 $0x0;
	s20 =	sshll.u32 s5, $0x1;
	s5 =	sadd.s32 s21, s3  }
0x9d: {  	[timem:s7], [sflag:s22] =	dma.local [hbm:s5], s20  }
0x9e: {  	_ =	swait.ge [sflag:s22], s20  }
0x9f: {  	s4 =	ssub.s32 $0x0, s20;
	[sflag:s22] =	ssyncset.done $0x0  }
0xa0: {  	[sflag:s22] =	ssyncadd.s32 s4;
	_ =	sdelay $0x1  }
0xa1: {  	s23 =	simm.s32 $0x1B8B  }
0xa2: {  	_ =	swait.ge [sflag:s23], $0x1  }
0xa3: {  	[sflag:s23] =	ssyncset.done $0x0  }
0xa4: {  	s25 =	simm.s32 $0x1B8E;
	s24 =	sld [smem:$0x3FFE];
	[sflag:s23] =	ssyncadd.s32 $0xFFFFFFFF  }
0xa5: {  	s26 =	simm.s32 $execute0_lowered;
	[smem:$0x3FD2] =	sst s25  }
0xa6: {  	s5 =	sshll.u32 s26, $0x1;
	_ =	strace $0x80000049;
	[dreg:$0x1] =	wrdreg $0xFFFFFFFF  }
0xa7: {  	s28 =	simm.s32 $_size_execute0_lowered;
	s3 =	sadd.s32 s3, s5;
	[dreg:$0x0] =	wrdreg $0x0  }
0xa8: {  	s5 =	sshll.u32 s28, $0x1;
	[dreg:$0x2] =	wrdreg s3  }
0xa9: {  	[dreg:$0x3] =	wrdreg s5  }
0xaa: {  	[dreg:$0x4] =	wrdreg $0xC0  }
0xab: {  	_ =	task [dreg:s7], $0x5FFFF  }
0xac: {  	[dreg:$0x1] =	wrdreg $0xFFFFFFFF  }
0xad: {  	[dreg:$0x0] =	wrdreg $0x60  }
0xae: {  	[dreg:$0x2] =	wrdreg s2  }
0xaf: {  	[dreg:$0x3] =	wrdreg s24  }
0xb0: {  	[dreg:$0x4] =	wrdreg $0x142800  }
0xb1: {  	[dreg:$0x5] =	wrdreg $0x9  }
0xb2: {  	_ =	task.clear_ibuf [dreg:s7], $0x6FFFF;
	_ =	strace $0x90000049  }
0xb3: {  	s29 =	simm.s32 $0x9;
	_ =	strace $0x8000004B  }
0xb4: {  	_ =	swait.ge [sflag:s29], $0x1  }
0xb5: {  	[sflag:s29] =	ssyncadd.s32 $0xFFFFFFFF  }
0xb6: {  	_ =	strace $0x9000004B  }
0xb7: {  	_ =	sfence  }
0xb8: {  	s30 =	sld [smem:$0x0];
	_ =	sdelay $0x2  }
0xb9: {  	s31 =	sshll.u32 s1, $0xD;
	s1 =	sshrl.u32 s1, $0x2  }
0xba: {  	s3 =	sand.u32 $0x4000, s31;
	s1 =	sadd.s32 s1, s30  }
0xbb: {  	s0 =	sor.u32 s3, s0;
	s1 =	sshll.u32 s1, $0x11  }
0xbc: {  	s0 =	sor.u32 s1, s0  }
0xbd: {  	s0 =	sadd.s32 $0x8F2B, s0  }
0xbe: {  	[sflag:s0] =	ssyncadd.remote.s32 $0x1  }
0xbf: {  	_ =	sfence.sel $0xFFFF  }
0xc0: {  	[dreg:$0x0] =	wrdreg $0xFFFFFFFF;
	(pc) =	sbr.abs _section_cstart, $3  }
0xc1: {  	[dreg:$0x1] =	wrdreg $0xFFFFFFFF  }
0xc2: {  	_ =	task.clear_ibuf [dreg:s7], $0x2FFFF;
	_ =	strace $0x9FFFFFFF  }
0xc3: {  	(tm) =	ssettm $0x7FFFFFFF  }
tec
execute0_lowered:
.L_overlay_start_1:
0x0: {  	(tag) =	ssettag $0x1  }
0x1: {  	s0 =	srdreg.scid;
	s1 =	rddreg [dreg:$0x0]  }
0x2: {  	s2 =	rddreg [dreg:$0x1];
	s9 =	stileid.u32  }
0x3: {  	s3 =	rddreg [dreg:$0x2];
	s16 =	simm.s32 $0x9;
	s17 =	simm.s32 $0x80  }
0x4: {  	s18 =	simm.s32 $0xA280;
	s19 =	simm.s32 $0xC280;
	s20 =	simm.s32 $0x5000  }
0x5: {  	s21 =	simm.s32 $0xA000;
	s28 =	simm.s32 $0x10280;
	s29 =	simm.s32 $0x2  }
0x6: {  	s31 =	simm.s32 $0x5;
	s30 =	simm.s32 $0x7;
	s0 =	sand.u32 $0x1, s0  }
0x7: {  	s7 =	smul.u32 $0xA00, s9;
	s22 =	sadd.s32 $0x21400, s2;
	s4 =	sshll.u32 s0, $0x4  }
0x8: {  	s0 =	ssub.s32 $0x2, s0;
	s5 =	sor.u32 s9, s4;
	s9 =	smul.u32 $0x28000, s9  }
0x9: {  	s4 =	simm.s32 $0x0;
	s7 =	sadd.s32 s7, s2;
	s6 =	smul.u32 $0xA00, s5  }
0xa: {  	s23 =	sshrl.u32 s0, $0x1;
	[smem:$0x7FF] =	sst s4;
	s5 =	smul.u32 $0x50, s5  }
0xb: {  	s0 =	ssub.s32 s0, s23;
	s25 =	sadd.s32 $0x16A00, s7;
	s23 =	simm.s32 $0x8  }
0xc: {  	_ =	strace $0x8000004A;
	[dreg:$0x4] =	wrdreg s22;
	s9 =	sshrl.u32 s9, $0x2  }
0xd: {  	[dreg:$0x6] =	wrdreg s25;
	s15 =	smax.u32 s0, $0x1;
	s22 =	simm.s32 $0x12280  }
0xe: {  	s25 =	simm.s32 $0x1;
	s0 =	simm.s32 $0x3;
	s8 =	sadd.s32 s6, s2  }
0xf: {  	s5 =	sadd.s32 s5, s2;
	s6 =	sadd.s32 $0x21800, s2;
	s24 =	sadd.s32 $0x2A00, s8  }
0x10: {  	s2 =	simm.s32 $0x4;
	s26 =	sadd.s32 $0x20A00, s5;
	[dreg:$0x5] =	wrdreg s24  }
0x11: {  	s8 =	sadd.s32 s9, s3;
	s5 =	simm.s32 $0x0;
	[dreg:$0x7] =	wrdreg s26  }
0x12: {  	s11 =	sadd.s32 $0x2000, s8;
	s12 =	sadd.s32 $0x4000, s8;
	s13 =	sadd.s32 $0x6000, s8  }
0x13: {  	s14 =	sadd.s32 $0x8000, s8;
	s24 =	simm.s32 $0xE280;
	s26 =	simm.s32 $0x6  }
.LBB2_1:
0x14: {  	s7 =	rddreg [dreg:$0x5]  }
0x15: {  	[tilespmem:s4], [sflag:$0x9] =	stream.linear.gather [hbm4b:s7+s4], $0x5000, $0x38;
	[tilespmem:$0x1E280] =	vst v63  }
0x16: {  	_ =	swait.ge [sflag:s16], $0x5000  }
0x17: {  	[sflag:s16] =	ssyncset.done $0x0  }
0x18: {  	[sflag:s16] =	ssyncadd.s32 $0xFFFFB000  }
0x19: {  	[tilespmem:s18], [sflag:$0x1] =	stream.indirect.gather [hbm4b:s1+s17], $0x40, s4, s17, $0xb8;
	[tilespmem:$0x1E280] =	vst v63  }
0x1a: {  	_ = 	snop  }
0x1b: {  	[tilespmem:s19], [sflag:$0x2] =	stream.indirect.gather [hbm4b:s1+s17], $0x40, s17, s17, $0xb8;
	[tilespmem:$0x1E280] =	vst v63  }
0x1c: {  	s10 =	rddreg [dreg:$0x6]  }
0x1d: {  	[tilespmem:s20], [sflag:$0x9] =	stream.linear.gather [hbm4b:s10+s4], $0x5000, $0x38;
	[tilespmem:$0x1E280] =	vst v63  }
0x1e: {  	_ =	swait.ge [sflag:s16], $0x5000  }
0x1f: {  	[sflag:s16] =	ssyncset.done $0x0  }
0x20: {  	s9 =	rddreg [dreg:$0x7];
	[sflag:s16] =	ssyncadd.s32 $0xFFFFB000  }
0x21: {  	[tilespmem:s21], [sflag:$0x9] =	stream.linear.gather [hbm4b:s9+s4], $0x280, $0x38;
	[tilespmem:$0x1E280] =	vst v63  }
0x22: {  	_ =	swait.ge [sflag:s16], $0x280  }
0x23: {  	[sflag:s16] =	ssyncset.done $0x0  }
0x24: {  	s10 =	rddreg [dreg:$0x4];
	[sflag:s16] =	ssyncadd.s32 $0xFFFFFD80  }
0x25: {  	[tilespmem:s22], [sflag:$0x9] =	stream.linear.gather [hbm4b:s10+s4], $0x2000, $0x38;
	[tilespmem:$0x1E280] =	vst v63  }
0x26: {  	_ =	swait.ge [sflag:s16], $0x2000  }
0x27: {  	[sflag:s16] =	ssyncset.done $0x0  }
0x28: {  	[sflag:s16] =	ssyncadd.s32 $0xFFFFE000  }
0x29: {  	[spmem:s8] =	stream.linear.scatter [tilespmem:s22], [sflag:$0x9], $0x2000, $0x38;
	[tilespmem:$0x1E280] =	vst v63  }
0x2a: {  	_ =	swait.ge [sflag:s16], $0x2000  }
0x2b: {  	[sflag:s16] =	ssyncset.done $0x0  }
0x2c: {  	[sflag:s16] =	ssyncadd.s32 $0xFFFFE000  }
0x2d: {  	[spmem:s11] =	stream.linear.scatter [tilespmem:s22], [sflag:$0x9], $0x2000, $0x38;
	[tilespmem:$0x1E280] =	vst v63  }
0x2e: {  	_ =	swait.ge [sflag:s16], $0x2000  }
0x2f: {  	[sflag:s16] =	ssyncset.done $0x0  }
0x30: {  	[sflag:s16] =	ssyncadd.s32 $0xFFFFE000  }
0x31: {  	[spmem:s12] =	stream.linear.scatter [tilespmem:s22], [sflag:$0x9], $0x2000, $0x38;
	[tilespmem:$0x1E280] =	vst v63  }
0x32: {  	_ =	swait.ge [sflag:s16], $0x2000  }
0x33: {  	[sflag:s16] =	ssyncset.done $0x0  }
0x34: {  	[sflag:s16] =	ssyncadd.s32 $0xFFFFE000  }
0x35: {  	[spmem:s13] =	stream.linear.scatter [tilespmem:s22], [sflag:$0x9], $0x2000, $0x38;
	[tilespmem:$0x1E280] =	vst v63  }
0x36: {  	_ =	swait.ge [sflag:s16], $0x2000  }
0x37: {  	[sflag:s16] =	ssyncset.done $0x0  }
0x38: {  	[sflag:s16] =	ssyncadd.s32 $0xFFFFE000  }
0x39: {  	[spmem:s14] =	stream.linear.scatter [tilespmem:s22], [sflag:$0x9], $0x2000, $0x38;
	[tilespmem:$0x1E280] =	vst v63  }
0x3a: {  	_ =	swait.ge [sflag:s16], $0x2000  }
0x3b: {  	[sflag:s16] =	ssyncset.done $0x0  }
0x3c: {  	[sflag:s16] =	ssyncadd.s32 $0xFFFFE000  }
0x3d: {  	s9 =	simm.s32 $0x100;
	[bflag:$0x0] =	sbarrier.arrive $0xFFFF  }
0x3e: {  	[tilespmem:s24], [sflag:$0x3] =	stream.indirect.gather [hbm4b:s1+s17], $0x40, s9, s17, $0xb8;
	[tilespmem:$0x1E280] =	vst v63  }
0x3f: {  	_ =	swait.ge [sflag:s25], $0x2000  }
0x40: {  	[sflag:s25] =	ssyncset.done $0x0  }
0x41: {  	[sflag:s25] =	ssyncadd.s32 $0xFFFFE000  }
0x42: {  	[spmem:s3] =	stream.indirect.scatter.add.f32 [tilespmem:s18], [sflag:$0x5], $0x40, s20, s17, $0xb8;
	[tilespmem:$0x1E280] =	vst v63  }
0x43: {  	s10 =	simm.s32 $0x180  }
0x44: {  	[tilespmem:s28], [sflag:$0x4] =	stream.indirect.gather [hbm4b:s1+s17], $0x40, s10, s17, $0xb8;
	[tilespmem:$0x1E280] =	vst v63  }
0x45: {  	_ =	swait.ge [sflag:s29], $0x2000  }
0x46: {  	[sflag:s29] =	ssyncset.done $0x0  }
0x47: {  	s9 =	simm.s32 $0x5080;
	[sflag:s29] =	ssyncadd.s32 $0xFFFFE000  }
0x48: {  	[spmem:s3] =	stream.indirect.scatter.add.f32 [tilespmem:s19], [sflag:$0x6], $0x40, s9, s17, $0xb8;
	[tilespmem:$0x1E280] =	vst v63  }
0x49: {  	_ =	swait.ge [sflag:s31], $0x2000  }
0x4a: {  	[sflag:s31] =	ssyncset.done $0x0  }
0x4b: {  	s10 =	simm.s32 $0x200;
	[sflag:s31] =	ssyncadd.s32 $0xFFFFE000  }
0x4c: {  	[tilespmem:s18], [sflag:$0x1] =	stream.indirect.gather [hbm4b:s1+s17], $0x40, s10, s17, $0xb8;
	[tilespmem:$0x1E280] =	vst v63  }
0x4d: {  	_ =	swait.ge [sflag:s0], $0x2000  }
0x4e: {  	[sflag:s0] =	ssyncset.done $0x0  }
0x4f: {  	s9 =	simm.s32 $0x5100;
	[sflag:s0] =	ssyncadd.s32 $0xFFFFE000  }
0x50: {  	[spmem:s3] =	stream.indirect.scatter.add.f32 [tilespmem:s24], [sflag:$0x7], $0x40, s9, s17, $0xb8;
	[tilespmem:$0x1E280] =	vst v63  }
0x51: {  	_ =	swait.ge [sflag:s26], $0x2000  }
0x52: {  	[sflag:s26] =	ssyncset.done $0x0  }
0x53: {  	s10 =	simm.s32 $0x280;
	[sflag:s26] =	ssyncadd.s32 $0xFFFFE000  }
0x54: {  	[tilespmem:s19], [sflag:$0x2] =	stream.indirect.gather [hbm4b:s1+s17], $0x40, s10, s17, $0xb8;
	[tilespmem:$0x1E280] =	vst v63  }
0x55: {  	_ =	swait.ge [sflag:s2], $0x2000  }
0x56: {  	[sflag:s2] =	ssyncset.done $0x0  }
0x57: {  	s9 =	simm.s32 $0x5180;
	[sflag:s2] =	ssyncadd.s32 $0xFFFFE000  }
0x58: {  	[spmem:s3] =	stream.indirect.scatter.add.f32 [tilespmem:s28], [sflag:$0x8], $0x40, s9, s17, $0xb8;
	[tilespmem:$0x1E280] =	vst v63  }
0x59: {  	_ =	swait.ge [sflag:s30], $0x2000  }
0x5a: {  	[sflag:s30] =	ssyncset.done $0x0  }
0x5b: {  	s10 =	simm.s32 $0x300;
	[sflag:s30] =	ssyncadd.s32 $0xFFFFE000  }
0x5c: {  	[tilespmem:s24], [sflag:$0x3] =	stream.indirect.gather [hbm4b:s1+s17], $0x40, s10, s17, $0xb8;
	[tilespmem:$0x1E280] =	vst v63  }
0x5d: {  	_ =	swait.ge [sflag:s25], $0x2000  }
0x5e: {  	[sflag:s25] =	ssyncset.done $0x0  }
0x5f: {  	s9 =	simm.s32 $0x5200;
	[sflag:s25] =	ssyncadd.s32 $0xFFFFE000  }
0x60: {  	[spmem:s3] =	stream.indirect.scatter.add.f32 [tilespmem:s18], [sflag:$0x5], $0x40, s9, s17, $0xb8;
	[tilespmem:$0x1E280] =	vst v63  }
0x61: {  	_ =	swait.ge [sflag:s23], $0x2000  }
0x62: {  	[sflag:s23] =	ssyncset.done $0x0  }
0x63: {  	s10 =	simm.s32 $0x380;
	[sflag:s23] =	ssyncadd.s32 $0xFFFFE000  }
0x64: {  	[tilespmem:s28], [sflag:$0x4] =	stream.indirect.gather [hbm4b:s1+s17], $0x40, s10, s17, $0xb8;
	[tilespmem:$0x1E280] =	vst v63  }
0x65: {  	_ =	swait.ge [sflag:s29], $0x2000  }
0x66: {  	[sflag:s29] =	ssyncset.done $0x0  }
0x67: {  	s9 =	simm.s32 $0x5280;
	[sflag:s29] =	ssyncadd.s32 $0xFFFFE000  }
0x68: {  	[spmem:s3] =	stream.indirect.scatter.add.f32 [tilespmem:s19], [sflag:$0x6], $0x40, s9, s17, $0xb8;
	[tilespmem:$0x1E280] =	vst v63  }
0x69: {  	_ =	swait.ge [sflag:s31], $0x2000  }
0x6a: {  	[sflag:s31] =	ssyncset.done $0x0  }
0x6b: {  	s10 =	simm.s32 $0x400;
	[sflag:s31] =	ssyncadd.s32 $0xFFFFE000  }
0x6c: {  	[tilespmem:s18], [sflag:$0x1] =	stream.indirect.gather [hbm4b:s1+s17], $0x40, s10, s17, $0xb8;
	[tilespmem:$0x1E280] =	vst v63  }
0x6d: {  	_ =	swait.ge [sflag:s0], $0x2000  }
0x6e: {  	[sflag:s0] =	ssyncset.done $0x0  }
0x6f: {  	s9 =	simm.s32 $0x5300;
	[sflag:s0] =	ssyncadd.s32 $0xFFFFE000  }
0x70: {  	[spmem:s3] =	stream.indirect.scatter.add.f32 [tilespmem:s24], [sflag:$0x7], $0x40, s9, s17, $0xb8;
	[tilespmem:$0x1E280] =	vst v63  }
0x71: {  	_ =	swait.ge [sflag:s26], $0x2000  }
0x72: {  	[sflag:s26] =	ssyncset.done $0x0  }
0x73: {  	s10 =	simm.s32 $0x480;
	[sflag:s26] =	ssyncadd.s32 $0xFFFFE000  }
0x74: {  	[tilespmem:s19], [sflag:$0x2] =	stream.indirect.gather [hbm4b:s1+s17], $0x40, s10, s17, $0xb8;
	[tilespmem:$0x1E280] =	vst v63  }
0x75: {  	_ =	swait.ge [sflag:s2], $0x2000  }
0x76: {  	[sflag:s2] =	ssyncset.done $0x0  }
0x77: {  	s7 =	simm.s32 $0x800;
	s9 =	simm.s32 $0x5380;
	[sflag:s2] =	ssyncadd.s32 $0xFFFFE000  }
.LBB2_2:
0x78: {  	[spmem:s3] =	stream.indirect.scatter.add.f32 [tilespmem:s28], [sflag:$0x8], $0x40, s9, s17, $0xb8;
	[tilespmem:$0x1E280] =	vst v63  }
0x79: {  	s9 =	smov.u32 s7  }
0x7a: {  	p0 =	sne.s32 s7, $0x12800;
	s7 =	sadd.s32 $0x800, s7;
	_ =	swait.ge [sflag:s30], $0x2000  }
0x7b: {  	s9 =	sshra.s32 s9, $0x2;
	[sflag:s30] =	ssyncset.done $0x0  }
0x7c: {  	s10 =	sadd.s32 $0x300, s9;
	[sflag:s30] =	ssyncadd.s32 $0xFFFFE000  }
0x7d: {  	[tilespmem:s24], [sflag:$0x3] =	stream.indirect.gather [hbm4b:s1+s17], $0x40, s10, s17, $0xb8;
	[tilespmem:$0x1E280] =	vst v63  }
0x7e: {  	_ =	swait.ge [sflag:s25], $0x2000  }
0x7f: {  	[sflag:s25] =	ssyncset.done $0x0  }
0x80: {  	s10 =	sadd.s32 $0x5200, s9;
	[sflag:s25] =	ssyncadd.s32 $0xFFFFE000  }
0x81: {  	[spmem:s3] =	stream.indirect.scatter.add.f32 [tilespmem:s18], [sflag:$0x5], $0x40, s10, s17, $0xb8;
	[tilespmem:$0x1E280] =	vst v63  }
0x82: {  	_ =	swait.ge [sflag:s23], $0x2000  }
0x83: {  	[sflag:s23] =	ssyncset.done $0x0  }
0x84: {  	s10 =	sadd.s32 $0x380, s9;
	[sflag:s23] =	ssyncadd.s32 $0xFFFFE000  }
0x85: {  	[tilespmem:s28], [sflag:$0x4] =	stream.indirect.gather [hbm4b:s1+s17], $0x40, s10, s17, $0xb8;
	[tilespmem:$0x1E280] =	vst v63  }
0x86: {  	_ =	swait.ge [sflag:s29], $0x2000  }
0x87: {  	[sflag:s29] =	ssyncset.done $0x0  }
0x88: {  	s10 =	sadd.s32 $0x5280, s9;
	[sflag:s29] =	ssyncadd.s32 $0xFFFFE000  }
0x89: {  	[spmem:s3] =	stream.indirect.scatter.add.f32 [tilespmem:s19], [sflag:$0x6], $0x40, s10, s17, $0xb8;
	[tilespmem:$0x1E280] =	vst v63  }
0x8a: {  	_ =	swait.ge [sflag:s31], $0x2000  }
0x8b: {  	[sflag:s31] =	ssyncset.done $0x0  }
0x8c: {  	s10 =	sadd.s32 $0x400, s9;
	[sflag:s31] =	ssyncadd.s32 $0xFFFFE000  }
0x8d: {  	[tilespmem:s18], [sflag:$0x1] =	stream.indirect.gather [hbm4b:s1+s17], $0x40, s10, s17, $0xb8;
	[tilespmem:$0x1E280] =	vst v63  }
0x8e: {  	_ =	swait.ge [sflag:s0], $0x2000  }
0x8f: {  	[sflag:s0] =	ssyncset.done $0x0  }
0x90: {  	s10 =	sadd.s32 $0x5300, s9;
	[sflag:s0] =	ssyncadd.s32 $0xFFFFE000  }
0x91: {  	[spmem:s3] =	stream.indirect.scatter.add.f32 [tilespmem:s24], [sflag:$0x7], $0x40, s10, s17, $0xb8;
	[tilespmem:$0x1E280] =	vst v63  }
0x92: {  	_ =	swait.ge [sflag:s26], $0x2000  }
0x93: {  	[sflag:s26] =	ssyncset.done $0x0  }
.Ltmp0:
0x94: {  	s10 =	sadd.s32 $0x480, s9;
	[sflag:s26] =	ssyncadd.s32 $0xFFFFE000;
	(pc) =	sbr.rel @p0 .LBB2_2-.Ltmp0, $4  }
0x95: {  	[tilespmem:s19], [sflag:$0x2] =	stream.indirect.gather [hbm4b:s1+s17], $0x40, s10, s17, $0xb8;
	[tilespmem:$0x1E280] =	vst v63  }
0x96: {  	_ =	swait.ge [sflag:s2], $0x2000  }
0x97: {  	[sflag:s2] =	ssyncset.done $0x0  }
0x98: {  	s9 =	sadd.s32 $0x5380, s9;
	[sflag:s2] =	ssyncadd.s32 $0xFFFFE000  }
0x99: {  	[spmem:s3] =	stream.indirect.scatter.add.f32 [tilespmem:s28], [sflag:$0x8], $0x40, s9, s17, $0xb8;
	[tilespmem:$0x1E280] =	vst v63  }
0x9a: {  	_ =	swait.ge [sflag:s30], $0x2000  }
0x9b: {  	[sflag:s30] =	ssyncset.done $0x0  }
0x9c: {  	s7 =	simm.s32 $0x4F00;
	[sflag:s30] =	ssyncadd.s32 $0xFFFFE000  }
0x9d: {  	[tilespmem:s24], [sflag:$0x3] =	stream.indirect.gather [hbm4b:s1+s17], $0x40, s7, s17, $0xb8;
	[tilespmem:$0x1E280] =	vst v63  }
0x9e: {  	_ =	swait.ge [sflag:s25], $0x2000  }
0x9f: {  	[sflag:s25] =	ssyncset.done $0x0  }
0xa0: {  	s10 =	simm.s32 $0x9E00;
	[sflag:s25] =	ssyncadd.s32 $0xFFFFE000  }
0xa1: {  	[spmem:s3] =	stream.indirect.scatter.add.f32 [tilespmem:s18], [sflag:$0x5], $0x40, s10, s17, $0xb8;
	[tilespmem:$0x1E280] =	vst v63  }
0xa2: {  	_ =	swait.ge [sflag:s23], $0x2000  }
0xa3: {  	[sflag:s23] =	ssyncset.done $0x0  }
0xa4: {  	s9 =	simm.s32 $0x4F80;
	[sflag:s23] =	ssyncadd.s32 $0xFFFFE000  }
0xa5: {  	[tilespmem:s28], [sflag:$0x4] =	stream.indirect.gather [hbm4b:s1+s17], $0x40, s9, s17, $0xb8;
	[tilespmem:$0x1E280] =	vst v63  }
0xa6: {  	_ =	swait.ge [sflag:s29], $0x2000  }
0xa7: {  	[sflag:s29] =	ssyncset.done $0x0  }
0xa8: {  	s10 =	simm.s32 $0x9E80;
	[sflag:s29] =	ssyncadd.s32 $0xFFFFE000  }
0xa9: {  	[spmem:s3] =	stream.indirect.scatter.add.f32 [tilespmem:s19], [sflag:$0x6], $0x40, s10, s17, $0xb8;
	[tilespmem:$0x1E280] =	vst v63  }
0xaa: {  	_ =	swait.ge [sflag:s0], $0x2000  }
0xab: {  	[sflag:s0] =	ssyncset.done $0x0  }
0xac: {  	s9 =	simm.s32 $0x9F00;
	[sflag:s0] =	ssyncadd.s32 $0xFFFFE000  }
0xad: {  	[spmem:s3] =	stream.indirect.scatter.add.f32 [tilespmem:s24], [sflag:$0x7], $0x40, s9, s17, $0xb8;
	[tilespmem:$0x1E280] =	vst v63  }
0xae: {  	_ =	swait.ge [sflag:s2], $0x2000  }
0xaf: {  	[sflag:s2] =	ssyncset.done $0x0  }
0xb0: {  	s10 =	simm.s32 $0x9F80;
	[sflag:s2] =	ssyncadd.s32 $0xFFFFE000  }
0xb1: {  	[spmem:s3] =	stream.indirect.scatter.add.f32 [tilespmem:s28], [sflag:$0x8], $0x40, s10, s17, $0xb8;
	[tilespmem:$0x1E280] =	vst v63  }
0xb2: {  	_ =	swait.ge [sflag:s31], $0x2000  }
0xb3: {  	[sflag:s31] =	ssyncset.done $0x0  }
0xb4: {  	[sflag:s31] =	ssyncadd.s32 $0xFFFFE000  }
0xb5: {  	_ =	swait.ge [sflag:s26], $0x2000  }
0xb6: {  	[sflag:s26] =	ssyncset.done $0x0  }
0xb7: {  	[sflag:s26] =	ssyncadd.s32 $0xFFFFE000  }
0xb8: {  	_ =	swait.ge [sflag:s30], $0x2000  }
0xb9: {  	[sflag:s30] =	ssyncset.done $0x0  }
0xba: {  	[sflag:s30] =	ssyncadd.s32 $0xFFFFE000  }
0xbb: {  	_ =	swait.ge [sflag:s23], $0x2000  }
0xbc: {  	[sflag:s23] =	ssyncset.done $0x0  }
0xbd: {  	[sflag:s23] =	ssyncadd.s32 $0xFFFFE000  }
0xbe: {  	[bflag:$0x0] =	sbarrier.arrive $0xFFFF  }
0xbf: {  	[tilespmem:s18], [sflag:$0x1] =	stream.linear.gather [spmem:s8], $0x2000, $0x38;
	[tilespmem:$0x1E280] =	vst v63  }
0xc0: {  	_ = 	snop  }
0xc1: {  	[tilespmem:s19], [sflag:$0x2] =	stream.linear.gather [spmem:s11], $0x2000, $0x38;
	[tilespmem:$0x1E280] =	vst v63  }
0xc2: {  	_ = 	snop  }
0xc3: {  	[tilespmem:s24], [sflag:$0x3] =	stream.linear.gather [spmem:s12], $0x2000, $0x38;
	[tilespmem:$0x1E280] =	vst v63  }
0xc4: {  	_ = 	snop  }
0xc5: {  	[tilespmem:s28], [sflag:$0x4] =	stream.linear.gather [spmem:s13], $0x2000, $0x38;
	[tilespmem:$0x1E280] =	vst v63  }
0xc6: {  	_ = 	snop  }
0xc7: {  	[tilespmem:s22], [sflag:$0x5] =	stream.linear.gather [spmem:s14], $0x2000, $0x38;
	[tilespmem:$0x1E280] =	vst v63  }
0xc8: {  	_ =	swait.ge [sflag:s25], $0x2000  }
0xc9: {  	[sflag:s25] =	ssyncset.done $0x0  }
0xca: {  	[sflag:s25] =	ssyncadd.s32 $0xFFFFE000  }
0xcb: {  	[hbm4b:s6+s17] =	stream.indirect.scatter [tilespmem:s18], [sflag:$0x6], $0x40, s21, s17, $0xb8;
	[tilespmem:$0x1E280] =	vst v63  }
0xcc: {  	_ =	swait.ge [sflag:s29], $0x2000  }
0xcd: {  	[sflag:s29] =	ssyncset.done $0x0  }
0xce: {  	s9 =	simm.s32 $0xA080;
	[sflag:s29] =	ssyncadd.s32 $0xFFFFE000  }
0xcf: {  	[hbm4b:s6+s17] =	stream.indirect.scatter [tilespmem:s19], [sflag:$0x7], $0x40, s9, s17, $0xb8;
	[tilespmem:$0x1E280] =	vst v63  }
0xd0: {  	_ =	swait.ge [sflag:s0], $0x2000  }
0xd1: {  	[sflag:s0] =	ssyncset.done $0x0  }
0xd2: {  	s10 =	simm.s32 $0xA100;
	[sflag:s0] =	ssyncadd.s32 $0xFFFFE000  }
0xd3: {  	[hbm4b:s6+s17] =	stream.indirect.scatter [tilespmem:s24], [sflag:$0x8], $0x40, s10, s17, $0xb8;
	[tilespmem:$0x1E280] =	vst v63  }
0xd4: {  	_ =	swait.ge [sflag:s2], $0x2000  }
0xd5: {  	[sflag:s2] =	ssyncset.done $0x0  }
0xd6: {  	s9 =	simm.s32 $0xA180;
	[sflag:s2] =	ssyncadd.s32 $0xFFFFE000  }
0xd7: {  	[hbm4b:s6+s17] =	stream.indirect.scatter [tilespmem:s28], [sflag:$0x1], $0x40, s9, s17, $0xb8;
	[tilespmem:$0x1E280] =	vst v63  }
0xd8: {  	_ =	swait.ge [sflag:s31], $0x2000  }
0xd9: {  	[sflag:s31] =	ssyncset.done $0x0  }
0xda: {  	s10 =	simm.s32 $0xA200;
	[sflag:s31] =	ssyncadd.s32 $0xFFFFE000  }
0xdb: {  	[hbm4b:s6+s17] =	stream.indirect.scatter [tilespmem:s22], [sflag:$0x2], $0x40, s10, s17, $0xb8;
	[tilespmem:$0x1E280] =	vst v63  }
0xdc: {  	_ =	swait.ge [sflag:s26], $0x2000  }
0xdd: {  	[sflag:s26] =	ssyncset.done $0x0  }
0xde: {  	[sflag:s26] =	ssyncadd.s32 $0xFFFFE000  }
0xdf: {  	_ =	swait.ge [sflag:s30], $0x2000  }
0xe0: {  	[sflag:s30] =	ssyncset.done $0x0  }
0xe1: {  	[sflag:s30] =	ssyncadd.s32 $0xFFFFE000  }
0xe2: {  	_ =	swait.ge [sflag:s23], $0x2000  }
0xe3: {  	[sflag:s23] =	ssyncset.done $0x0  }
0xe4: {  	s5 =	sadd.s32 $0x1, s5;
	[sflag:s23] =	ssyncadd.s32 $0xFFFFE000  }
0xe5: {  	p0 =	sne.s32 s5, s15;
	_ =	swait.ge [sflag:s25], $0x2000  }
.Ltmp1:
0xe6: {  	[sflag:s25] =	ssyncset.done $0x0;
	(pc) =	sbr.rel @p0 .LBB2_1-.Ltmp1, $4  }
0xe7: {  	[sflag:s25] =	ssyncadd.s32 $0xFFFFE000  }
0xe8: {  	_ =	swait.ge [sflag:s29], $0x2000  }
0xe9: {  	[sflag:s29] =	ssyncset.done $0x0  }
0xea: {  	[sflag:s29] =	ssyncadd.s32 $0xFFFFE000  }
0xeb: {  	_ =	sfence.sel $0x180000  }
0xec: {  	[bflag:$0x0] =	sbarrier.arrive $0xFFFF  }
0xed: {  	_ =	strace $0x9000004A  }
0xee: {  	s0 =	stileid.u32;
	[bflag:$0x2] =	sbarrier.arrive $0xFFFF  }
0xef: {  	p0 =	sne.s32 s0, $0x0;
	s0 =	rddreg [dreg:$0x3]  }
0xf0: {  	s0 =	sadd.s32 @!p0 $0x100000, s0  }
0xf1: {  	[sflag:s0] =	ssyncadd.tile.s32 @!p0 $0x1;
	_ =	shalt  }
.Lfunc_end2:
_tile_overlayer_lowered:
.L_overlay_start_2:
0xf2: {  	(tag) =	ssettag $0x2  }
0xf3: {  	s0 =	rddreg [dreg:$0x0];
	s2 =	stileid.u32  }
0xf4: {  	s1 =	rddreg [dreg:$0x1];
	p0 =	sne.s32 s2, $0x0  }
0xf5: {  	s3 =	rddreg [dreg:$0x2];
	[bflag:$0x3] =	sbarrier.arrive $0xFFFF;
	s2 =	simm.s32 @!p0 $0x1C09  }
0xf6: {  	[timem:s3], [sflag:s2] =	dma.local @!p0 [hbm:s0], s1  }
0xf7: {  	s0 =	simm.s32 @!p0 $0x9  }
0xf8: {  	_ =	swait.ge @!p0 [sflag:s0], s1  }
0xf9: {  	s1 =	ssub.s32 @!p0 $0x0, s1;
	[sflag:s0] =	ssyncset.done @!p0 $0x0  }
0xfa: {  	[sflag:s0] =	ssyncadd.s32 @!p0 s1  }
0xfb: {  	[bflag:$0x3] =	sbarrier.arrive $0xFFFF  }
0xfc: {  	_ =	shalt  }

// kernel: kernel.8.cloned.1.call-start
scs
__scs_entry_jumppad:
0x0: {  	(pc) =	sbr.rel $0x88, $3  }
0x1: {  	(tag) =	ssettag $0x0;
	lr =	simm.s32 $0x1  }
0x2: {  	[smem:$0x3F9B] =	sst lr;
	_ =	strace $0xD0000000  }
0x3: {  	_ = 	snop  }
0x4: {  	_ = 	snop  }
0x5: {  	_ = 	snop  }
0x6: {  	_ = 	snop  }
0x7: {  	_ = 	snop  }
__scs_overlays_trampoline_lowered:
0x8: {  	[smem:$0x3FAA] =	sst s0  }
0x9: {  	[smem:$0x3FAB] =	sst s1  }
0xa: {  	[smem:$0x3FAC] =	sst s2  }
0xb: {  	[smem:$0x3FAD] =	sst s3  }
0xc: {  	[smem:$0x3FAE] =	sst s4  }
0xd: {  	[smem:$0x3FAF] =	sst s5  }
0xe: {  	[smem:$0x3FB0] =	sst s6  }
0xf: {  	[smem:$0x3FB1] =	sst s7  }
0x10: {  	[smem:$0x3FB2] =	sst s8  }
0x11: {  	[smem:$0x3FB3] =	sst s9;
	s0 =	simm.s32 @!p0 $0x0  }
0x12: {  	s1 =	sld [smem:$0x3F99];
	s0 =	simm.s32 @p0 $0x1  }
0x13: {  	[smem:$0x3FB4] =	sst s0;
	s0 =	simm.s32 @!p1 $0x0  }
0x14: {  	s2 =	sld [smem:$0x3F98];
	s0 =	simm.s32 @p1 $0x1  }
0x15: {  	[smem:$0x3FB5] =	sst s0;
	s0 =	simm.s32 @!p2 $0x0  }
0x16: {  	s3 =	sld [smem:$0x3FDB];
	s0 =	simm.s32 @p2 $0x1  }
0x17: {  	s4 =	simm.s32 $0x1BF5;
	[smem:$0x3FB7] =	sst s0  }
0x18: {  	s0 =	sld [smem:$0x3F9A];
	_ =	swait.ge [sflag:s4], $0x0  }
0x19: {  	s7 =	sld [smem:$0x3F9B]  }
0x1a: {  	s8 =	sadd.s32 $0xFFFFE003, lr  }
0x1b: {  	s9 =	sadd.s32 $0xFFFFFEF7, lr;
	s5 =	simm.s32 $0xFFFFFFFF;
	p2 =	slt.u32 s8, $0xFFFFF086  }
0x1c: {  	p1 =	slt.u32 s9, $0xF7A;
	s5 =	simm.s32 @!p2 $0x0  }
0x1d: {  	s5 =	simm.s32 @p1 $0x1;
	p0 =	seq.s32 s7, s2  }
0x1e: {  	s7 =	smul.u32 @!p0 $0xF7A, s2;
	p2 =	seq.s32 @!p0 s5, $0x0  }
0x1f: {  	s9 =	smul.u32 $0xF7A, s1;
	s8 =	simm.s32 @!p0 $0x1BF5;
	p2 =	por !p2, p0  }
0x20: {  	[sflag:s8] =	ssyncset.s32 @!p0 $0xFFFFF086;
	s6 =	sadd.s32 @!p0 s3, s7;
	s7 =	simm.s32 @!p0 $0x108  }
0x21: {  	s3 =	sadd.s32 s3, s9;
	s6 =	sadd.s32 @!p0 $0x88, s6;
	s7 =	simm.s32 @p2 $0x1082  }
0x22: {  	[simem:s7], [sflag:s8] =	dma.local @!p0 [hbm:s6], $0xF7A  }
0x23: {  	s9 =	sor.u32 $0xD0000000, s2;
	s6 =	simm.s32 $0x108;
	_ =	swait.ge @!p0 [sflag:s8], $0x0  }
0x24: {  	s3 =	sadd.s32 $0x88, s3;
	s6 =	simm.s32 @!p1 $0x1082;
	[sflag:s4] =	ssyncset.s32 $0xFFFFF086  }
0x25: {  	[simem:s6], [sflag:s4] =	dma.local [hbm:s3], $0xF7A  }
0x26: {  	[smem:$0x3F9B] =	sst s1;
	(tag) =	ssettag s2;
	_ =	strace s9  }
0x27: {  	s1 =	sld [smem:$0x3FAB]  }
0x28: {  	s2 =	sld [smem:$0x3FAC]  }
0x29: {  	s4 =	sld [smem:$0x3FAE]  }
0x2a: {  	p0 =	seq.s32 s5, $0x0;
	s5 =	sld [smem:$0x3FAF]  }
0x2b: {  	s6 =	sld [smem:$0x3FB0]  }
0x2c: {  	s7 =	sld [smem:$0x3FB1]  }
0x2d: {  	s3 =	simm.s32 $0x108;
	s8 =	sld [smem:$0x3FB2]  }
0x2e: {  	s3 =	simm.s32 @!p0 $0x1082;
	s9 =	sld [smem:$0x3FB3]  }
0x2f: {  	lr =	sadd.s32 s0, s3;
	s0 =	sld [smem:$0x3FAA]  }
0x30: {  	s3 =	sld [smem:$0x3FAD]  }
0x31: {  	[smem:$0x3FB6] =	sst s10  }
0x32: {  	s10 =	sld [smem:$0x3FB4];
	_ =	sdelay $0x3  }
0x33: {  	p0 =	seq.s32 s10, $0x1;
	s10 =	sld [smem:$0x3FB6];
	_ =	sdelay $0x3  }
0x34: {  	[smem:$0x3FB6] =	sst s10  }
0x35: {  	s10 =	sld [smem:$0x3FB5];
	_ =	sdelay $0x3  }
0x36: {  	p1 =	seq.s32 s10, $0x1;
	s10 =	sld [smem:$0x3FB6];
	_ =	sdelay $0x3  }
0x37: {  	[smem:$0x3FB6] =	sst s10  }
0x38: {  	s10 =	sld [smem:$0x3FB7]  }
0x39: {  	_ = 	snop;
	(pc) =	sbr.ind lr, $3  }
0x3a: {  	_ = 	snop  }
0x3b: {  	_ = 	snop  }
0x3c: {  	p2 =	seq.s32 s10, $0x1;
	s10 =	sld [smem:$0x3FB6]  }
0x3d: {  	_ =	shalt  }
0x3e: {  	_ =	shalt  }
0x3f: {  	_ =	shalt  }
0x40: {  	_ =	shalt  }
0x41: {  	_ =	shalt  }
0x42: {  	_ =	shalt  }
0x43: {  	_ =	shalt  }
0x44: {  	_ =	shalt  }
0x45: {  	_ =	shalt  }
0x46: {  	_ =	shalt  }
0x47: {  	_ =	shalt  }
0x48: {  	_ =	shalt  }
0x49: {  	_ =	shalt  }
0x4a: {  	_ =	shalt  }
0x4b: {  	_ =	shalt  }
0x4c: {  	_ =	shalt  }
0x4d: {  	_ =	shalt  }
0x4e: {  	_ =	shalt  }
0x4f: {  	_ =	shalt  }
0x50: {  	_ =	shalt  }
0x51: {  	_ =	shalt  }
0x52: {  	_ =	shalt  }
0x53: {  	_ =	shalt  }
0x54: {  	_ =	shalt  }
0x55: {  	_ =	shalt  }
0x56: {  	_ =	shalt  }
0x57: {  	_ =	shalt  }
0x58: {  	_ =	shalt  }
0x59: {  	_ =	shalt  }
0x5a: {  	_ =	shalt  }
0x5b: {  	_ =	shalt  }
0x5c: {  	_ =	shalt  }
0x5d: {  	_ =	shalt  }
0x5e: {  	_ =	shalt  }
0x5f: {  	_ =	shalt  }
0x60: {  	_ =	shalt  }
0x61: {  	_ =	shalt  }
0x62: {  	_ =	shalt  }
0x63: {  	_ =	shalt  }
0x64: {  	_ =	shalt  }
0x65: {  	_ =	shalt  }
0x66: {  	_ =	shalt  }
0x67: {  	_ =	shalt  }
0x68: {  	_ =	shalt  }
0x69: {  	_ =	shalt  }
0x6a: {  	_ =	shalt  }
0x6b: {  	_ =	shalt  }
0x6c: {  	_ =	shalt  }
0x6d: {  	_ =	shalt  }
0x6e: {  	_ =	shalt  }
0x6f: {  	_ =	shalt  }
0x70: {  	_ =	shalt  }
0x71: {  	_ =	shalt  }
0x72: {  	_ =	shalt  }
0x73: {  	_ =	shalt  }
0x74: {  	_ =	shalt  }
0x75: {  	_ =	shalt  }
0x76: {  	_ =	shalt  }
0x77: {  	_ =	shalt  }
0x78: {  	_ =	shalt  }
0x79: {  	_ =	shalt  }
0x7a: {  	_ =	shalt  }
0x7b: {  	_ =	shalt  }
0x7c: {  	_ =	shalt  }
0x7d: {  	_ =	shalt  }
0x7e: {  	_ =	shalt  }
0x7f: {  	_ =	shalt  }
0x80: {  	_ =	shalt  }
0x81: {  	_ =	shalt  }
0x82: {  	_ =	shalt  }
0x83: {  	_ =	shalt  }
0x84: {  	_ =	shalt  }
0x85: {  	_ =	shalt  }
0x86: {  	_ =	shalt  }
0x87: {  	_ =	shalt  }
.Lfunc_end0:
.L_simem_size_0:
called_computation_lowered:
.L_overlay_start_0:
0x88: {  	s2 =	sld [smem:$0x3FD9]  }
0x89: {  	s3 =	sld [smem:$0x3FFE];
	_ =	sdelay $0x1  }
0x8a: {  	s1 =	srdreg.scid  }
0x8b: {  	s0 =	sand.u32 $0x1, s1  }
0x8c: {  	s17 =	sshll.u32 s0, $0xA;
	s2 =	sadd.s32 s3, s2  }
0x8d: {  	s2 =	sadd.s32 s2, s17  }
0x8e: {  	[smem:$0x3FC2] =	sst s2  }
0x8f: {  	_ = 	snop  }
0x90: {  	s2 =	sld [smem:$0x3FD0];
	(tm) =	ssettm $0x1  }
0x91: {  	s18 =	sld [smem:$0x3FFB];
	_ =	sdelay $0x3  }
0x92: {  	_ =	strace s18  }
0x93: {  	s3 =	sld [smem:$0x3FFC];
	_ =	sdelay $0x3  }
0x94: {  	_ =	strace s3  }
0x95: {  	s3 =	sld [smem:$0x3FFD];
	_ =	sdelay $0x3  }
0x96: {  	_ =	strace s3  }
0x97: {  	_ =	strace $0x8FFFFFFF  }
0x98: {  	s19 =	sld [smem:$0x3FDB];
	_ =	sdelay $0x1  }
0x99: {  	s4 =	simm.s32 $_scs_section_size  }
0x9a: {  	s5 =	simm.s32 $_size__tile_overlayer_lowered;
	s6 =	simm.s32 $_tile_overlayer_lowered  }
0x9b: {  	s22 =	simm.s32 $0x1BFF;
	s21 =	sshll.u32 s6, $0x1;
	s3 =	sadd.s32 s4, s19  }
0x9c: {  	s7 =	simm.s32 $0x0;
	s20 =	sshll.u32 s5, $0x1;
	s5 =	sadd.s32 s21, s3  }
0x9d: {  	[timem:s7], [sflag:s22] =	dma.local [hbm:s5], s20  }
0x9e: {  	_ =	swait.ge [sflag:s22], s20  }
0x9f: {  	s4 =	ssub.s32 $0x0, s20;
	[sflag:s22] =	ssyncset.done $0x0  }
0xa0: {  	[sflag:s22] =	ssyncadd.s32 s4;
	_ =	sdelay $0x1  }
0xa1: {  	s23 =	simm.s32 $0x1B8B  }
0xa2: {  	_ =	swait.ge [sflag:s23], $0x1  }
0xa3: {  	[sflag:s23] =	ssyncset.done $0x0  }
0xa4: {  	s25 =	simm.s32 $0x1B8E;
	s24 =	sld [smem:$0x3FFE];
	[sflag:s23] =	ssyncadd.s32 $0xFFFFFFFF  }
0xa5: {  	s26 =	simm.s32 $execute0_lowered;
	[smem:$0x3FD2] =	sst s25  }
0xa6: {  	s5 =	sshll.u32 s26, $0x1;
	_ =	strace $0x80000046;
	[dreg:$0x1] =	wrdreg $0xFFFFFFFF  }
0xa7: {  	s28 =	simm.s32 $_size_execute0_lowered;
	s3 =	sadd.s32 s3, s5;
	[dreg:$0x0] =	wrdreg $0x0  }
0xa8: {  	s5 =	sshll.u32 s28, $0x1;
	[dreg:$0x2] =	wrdreg s3  }
0xa9: {  	[dreg:$0x3] =	wrdreg s5  }
0xaa: {  	[dreg:$0x4] =	wrdreg $0xC0  }
0xab: {  	_ =	task [dreg:s7], $0x5FFFF  }
0xac: {  	[dreg:$0x1] =	wrdreg $0xFFFFFFFF  }
0xad: {  	[dreg:$0x0] =	wrdreg $0x60  }
0xae: {  	[dreg:$0x2] =	wrdreg s2  }
0xaf: {  	[dreg:$0x3] =	wrdreg s24  }
0xb0: {  	[dreg:$0x4] =	wrdreg $0x142800  }
0xb1: {  	[dreg:$0x5] =	wrdreg $0x9  }
0xb2: {  	_ =	task.clear_ibuf [dreg:s7], $0x6FFFF;
	_ =	strace $0x90000046  }
0xb3: {  	s29 =	simm.s32 $0x9;
	_ =	strace $0x80000048  }
0xb4: {  	_ =	swait.ge [sflag:s29], $0x1  }
0xb5: {  	[sflag:s29] =	ssyncadd.s32 $0xFFFFFFFF  }
0xb6: {  	_ =	strace $0x90000048  }
0xb7: {  	_ =	sfence  }
0xb8: {  	s30 =	sld [smem:$0x0];
	_ =	sdelay $0x2  }
0xb9: {  	s31 =	sshll.u32 s1, $0xD;
	s1 =	sshrl.u32 s1, $0x2  }
0xba: {  	s3 =	sand.u32 $0x4000, s31;
	s1 =	sadd.s32 s1, s30  }
0xbb: {  	s0 =	sor.u32 s3, s0;
	s1 =	sshll.u32 s1, $0x11  }
0xbc: {  	s0 =	sor.u32 s1, s0  }
0xbd: {  	s0 =	sadd.s32 $0x8F2B, s0  }
0xbe: {  	[sflag:s0] =	ssyncadd.remote.s32 $0x1  }
0xbf: {  	_ =	sfence.sel $0xFFFF  }
0xc0: {  	[dreg:$0x0] =	wrdreg $0xFFFFFFFF;
	(pc) =	sbr.abs _section_cstart, $3  }
0xc1: {  	[dreg:$0x1] =	wrdreg $0xFFFFFFFF  }
0xc2: {  	_ =	task.clear_ibuf [dreg:s7], $0x2FFFF;
	_ =	strace $0x9FFFFFFF  }
0xc3: {  	(tm) =	ssettm $0x7FFFFFFF  }
tec
execute0_lowered:
.L_overlay_start_1:
0x0: {  	(tag) =	ssettag $0x1  }
0x1: {  	s0 =	srdreg.scid;
	s1 =	rddreg [dreg:$0x0]  }
0x2: {  	s2 =	rddreg [dreg:$0x1];
	s9 =	stileid.u32  }
0x3: {  	s3 =	rddreg [dreg:$0x2];
	s16 =	simm.s32 $0x9;
	s17 =	simm.s32 $0x80  }
0x4: {  	s18 =	simm.s32 $0xA280;
	s19 =	simm.s32 $0xC280;
	s20 =	simm.s32 $0x5000  }
0x5: {  	s21 =	simm.s32 $0xA000;
	s28 =	simm.s32 $0x10280;
	s29 =	simm.s32 $0x2  }
0x6: {  	s31 =	simm.s32 $0x5;
	s30 =	simm.s32 $0x7;
	s0 =	sand.u32 $0x1, s0  }
0x7: {  	s7 =	smul.u32 $0xA00, s9;
	s22 =	sadd.s32 $0x21400, s2;
	s4 =	sshll.u32 s0, $0x4  }
0x8: {  	s0 =	ssub.s32 $0x2, s0;
	s5 =	sor.u32 s9, s4;
	s9 =	smul.u32 $0x28000, s9  }
0x9: {  	s4 =	simm.s32 $0x0;
	s7 =	sadd.s32 s7, s2;
	s6 =	smul.u32 $0xA00, s5  }
0xa: {  	s23 =	sshrl.u32 s0, $0x1;
	[smem:$0x7FF] =	sst s4;
	s5 =	smul.u32 $0x50, s5  }
0xb: {  	s0 =	ssub.s32 s0, s23;
	s25 =	sadd.s32 $0x16A00, s7;
	s23 =	simm.s32 $0x8  }
0xc: {  	_ =	strace $0x80000047;
	[dreg:$0x4] =	wrdreg s22;
	s9 =	sshrl.u32 s9, $0x2  }
0xd: {  	[dreg:$0x6] =	wrdreg s25;
	s15 =	smax.u32 s0, $0x1;
	s22 =	simm.s32 $0x12280  }
0xe: {  	s25 =	simm.s32 $0x1;
	s0 =	simm.s32 $0x3;
	s8 =	sadd.s32 s6, s2  }
0xf: {  	s5 =	sadd.s32 s5, s2;
	s6 =	sadd.s32 $0x21800, s2;
	s24 =	sadd.s32 $0x2A00, s8  }
0x10: {  	s2 =	simm.s32 $0x4;
	s26 =	sadd.s32 $0x20A00, s5;
	[dreg:$0x5] =	wrdreg s24  }
0x11: {  	s8 =	sadd.s32 s9, s3;
	s5 =	simm.s32 $0x0;
	[dreg:$0x7] =	wrdreg s26  }
0x12: {  	s11 =	sadd.s32 $0x2000, s8;
	s12 =	sadd.s32 $0x4000, s8;
	s13 =	sadd.s32 $0x6000, s8  }
0x13: {  	s14 =	sadd.s32 $0x8000, s8;
	s24 =	simm.s32 $0xE280;
	s26 =	simm.s32 $0x6  }
.LBB2_1:
0x14: {  	s7 =	rddreg [dreg:$0x5]  }
0x15: {  	[tilespmem:s4], [sflag:$0x9] =	stream.linear.gather [hbm4b:s7+s4], $0x5000, $0x38;
	[tilespmem:$0x1E280] =	vst v63  }
0x16: {  	_ =	swait.ge [sflag:s16], $0x5000  }
0x17: {  	[sflag:s16] =	ssyncset.done $0x0  }
0x18: {  	[sflag:s16] =	ssyncadd.s32 $0xFFFFB000  }
0x19: {  	[tilespmem:s18], [sflag:$0x1] =	stream.indirect.gather [hbm4b:s1+s17], $0x40, s4, s17, $0xb8;
	[tilespmem:$0x1E280] =	vst v63  }
0x1a: {  	_ = 	snop  }
0x1b: {  	[tilespmem:s19], [sflag:$0x2] =	stream.indirect.gather [hbm4b:s1+s17], $0x40, s17, s17, $0xb8;
	[tilespmem:$0x1E280] =	vst v63  }
0x1c: {  	s10 =	rddreg [dreg:$0x6]  }
0x1d: {  	[tilespmem:s20], [sflag:$0x9] =	stream.linear.gather [hbm4b:s10+s4], $0x5000, $0x38;
	[tilespmem:$0x1E280] =	vst v63  }
0x1e: {  	_ =	swait.ge [sflag:s16], $0x5000  }
0x1f: {  	[sflag:s16] =	ssyncset.done $0x0  }
0x20: {  	s9 =	rddreg [dreg:$0x7];
	[sflag:s16] =	ssyncadd.s32 $0xFFFFB000  }
0x21: {  	[tilespmem:s21], [sflag:$0x9] =	stream.linear.gather [hbm4b:s9+s4], $0x280, $0x38;
	[tilespmem:$0x1E280] =	vst v63  }
0x22: {  	_ =	swait.ge [sflag:s16], $0x280  }
0x23: {  	[sflag:s16] =	ssyncset.done $0x0  }
0x24: {  	s10 =	rddreg [dreg:$0x4];
	[sflag:s16] =	ssyncadd.s32 $0xFFFFFD80  }
0x25: {  	[tilespmem:s22], [sflag:$0x9] =	stream.linear.gather [hbm4b:s10+s4], $0x2000, $0x38;
	[tilespmem:$0x1E280] =	vst v63  }
0x26: {  	_ =	swait.ge [sflag:s16], $0x2000  }
0x27: {  	[sflag:s16] =	ssyncset.done $0x0  }
0x28: {  	[sflag:s16] =	ssyncadd.s32 $0xFFFFE000  }
0x29: {  	[spmem:s8] =	stream.linear.scatter [tilespmem:s22], [sflag:$0x9], $0x2000, $0x38;
	[tilespmem:$0x1E280] =	vst v63  }
0x2a: {  	_ =	swait.ge [sflag:s16], $0x2000  }
0x2b: {  	[sflag:s16] =	ssyncset.done $0x0  }
0x2c: {  	[sflag:s16] =	ssyncadd.s32 $0xFFFFE000  }
0x2d: {  	[spmem:s11] =	stream.linear.scatter [tilespmem:s22], [sflag:$0x9], $0x2000, $0x38;
	[tilespmem:$0x1E280] =	vst v63  }
0x2e: {  	_ =	swait.ge [sflag:s16], $0x2000  }
0x2f: {  	[sflag:s16] =	ssyncset.done $0x0  }
0x30: {  	[sflag:s16] =	ssyncadd.s32 $0xFFFFE000  }
0x31: {  	[spmem:s12] =	stream.linear.scatter [tilespmem:s22], [sflag:$0x9], $0x2000, $0x38;
	[tilespmem:$0x1E280] =	vst v63  }
0x32: {  	_ =	swait.ge [sflag:s16], $0x2000  }
0x33: {  	[sflag:s16] =	ssyncset.done $0x0  }
0x34: {  	[sflag:s16] =	ssyncadd.s32 $0xFFFFE000  }
0x35: {  	[spmem:s13] =	stream.linear.scatter [tilespmem:s22], [sflag:$0x9], $0x2000, $0x38;
	[tilespmem:$0x1E280] =	vst v63  }
0x36: {  	_ =	swait.ge [sflag:s16], $0x2000  }
0x37: {  	[sflag:s16] =	ssyncset.done $0x0  }
0x38: {  	[sflag:s16] =	ssyncadd.s32 $0xFFFFE000  }
0x39: {  	[spmem:s14] =	stream.linear.scatter [tilespmem:s22], [sflag:$0x9], $0x2000, $0x38;
	[tilespmem:$0x1E280] =	vst v63  }
0x3a: {  	_ =	swait.ge [sflag:s16], $0x2000  }
0x3b: {  	[sflag:s16] =	ssyncset.done $0x0  }
0x3c: {  	[sflag:s16] =	ssyncadd.s32 $0xFFFFE000  }
0x3d: {  	s9 =	simm.s32 $0x100;
	[bflag:$0x0] =	sbarrier.arrive $0xFFFF  }
0x3e: {  	[tilespmem:s24], [sflag:$0x3] =	stream.indirect.gather [hbm4b:s1+s17], $0x40, s9, s17, $0xb8;
	[tilespmem:$0x1E280] =	vst v63  }
0x3f: {  	_ =	swait.ge [sflag:s25], $0x2000  }
0x40: {  	[sflag:s25] =	ssyncset.done $0x0  }
0x41: {  	[sflag:s25] =	ssyncadd.s32 $0xFFFFE000  }
0x42: {  	[spmem:s3] =	stream.indirect.scatter.add.f32 [tilespmem:s18], [sflag:$0x5], $0x40, s20, s17, $0xb8;
	[tilespmem:$0x1E280] =	vst v63  }
0x43: {  	s10 =	simm.s32 $0x180  }
0x44: {  	[tilespmem:s28], [sflag:$0x4] =	stream.indirect.gather [hbm4b:s1+s17], $0x40, s10, s17, $0xb8;
	[tilespmem:$0x1E280] =	vst v63  }
0x45: {  	_ =	swait.ge [sflag:s29], $0x2000  }
0x46: {  	[sflag:s29] =	ssyncset.done $0x0  }
0x47: {  	s9 =	simm.s32 $0x5080;
	[sflag:s29] =	ssyncadd.s32 $0xFFFFE000  }
0x48: {  	[spmem:s3] =	stream.indirect.scatter.add.f32 [tilespmem:s19], [sflag:$0x6], $0x40, s9, s17, $0xb8;
	[tilespmem:$0x1E280] =	vst v63  }
0x49: {  	_ =	swait.ge [sflag:s31], $0x2000  }
0x4a: {  	[sflag:s31] =	ssyncset.done $0x0  }
0x4b: {  	s10 =	simm.s32 $0x200;
	[sflag:s31] =	ssyncadd.s32 $0xFFFFE000  }
0x4c: {  	[tilespmem:s18], [sflag:$0x1] =	stream.indirect.gather [hbm4b:s1+s17], $0x40, s10, s17, $0xb8;
	[tilespmem:$0x1E280] =	vst v63  }
0x4d: {  	_ =	swait.ge [sflag:s0], $0x2000  }
0x4e: {  	[sflag:s0] =	ssyncset.done $0x0  }
0x4f: {  	s9 =	simm.s32 $0x5100;
	[sflag:s0] =	ssyncadd.s32 $0xFFFFE000  }
0x50: {  	[spmem:s3] =	stream.indirect.scatter.add.f32 [tilespmem:s24], [sflag:$0x7], $0x40, s9, s17, $0xb8;
	[tilespmem:$0x1E280] =	vst v63  }
0x51: {  	_ =	swait.ge [sflag:s26], $0x2000  }
0x52: {  	[sflag:s26] =	ssyncset.done $0x0  }
0x53: {  	s10 =	simm.s32 $0x280;
	[sflag:s26] =	ssyncadd.s32 $0xFFFFE000  }
0x54: {  	[tilespmem:s19], [sflag:$0x2] =	stream.indirect.gather [hbm4b:s1+s17], $0x40, s10, s17, $0xb8;
	[tilespmem:$0x1E280] =	vst v63  }
0x55: {  	_ =	swait.ge [sflag:s2], $0x2000  }
0x56: {  	[sflag:s2] =	ssyncset.done $0x0  }
0x57: {  	s9 =	simm.s32 $0x5180;
	[sflag:s2] =	ssyncadd.s32 $0xFFFFE000  }
0x58: {  	[spmem:s3] =	stream.indirect.scatter.add.f32 [tilespmem:s28], [sflag:$0x8], $0x40, s9, s17, $0xb8;
	[tilespmem:$0x1E280] =	vst v63  }
0x59: {  	_ =	swait.ge [sflag:s30], $0x2000  }
0x5a: {  	[sflag:s30] =	ssyncset.done $0x0  }
0x5b: {  	s10 =	simm.s32 $0x300;
	[sflag:s30] =	ssyncadd.s32 $0xFFFFE000  }
0x5c: {  	[tilespmem:s24], [sflag:$0x3] =	stream.indirect.gather [hbm4b:s1+s17], $0x40, s10, s17, $0xb8;
	[tilespmem:$0x1E280] =	vst v63  }
0x5d: {  	_ =	swait.ge [sflag:s25], $0x2000  }
0x5e: {  	[sflag:s25] =	ssyncset.done $0x0  }
0x5f: {  	s9 =	simm.s32 $0x5200;
	[sflag:s25] =	ssyncadd.s32 $0xFFFFE000  }
0x60: {  	[spmem:s3] =	stream.indirect.scatter.add.f32 [tilespmem:s18], [sflag:$0x5], $0x40, s9, s17, $0xb8;
	[tilespmem:$0x1E280] =	vst v63  }
0x61: {  	_ =	swait.ge [sflag:s23], $0x2000  }
0x62: {  	[sflag:s23] =	ssyncset.done $0x0  }
0x63: {  	s10 =	simm.s32 $0x380;
	[sflag:s23] =	ssyncadd.s32 $0xFFFFE000  }
0x64: {  	[tilespmem:s28], [sflag:$0x4] =	stream.indirect.gather [hbm4b:s1+s17], $0x40, s10, s17, $0xb8;
	[tilespmem:$0x1E280] =	vst v63  }
0x65: {  	_ =	swait.ge [sflag:s29], $0x2000  }
0x66: {  	[sflag:s29] =	ssyncset.done $0x0  }
0x67: {  	s9 =	simm.s32 $0x5280;
	[sflag:s29] =	ssyncadd.s32 $0xFFFFE000  }
0x68: {  	[spmem:s3] =	stream.indirect.scatter.add.f32 [tilespmem:s19], [sflag:$0x6], $0x40, s9, s17, $0xb8;
	[tilespmem:$0x1E280] =	vst v63  }
0x69: {  	_ =	swait.ge [sflag:s31], $0x2000  }
0x6a: {  	[sflag:s31] =	ssyncset.done $0x0  }
0x6b: {  	s10 =	simm.s32 $0x400;
	[sflag:s31] =	ssyncadd.s32 $0xFFFFE000  }
0x6c: {  	[tilespmem:s18], [sflag:$0x1] =	stream.indirect.gather [hbm4b:s1+s17], $0x40, s10, s17, $0xb8;
	[tilespmem:$0x1E280] =	vst v63  }
0x6d: {  	_ =	swait.ge [sflag:s0], $0x2000  }
0x6e: {  	[sflag:s0] =	ssyncset.done $0x0  }
0x6f: {  	s9 =	simm.s32 $0x5300;
	[sflag:s0] =	ssyncadd.s32 $0xFFFFE000  }
0x70: {  	[spmem:s3] =	stream.indirect.scatter.add.f32 [tilespmem:s24], [sflag:$0x7], $0x40, s9, s17, $0xb8;
	[tilespmem:$0x1E280] =	vst v63  }
0x71: {  	_ =	swait.ge [sflag:s26], $0x2000  }
0x72: {  	[sflag:s26] =	ssyncset.done $0x0  }
0x73: {  	s10 =	simm.s32 $0x480;
	[sflag:s26] =	ssyncadd.s32 $0xFFFFE000  }
0x74: {  	[tilespmem:s19], [sflag:$0x2] =	stream.indirect.gather [hbm4b:s1+s17], $0x40, s10, s17, $0xb8;
	[tilespmem:$0x1E280] =	vst v63  }
0x75: {  	_ =	swait.ge [sflag:s2], $0x2000  }
0x76: {  	[sflag:s2] =	ssyncset.done $0x0  }
0x77: {  	s7 =	simm.s32 $0x800;
	s9 =	simm.s32 $0x5380;
	[sflag:s2] =	ssyncadd.s32 $0xFFFFE000  }
.LBB2_2:
0x78: {  	[spmem:s3] =	stream.indirect.scatter.add.f32 [tilespmem:s28], [sflag:$0x8], $0x40, s9, s17, $0xb8;
	[tilespmem:$0x1E280] =	vst v63  }
0x79: {  	s9 =	smov.u32 s7  }
0x7a: {  	p0 =	sne.s32 s7, $0x12800;
	s7 =	sadd.s32 $0x800, s7;
	_ =	swait.ge [sflag:s30], $0x2000  }
0x7b: {  	s9 =	sshra.s32 s9, $0x2;
	[sflag:s30] =	ssyncset.done $0x0  }
0x7c: {  	s10 =	sadd.s32 $0x300, s9;
	[sflag:s30] =	ssyncadd.s32 $0xFFFFE000  }
0x7d: {  	[tilespmem:s24], [sflag:$0x3] =	stream.indirect.gather [hbm4b:s1+s17], $0x40, s10, s17, $0xb8;
	[tilespmem:$0x1E280] =	vst v63  }
0x7e: {  	_ =	swait.ge [sflag:s25], $0x2000  }
0x7f: {  	[sflag:s25] =	ssyncset.done $0x0  }
0x80: {  	s10 =	sadd.s32 $0x5200, s9;
	[sflag:s25] =	ssyncadd.s32 $0xFFFFE000  }
0x81: {  	[spmem:s3] =	stream.indirect.scatter.add.f32 [tilespmem:s18], [sflag:$0x5], $0x40, s10, s17, $0xb8;
	[tilespmem:$0x1E280] =	vst v63  }
0x82: {  	_ =	swait.ge [sflag:s23], $0x2000  }
0x83: {  	[sflag:s23] =	ssyncset.done $0x0  }
0x84: {  	s10 =	sadd.s32 $0x380, s9;
	[sflag:s23] =	ssyncadd.s32 $0xFFFFE000  }
0x85: {  	[tilespmem:s28], [sflag:$0x4] =	stream.indirect.gather [hbm4b:s1+s17], $0x40, s10, s17, $0xb8;
	[tilespmem:$0x1E280] =	vst v63  }
0x86: {  	_ =	swait.ge [sflag:s29], $0x2000  }
0x87: {  	[sflag:s29] =	ssyncset.done $0x0  }
0x88: {  	s10 =	sadd.s32 $0x5280, s9;
	[sflag:s29] =	ssyncadd.s32 $0xFFFFE000  }
0x89: {  	[spmem:s3] =	stream.indirect.scatter.add.f32 [tilespmem:s19], [sflag:$0x6], $0x40, s10, s17, $0xb8;
	[tilespmem:$0x1E280] =	vst v63  }
0x8a: {  	_ =	swait.ge [sflag:s31], $0x2000  }
0x8b: {  	[sflag:s31] =	ssyncset.done $0x0  }
0x8c: {  	s10 =	sadd.s32 $0x400, s9;
	[sflag:s31] =	ssyncadd.s32 $0xFFFFE000  }
0x8d: {  	[tilespmem:s18], [sflag:$0x1] =	stream.indirect.gather [hbm4b:s1+s17], $0x40, s10, s17, $0xb8;
	[tilespmem:$0x1E280] =	vst v63  }
0x8e: {  	_ =	swait.ge [sflag:s0], $0x2000  }
0x8f: {  	[sflag:s0] =	ssyncset.done $0x0  }
0x90: {  	s10 =	sadd.s32 $0x5300, s9;
	[sflag:s0] =	ssyncadd.s32 $0xFFFFE000  }
0x91: {  	[spmem:s3] =	stream.indirect.scatter.add.f32 [tilespmem:s24], [sflag:$0x7], $0x40, s10, s17, $0xb8;
	[tilespmem:$0x1E280] =	vst v63  }
0x92: {  	_ =	swait.ge [sflag:s26], $0x2000  }
0x93: {  	[sflag:s26] =	ssyncset.done $0x0  }
.Ltmp0:
0x94: {  	s10 =	sadd.s32 $0x480, s9;
	[sflag:s26] =	ssyncadd.s32 $0xFFFFE000;
	(pc) =	sbr.rel @p0 .LBB2_2-.Ltmp0, $4  }
0x95: {  	[tilespmem:s19], [sflag:$0x2] =	stream.indirect.gather [hbm4b:s1+s17], $0x40, s10, s17, $0xb8;
	[tilespmem:$0x1E280] =	vst v63  }
0x96: {  	_ =	swait.ge [sflag:s2], $0x2000  }
0x97: {  	[sflag:s2] =	ssyncset.done $0x0  }
0x98: {  	s9 =	sadd.s32 $0x5380, s9;
	[sflag:s2] =	ssyncadd.s32 $0xFFFFE000  }
0x99: {  	[spmem:s3] =	stream.indirect.scatter.add.f32 [tilespmem:s28], [sflag:$0x8], $0x40, s9, s17, $0xb8;
	[tilespmem:$0x1E280] =	vst v63  }
0x9a: {  	_ =	swait.ge [sflag:s30], $0x2000  }
0x9b: {  	[sflag:s30] =	ssyncset.done $0x0  }
0x9c: {  	s7 =	simm.s32 $0x4F00;
	[sflag:s30] =	ssyncadd.s32 $0xFFFFE000  }
0x9d: {  	[tilespmem:s24], [sflag:$0x3] =	stream.indirect.gather [hbm4b:s1+s17], $0x40, s7, s17, $0xb8;
	[tilespmem:$0x1E280] =	vst v63  }
0x9e: {  	_ =	swait.ge [sflag:s25], $0x2000  }
0x9f: {  	[sflag:s25] =	ssyncset.done $0x0  }
0xa0: {  	s10 =	simm.s32 $0x9E00;
	[sflag:s25] =	ssyncadd.s32 $0xFFFFE000  }
0xa1: {  	[spmem:s3] =	stream.indirect.scatter.add.f32 [tilespmem:s18], [sflag:$0x5], $0x40, s10, s17, $0xb8;
	[tilespmem:$0x1E280] =	vst v63  }
0xa2: {  	_ =	swait.ge [sflag:s23], $0x2000  }
0xa3: {  	[sflag:s23] =	ssyncset.done $0x0  }
0xa4: {  	s9 =	simm.s32 $0x4F80;
	[sflag:s23] =	ssyncadd.s32 $0xFFFFE000  }
0xa5: {  	[tilespmem:s28], [sflag:$0x4] =	stream.indirect.gather [hbm4b:s1+s17], $0x40, s9, s17, $0xb8;
	[tilespmem:$0x1E280] =	vst v63  }
0xa6: {  	_ =	swait.ge [sflag:s29], $0x2000  }
0xa7: {  	[sflag:s29] =	ssyncset.done $0x0  }
0xa8: {  	s10 =	simm.s32 $0x9E80;
	[sflag:s29] =	ssyncadd.s32 $0xFFFFE000  }
0xa9: {  	[spmem:s3] =	stream.indirect.scatter.add.f32 [tilespmem:s19], [sflag:$0x6], $0x40, s10, s17, $0xb8;
	[tilespmem:$0x1E280] =	vst v63  }
0xaa: {  	_ =	swait.ge [sflag:s0], $0x2000  }
0xab: {  	[sflag:s0] =	ssyncset.done $0x0  }
0xac: {  	s9 =	simm.s32 $0x9F00;
	[sflag:s0] =	ssyncadd.s32 $0xFFFFE000  }
0xad: {  	[spmem:s3] =	stream.indirect.scatter.add.f32 [tilespmem:s24], [sflag:$0x7], $0x40, s9, s17, $0xb8;
	[tilespmem:$0x1E280] =	vst v63  }
0xae: {  	_ =	swait.ge [sflag:s2], $0x2000  }
0xaf: {  	[sflag:s2] =	ssyncset.done $0x0  }
0xb0: {  	s10 =	simm.s32 $0x9F80;
	[sflag:s2] =	ssyncadd.s32 $0xFFFFE000  }
0xb1: {  	[spmem:s3] =	stream.indirect.scatter.add.f32 [tilespmem:s28], [sflag:$0x8], $0x40, s10, s17, $0xb8;
	[tilespmem:$0x1E280] =	vst v63  }
0xb2: {  	_ =	swait.ge [sflag:s31], $0x2000  }
0xb3: {  	[sflag:s31] =	ssyncset.done $0x0  }
0xb4: {  	[sflag:s31] =	ssyncadd.s32 $0xFFFFE000  }
0xb5: {  	_ =	swait.ge [sflag:s26], $0x2000  }
0xb6: {  	[sflag:s26] =	ssyncset.done $0x0  }
0xb7: {  	[sflag:s26] =	ssyncadd.s32 $0xFFFFE000  }
0xb8: {  	_ =	swait.ge [sflag:s30], $0x2000  }
0xb9: {  	[sflag:s30] =	ssyncset.done $0x0  }
0xba: {  	[sflag:s30] =	ssyncadd.s32 $0xFFFFE000  }
0xbb: {  	_ =	swait.ge [sflag:s23], $0x2000  }
0xbc: {  	[sflag:s23] =	ssyncset.done $0x0  }
0xbd: {  	[sflag:s23] =	ssyncadd.s32 $0xFFFFE000  }
0xbe: {  	[bflag:$0x0] =	sbarrier.arrive $0xFFFF  }
0xbf: {  	[tilespmem:s18], [sflag:$0x1] =	stream.linear.gather [spmem:s8], $0x2000, $0x38;
	[tilespmem:$0x1E280] =	vst v63  }
0xc0: {  	_ = 	snop  }
0xc1: {  	[tilespmem:s19], [sflag:$0x2] =	stream.linear.gather [spmem:s11], $0x2000, $0x38;
	[tilespmem:$0x1E280] =	vst v63  }
0xc2: {  	_ = 	snop  }
0xc3: {  	[tilespmem:s24], [sflag:$0x3] =	stream.linear.gather [spmem:s12], $0x2000, $0x38;
	[tilespmem:$0x1E280] =	vst v63  }
0xc4: {  	_ = 	snop  }
0xc5: {  	[tilespmem:s28], [sflag:$0x4] =	stream.linear.gather [spmem:s13], $0x2000, $0x38;
	[tilespmem:$0x1E280] =	vst v63  }
0xc6: {  	_ = 	snop  }
0xc7: {  	[tilespmem:s22], [sflag:$0x5] =	stream.linear.gather [spmem:s14], $0x2000, $0x38;
	[tilespmem:$0x1E280] =	vst v63  }
0xc8: {  	_ =	swait.ge [sflag:s25], $0x2000  }
0xc9: {  	[sflag:s25] =	ssyncset.done $0x0  }
0xca: {  	[sflag:s25] =	ssyncadd.s32 $0xFFFFE000  }
0xcb: {  	[hbm4b:s6+s17] =	stream.indirect.scatter [tilespmem:s18], [sflag:$0x6], $0x40, s21, s17, $0xb8;
	[tilespmem:$0x1E280] =	vst v63  }
0xcc: {  	_ =	swait.ge [sflag:s29], $0x2000  }
0xcd: {  	[sflag:s29] =	ssyncset.done $0x0  }
0xce: {  	s9 =	simm.s32 $0xA080;
	[sflag:s29] =	ssyncadd.s32 $0xFFFFE000  }
0xcf: {  	[hbm4b:s6+s17] =	stream.indirect.scatter [tilespmem:s19], [sflag:$0x7], $0x40, s9, s17, $0xb8;
	[tilespmem:$0x1E280] =	vst v63  }
0xd0: {  	_ =	swait.ge [sflag:s0], $0x2000  }
0xd1: {  	[sflag:s0] =	ssyncset.done $0x0  }
0xd2: {  	s10 =	simm.s32 $0xA100;
	[sflag:s0] =	ssyncadd.s32 $0xFFFFE000  }
0xd3: {  	[hbm4b:s6+s17] =	stream.indirect.scatter [tilespmem:s24], [sflag:$0x8], $0x40, s10, s17, $0xb8;
	[tilespmem:$0x1E280] =	vst v63  }
0xd4: {  	_ =	swait.ge [sflag:s2], $0x2000  }
0xd5: {  	[sflag:s2] =	ssyncset.done $0x0  }
0xd6: {  	s9 =	simm.s32 $0xA180;
	[sflag:s2] =	ssyncadd.s32 $0xFFFFE000  }
0xd7: {  	[hbm4b:s6+s17] =	stream.indirect.scatter [tilespmem:s28], [sflag:$0x1], $0x40, s9, s17, $0xb8;
	[tilespmem:$0x1E280] =	vst v63  }
0xd8: {  	_ =	swait.ge [sflag:s31], $0x2000  }
0xd9: {  	[sflag:s31] =	ssyncset.done $0x0  }
0xda: {  	s10 =	simm.s32 $0xA200;
	[sflag:s31] =	ssyncadd.s32 $0xFFFFE000  }
0xdb: {  	[hbm4b:s6+s17] =	stream.indirect.scatter [tilespmem:s22], [sflag:$0x2], $0x40, s10, s17, $0xb8;
	[tilespmem:$0x1E280] =	vst v63  }
0xdc: {  	_ =	swait.ge [sflag:s26], $0x2000  }
0xdd: {  	[sflag:s26] =	ssyncset.done $0x0  }
0xde: {  	[sflag:s26] =	ssyncadd.s32 $0xFFFFE000  }
0xdf: {  	_ =	swait.ge [sflag:s30], $0x2000  }
0xe0: {  	[sflag:s30] =	ssyncset.done $0x0  }
0xe1: {  	[sflag:s30] =	ssyncadd.s32 $0xFFFFE000  }
0xe2: {  	_ =	swait.ge [sflag:s23], $0x2000  }
0xe3: {  	[sflag:s23] =	ssyncset.done $0x0  }
0xe4: {  	s5 =	sadd.s32 $0x1, s5;
	[sflag:s23] =	ssyncadd.s32 $0xFFFFE000  }
0xe5: {  	p0 =	sne.s32 s5, s15;
	_ =	swait.ge [sflag:s25], $0x2000  }
.Ltmp1:
0xe6: {  	[sflag:s25] =	ssyncset.done $0x0;
	(pc) =	sbr.rel @p0 .LBB2_1-.Ltmp1, $4  }
0xe7: {  	[sflag:s25] =	ssyncadd.s32 $0xFFFFE000  }
0xe8: {  	_ =	swait.ge [sflag:s29], $0x2000  }
0xe9: {  	[sflag:s29] =	ssyncset.done $0x0  }
0xea: {  	[sflag:s29] =	ssyncadd.s32 $0xFFFFE000  }
0xeb: {  	_ =	sfence.sel $0x180000  }
0xec: {  	[bflag:$0x0] =	sbarrier.arrive $0xFFFF  }
0xed: {  	_ =	strace $0x90000047  }
0xee: {  	s0 =	stileid.u32;
	[bflag:$0x2] =	sbarrier.arrive $0xFFFF  }
0xef: {  	p0 =	sne.s32 s0, $0x0;
	s0 =	rddreg [dreg:$0x3]  }
0xf0: {  	s0 =	sadd.s32 @!p0 $0x100000, s0  }
0xf1: {  	[sflag:s0] =	ssyncadd.tile.s32 @!p0 $0x1;
	_ =	shalt  }
.Lfunc_end2:
_tile_overlayer_lowered:
.L_overlay_start_2:
0xf2: {  	(tag) =	ssettag $0x2  }
0xf3: {  	s0 =	rddreg [dreg:$0x0];
	s2 =	stileid.u32  }
0xf4: {  	s1 =	rddreg [dreg:$0x1];
	p0 =	sne.s32 s2, $0x0  }
0xf5: {  	s3 =	rddreg [dreg:$0x2];
	[bflag:$0x3] =	sbarrier.arrive $0xFFFF;
	s2 =	simm.s32 @!p0 $0x1C09  }
0xf6: {  	[timem:s3], [sflag:s2] =	dma.local @!p0 [hbm:s0], s1  }
0xf7: {  	s0 =	simm.s32 @!p0 $0x9  }
0xf8: {  	_ =	swait.ge @!p0 [sflag:s0], s1  }
0xf9: {  	s1 =	ssub.s32 @!p0 $0x0, s1;
	[sflag:s0] =	ssyncset.done @!p0 $0x0  }
0xfa: {  	[sflag:s0] =	ssyncadd.s32 @!p0 s1  }
0xfb: {  	[bflag:$0x3] =	sbarrier.arrive $0xFFFF  }
0xfc: {  	_ =	shalt  }

</sc_bundles>
